<compile_context>
chip_gen: v7x
topology: tpu7x:2x2x1
jax: 0.10.2.dev20260603
libtpu: 0.0.44.dev20260713+nightly
codegen_flags: <defaults>
</compile_context>

<pallas_src>
import jax
import jax.numpy as jnp
from jax import lax
from jax.experimental import pallas as pl
from jax.experimental.pallas import tpu as pltpu
from jax.experimental.pallas import tpu_sc as plsc

N = 10000
E = 320000
IN_CH = 128
HID = 64
G = 128

NC = 2
NS = 16
NW = NC * NS

NPAD = 10240
EPAD = 327680
EPW = EPAD // NW
CH = 128
NCHUNK = EPW // CH
SLAB = NPAD // NS

BN = 512
NBLK = NPAD // BN
NBUF = 8

_mesh = plsc.VectorSubcoreMesh(core_axis_name="c", subcore_axis_name="s")


def _deg_body(ei_hbm, out_hbm, dst_v, deg_v):
    c = lax.axis_index("c")
    s = lax.axis_index("s")
    wid = c * NS + s

    def zero(i, carry):
        deg_v[pl.ds(i * 16, 16)] = jnp.zeros((16,), jnp.float32)
        return carry

    lax.fori_loop(0, NPAD // 16, zero, 0)

    pltpu.sync_copy(ei_hbm.at[1, wid], dst_v)

    ones = jnp.ones((16,), jnp.float32)

    def acc(j, carry):
        dvec = dst_v[j // 8, pl.ds((j % 8) * 16, 16)]
        plsc.addupdate_scatter(deg_v, [dvec], ones)
        return carry

    lax.fori_loop(0, EPW // 16, acc, 0)

    pltpu.sync_copy(deg_v, out_hbm.at[wid])


_deg_call = pl.kernel(
    _deg_body,
    out_type=jax.ShapeDtypeStruct((NW, NPAD), jnp.float32),
    mesh=_mesh,
    compiler_params=pltpu.CompilerParams(needs_layout_passes=False,
                                         skip_device_barrier=True),
    scratch_types=[
        pltpu.VMEM((NCHUNK, CH), jnp.int32),
        pltpu.VMEM((NPAD,), jnp.float32),
    ],
)


def _agg_body(ei_hbm, hp_hbm, out_hbm, sidx_v, didx_v, *scr):
    rows = scr[:NBUF]
    sg = scr[NBUF + 1:2 * NBUF + 1]
    ss = scr[2 * NBUF + 1:]
    acc_sh = scr[NBUF]
    c = lax.axis_index("c")
    s = lax.axis_index("s")
    wid = c * NS + s

    pltpu.sync_copy(ei_hbm.at[0, wid], sidx_v)
    pltpu.sync_copy(ei_hbm.at[1, wid], didx_v)

    def zrow(i, carry):
        rows[0][i // 4, pl.ds((i % 4) * 16, 16)] = jnp.zeros(
            (16,), jnp.float32)
        return carry

    lax.fori_loop(0, CH * HID // 16, zrow, 0)
    for i in range(SLAB // CH):
        pltpu.sync_copy(rows[0], acc_sh.at[pl.ds(s * SLAB + i * CH, CH)])
    plsc.subcore_barrier()

    for b in range(NBUF):
        pltpu.async_copy(hp_hbm.at[sidx_v.at[b]], rows[b], sg[b])

    def group(p, carry):
        k = NBUF * p
        for b in range(NBUF):
            pltpu.make_async_copy(hp_hbm.at[sidx_v.at[k]], rows[b],
                                  sg[b]).wait()
            pltpu.async_copy(rows[b], acc_sh.at[didx_v.at[k + b]], ss[b],
                             add=True)
        for b in range(NBUF):
            pltpu.make_async_copy(rows[b], acc_sh.at[didx_v.at[k]],
                                  ss[b]).wait()
            pltpu.async_copy(
                hp_hbm.at[sidx_v.at[lax.rem(k + NBUF + b, NCHUNK)]],
                rows[b], sg[b])
        return carry

    lax.fori_loop(0, NCHUNK // NBUF, group, 0)

    for b in range(NBUF):
        pltpu.make_async_copy(hp_hbm.at[sidx_v.at[b]], rows[b], sg[b]).wait()

    plsc.subcore_barrier()
    pltpu.sync_copy(acc_sh.at[pl.ds(s * SLAB, SLAB)],
                    out_hbm.at[c, pl.ds(s * SLAB, SLAB)])


_agg_call = pl.kernel(
    _agg_body,
    out_type=jax.ShapeDtypeStruct((NC, NPAD, HID), jnp.float32),
    mesh=_mesh,
    compiler_params=pltpu.CompilerParams(needs_layout_passes=False,
                                         use_tc_tiling_on_sc=False,
                                         skip_device_barrier=True),
    scratch_types=(
        [pltpu.VMEM((NCHUNK, CH), jnp.int32)] * 2
        + [pltpu.VMEM((CH, HID), jnp.float32)] * NBUF
        + [pltpu.VMEM_SHARED((NPAD, HID), jnp.float32)]
        + [pltpu.SemaphoreType.DMA] * (2 * NBUF)
    ),
)


def _tca_body(parts_ref, x_ref, w1_ref, hp_ref, dis_ref):
    deg = jnp.sum(parts_ref[...], axis=0) + 1.0
    dis = lax.rsqrt(deg)
    h = jnp.dot(x_ref[...], w1_ref[...], preferred_element_type=jnp.float32)
    hp_ref[...] = h * dis[:, None]
    dis_ref[...] = dis[:, None]


_tca_call = pl.pallas_call(
    _tca_body,
    grid=(NBLK,),
    in_specs=[
        pl.BlockSpec((NW, BN), lambda i: (0, i)),
        pl.BlockSpec((BN, IN_CH), lambda i: (i, 0)),
        pl.BlockSpec((IN_CH, HID), lambda i: (0, 0)),
    ],
    out_specs=[
        pl.BlockSpec((BN, HID), lambda i: (i, 0)),
        pl.BlockSpec((BN, 1), lambda i: (i, 0)),
    ],
    out_shape=[
        jax.ShapeDtypeStruct((NPAD, HID), jnp.float32),
        jax.ShapeDtypeStruct((NPAD, 1), jnp.float32),
    ],
    compiler_params=pltpu.CompilerParams(skip_device_barrier=True),
)


def _tcb_body(acc_ref, hp_ref, dis_ref, b1_ref, w2_ref, hp2_ref):
    a = acc_ref[0] + acc_ref[1]
    h1 = jnp.maximum((a + hp_ref[...]) * dis_ref[...] + b1_ref[...], 0.0)
    h2 = jnp.dot(h1, w2_ref[...], preferred_element_type=jnp.float32)
    hp2_ref[...] = h2 * dis_ref[...]


_tcb_call = pl.pallas_call(
    _tcb_body,
    grid=(NBLK,),
    in_specs=[
        pl.BlockSpec((NC, BN, HID), lambda i: (0, i, 0)),
        pl.BlockSpec((BN, HID), lambda i: (i, 0)),
        pl.BlockSpec((BN, 1), lambda i: (i, 0)),
        pl.BlockSpec((1, HID), lambda i: (0, 0)),
        pl.BlockSpec((HID, HID), lambda i: (0, 0)),
    ],
    out_specs=pl.BlockSpec((BN, HID), lambda i: (i, 0)),
    out_shape=jax.ShapeDtypeStruct((NPAD, HID), jnp.float32),
    compiler_params=pltpu.CompilerParams(skip_device_barrier=True),
)


def _tcc_body(acc_ref, hp2_ref, dis_ref, b2_ref, batch_ref, wl_ref, bl_ref,
              out_ref, sum_scr, cnt_scr):
    i = pl.program_id(0)

    @pl.when(i == 0)
    def _():
        sum_scr[...] = jnp.zeros_like(sum_scr)
        cnt_scr[...] = jnp.zeros_like(cnt_scr)

    a = acc_ref[0] + acc_ref[1]
    h2 = jnp.maximum((a + hp2_ref[...]) * dis_ref[...] + b2_ref[...], 0.0)
    b = batch_ref[0, 0]
    gids = lax.broadcasted_iota(jnp.int32, (G, BN), 0)
    onehot = (gids == b[None, :]).astype(jnp.float32)
    sum_scr[...] += jnp.dot(onehot, h2, preferred_element_type=jnp.float32, precision=lax.Precision.HIGHEST)
    cnt_scr[...] += jnp.dot(onehot, jnp.ones((BN, HID), jnp.float32),
                            preferred_element_type=jnp.float32, precision=lax.Precision.HIGHEST)

    @pl.when(i == NBLK - 1)
    def _():
        pooled = sum_scr[...] / jnp.maximum(cnt_scr[...], 1.0)
        out_ref[...] = (jnp.dot(pooled, wl_ref[...],
                                preferred_element_type=jnp.float32)
                        + bl_ref[...])


_tcc_call = pl.pallas_call(
    _tcc_body,
    grid=(NBLK,),
    in_specs=[
        pl.BlockSpec((NC, BN, HID), lambda i: (0, i, 0)),
        pl.BlockSpec((BN, HID), lambda i: (i, 0)),
        pl.BlockSpec((BN, 1), lambda i: (i, 0)),
        pl.BlockSpec((1, HID), lambda i: (0, 0)),
        pl.BlockSpec((1, 1, BN), lambda i: (i, 0, 0)),
        pl.BlockSpec((HID, 1), lambda i: (0, 0)),
        pl.BlockSpec((1, 1), lambda i: (0, 0)),
    ],
    out_specs=pl.BlockSpec((G, 1), lambda i: (0, 0)),
    out_shape=jax.ShapeDtypeStruct((G, 1), jnp.float32),
    scratch_shapes=[
        pltpu.VMEM((G, HID), jnp.float32),
        pltpu.VMEM((G, HID), jnp.float32),
    ],
    compiler_params=pltpu.CompilerParams(skip_device_barrier=True),
)


@jax.jit
def kernel(x, edge_index, batch, W1, b1, W2, b2, Wl, bl):
    pad_i = jnp.arange(EPAD - E, dtype=jnp.int32)
    ei_p = jnp.concatenate(
        [edge_index.astype(jnp.int32),
         jnp.stack([pad_i % N, N + pad_i % (NPAD - N)])],
        axis=1).reshape(2, NW, NCHUNK, CH)
    x_p = jnp.concatenate([x, jnp.zeros((NPAD - N, IN_CH), jnp.float32)])
    batch_p = jnp.concatenate(
        [batch.astype(jnp.int32), jnp.full((NPAD - N,), G, jnp.int32)]
    ).reshape(NBLK, 1, BN)

    deg_parts = _deg_call(ei_p)
    hp, dis = _tca_call(deg_parts, x_p, W1)
    acc1 = _agg_call(ei_p, hp)
    hp2 = _tcb_call(acc1, hp, dis, b1.reshape(1, HID), W2)
    acc2 = _agg_call(ei_p, hp2)
    out = _tcc_call(acc2, hp2, dis, b2.reshape(1, HID), batch_p,
                    Wl, bl.reshape(1, 1))
    return out

# --- scband reference (transcript-rebuilt; emitter-appended) ---
"""Pipeline reference for scband-dummy-gnn-53094385713627 (READ-ONLY COPY).

The authoritative reference and input builder live on the scoring server;
editing this copy changes nothing except your own understanding.
"""

import jax, jax.numpy as jnp
import numpy as np

N_NODES = 10000
N_EDGES = 320000
IN_CH = 128
HID_CH = 64
N_GRAPHS = 128


def setup_inputs(seed: int = 0) -> dict:
    key = jax.random.key(seed)
    ks = jax.random.split(key, 10)
    x = jax.random.normal(ks[0], (N_NODES, IN_CH), dtype=jnp.float32)
    edge_index = jax.random.randint(ks[1], (2, N_EDGES), 0, N_NODES, dtype=jnp.int64 if jax.config.jax_enable_x64 else jnp.int32)
    batch = jnp.sort(jax.random.randint(ks[2], (N_NODES,), 0, N_GRAPHS, dtype=jnp.int64 if jax.config.jax_enable_x64 else jnp.int32))
    # GCNConv weights (glorot-ish init)
    W1 = jax.random.normal(ks[3], (IN_CH, HID_CH), dtype=jnp.float32) * (1.0 / np.sqrt(IN_CH))
    b1 = jnp.zeros((HID_CH,), dtype=jnp.float32)
    W2 = jax.random.normal(ks[4], (HID_CH, HID_CH), dtype=jnp.float32) * (1.0 / np.sqrt(HID_CH))
    b2 = jnp.zeros((HID_CH,), dtype=jnp.float32)
    Wl = jax.random.normal(ks[5], (HID_CH, 1), dtype=jnp.float32) * (1.0 / np.sqrt(HID_CH))
    bl = jnp.zeros((1,), dtype=jnp.float32)
    return {"x": x, "edge_index": edge_index, "batch": batch,
            "W1": W1, "b1": b1, "W2": W2, "b2": b2, "Wl": Wl, "bl": bl}


def gcn_conv(x, edge_index, W, b, num_nodes):
    # GCN: D^{-1/2} (A + I) D^{-1/2} X W + b  (symmetric normalization w/ self-loops)
    loop = jnp.arange(num_nodes, dtype=edge_index.dtype)
    src = jnp.concatenate([edge_index[0], loop])
    dst = jnp.concatenate([edge_index[1], loop])
    deg = jnp.zeros((num_nodes,), dtype=x.dtype).at[dst].add(1.0)
    deg_inv_sqrt = jnp.where(deg > 0, deg ** -0.5, 0.0)
    h = x @ W
    norm = deg_inv_sqrt[src] * deg_inv_sqrt[dst]
    msgs = h[src] * norm[:, None]
    out = jnp.zeros((num_nodes, W.shape[1]), dtype=x.dtype).at[dst].add(msgs)
    return out + b


def global_mean_pool(x, batch, num_graphs):
    sums = jax.ops.segment_sum(x, batch, num_segments=num_graphs)
    cnts = jax.ops.segment_sum(jnp.ones((x.shape[0],), dtype=x.dtype), batch, num_segments=num_graphs)
    return sums / jnp.maximum(cnts, 1.0)[:, None]


def reference(x, edge_index, batch, W1, b1, W2, b2, Wl, bl):
    n = x.shape[0]
    h = jax.nn.relu(gcn_conv(x, edge_index, W1, b1, n))
    # dropout is identity at inference
    h = jax.nn.relu(gcn_conv(h, edge_index, W2, b2, n))
    pooled = global_mean_pool(h, batch, N_GRAPHS)
    return pooled @ Wl + bl

if __name__ == "__main__":
    import jax
    _d = setup_inputs()
    print(jax.jit(kernel)(*tuple(_d.values())))

</pallas_src>

<mosaic_0001>
#map = affine_map<(d0, d1) -> (0, 0, 0, 0)>
#map1 = affine_map<(d0, d1) -> (0, 0)>
module attributes {stable_mosaic.version = 14 : i64} {
  func.func @_deg_body(%arg0: i32, %arg1: i32, %arg2: memref<2x32x80x128xi32, #tpu.memory_space<hbm>>, %arg3: memref<32x10240xf32, #tpu.memory_space<hbm>>, %arg4: memref<80x128xi32, #tpu.memory_space<vmem>>, %arg5: memref<10240xf32, #tpu.memory_space<vmem>>) attributes {dimension_semantics = [#tpu.dimension_semantics<core_parallel>, #tpu.dimension_semantics<subcore_parallel>], iteration_bounds = array<i64: 2, 16>, scalar_prefetch = 0 : i64, scratch_operands = 2 : i64, tpu.core_type = #tpu.core_type<sc_vector_subcore>, window_params = [{transform_indices = #map}, {transform_indices = #map1}]} {
    %mul3A = arith.constant 16 : i32
    %mul3A_0 = arith.muli %arg0, %mul3A : i32
    %add3A = arith.addi %mul3A_0, %arg1 : i32
    %scan3A = arith.constant 0 : i32
    %scan3A_1 = arith.constant 0 : i32
    %scan3A_2 = arith.constant 640 : i32
    %scan3A_3 = arith.addi %scan3A_1, %scan3A_2 : i32
    %scan3A_4 = arith.constant 1 : i32
    scf.for %scan3A_13 = %scan3A_1 to %scan3A_3 step %scan3A_4  : i32 {
      %broadcast_in_dim3A_14 = arith.constant 0.000000e+00 : f32
      %broadcast_in_dim3A_15 = vector.broadcast %broadcast_in_dim3A_14 : f32 to vector<16xf32>
      %mul3A_16 = arith.constant 16 : i32
      %mul3A_17 = arith.muli %scan3A_13, %mul3A_16 : i32
      %swap3A = arith.index_cast %mul3A_17 : i32 to index
      %swap3A_18 = tpu.vector_load %arg5[%swap3A] {strides = array<i32>} : memref<10240xf32, #tpu.memory_space<vmem>>, vector<16xf32>,
      tpu.vector_store %arg5[%swap3A], %broadcast_in_dim3A_15 {strides = array<i32>} : memref<10240xf32, #tpu.memory_space<vmem>>, vector<16xf32>,
    }
    %scan3A_5 = arith.constant 640 : i32
    %run_scoped3A = arith.constant 1 : i32
    "tpu.region"() ({
      %run_scoped3A_13 = tpu.sem_alloc : memref<!tpu.dma_semaphore, #tpu.memory_space<semaphore_mem>>
      %dma_start3A = arith.constant 0 : i32
      %dma_start3A_14 = arith.constant 0 : i32
      %dma_start3A_15 = tpu.memref_slice %arg2[%run_scoped3A, %add3A, %dma_start3A, %dma_start3A_14] : memref<2x32x80x128xi32, #tpu.memory_space<hbm>> -> memref<1x1x80x128xi32, #tpu.memory_space<hbm>>
      %dma_start3A_16 = tpu.memref_squeeze %dma_start3A_15 : memref<1x1x80x128xi32, #tpu.memory_space<hbm>> -> memref<80x128xi32, #tpu.memory_space<hbm>>
      %dma_start3A_17 = arith.constant 0 : i32
      %dma_start3A_18 = arith.constant 0 : i32
      %dma_start3A_19 = tpu.memref_slice %arg2[%run_scoped3A, %add3A, %dma_start3A_17, %dma_start3A_18] : memref<2x32x80x128xi32, #tpu.memory_space<hbm>> -> memref<1x1x80x128xi32, #tpu.memory_space<hbm>>
      %dma_start3A_20 = tpu.memref_squeeze %dma_start3A_19 : memref<1x1x80x128xi32, #tpu.memory_space<hbm>> -> memref<80x128xi32, #tpu.memory_space<hbm>>
      tpu.enqueue_dma source(%dma_start3A_20 : memref<80x128xi32, #tpu.memory_space<hbm>>) target(%arg4 : memref<80x128xi32, #tpu.memory_space<vmem>>) target_semaphore(%run_scoped3A_13 : memref<!tpu.dma_semaphore, #tpu.memory_space<semaphore_mem>>)
      %dma_wait3A = arith.constant 0 : i32
      %dma_wait3A_21 = arith.constant 0 : i32
      %dma_wait3A_22 = tpu.memref_slice %arg2[%run_scoped3A, %add3A, %dma_wait3A, %dma_wait3A_21] : memref<2x32x80x128xi32, #tpu.memory_space<hbm>> -> memref<1x1x80x128xi32, #tpu.memory_space<hbm>>
      %dma_wait3A_23 = tpu.memref_squeeze %dma_wait3A_22 : memref<1x1x80x128xi32, #tpu.memory_space<hbm>> -> memref<80x128xi32, #tpu.memory_space<hbm>>
      %dma_wait3A_24 = arith.constant 0 : i32
      %dma_wait3A_25 = arith.constant 0 : i32
      %dma_wait3A_26 = tpu.memref_slice %arg2[%run_scoped3A, %add3A, %dma_wait3A_24, %dma_wait3A_25] : memref<2x32x80x128xi32, #tpu.memory_space<hbm>> -> memref<1x1x80x128xi32, #tpu.memory_space<hbm>>
      %dma_wait3A_27 = tpu.memref_squeeze %dma_wait3A_26 : memref<1x1x80x128xi32, #tpu.memory_space<hbm>> -> memref<80x128xi32, #tpu.memory_space<hbm>>
      tpu.wait_dma2 semaphore(%run_scoped3A_13 : memref<!tpu.dma_semaphore, #tpu.memory_space<semaphore_mem>>) src(%dma_wait3A_27 : memref<80x128xi32, #tpu.memory_space<hbm>>) dst(%arg4 : memref<80x128xi32, #tpu.memory_space<vmem>>)
      tpu.yield
    }) : () -> ()
    %broadcast_in_dim3A = arith.constant 1.000000e+00 : f32
    %broadcast_in_dim3A_6 = vector.broadcast %broadcast_in_dim3A : f32 to vector<16xf32>
    %scan3A_7 = arith.constant 0 : i32
    %scan3A_8 = arith.constant 0 : i32
    %scan3A_9 = arith.constant 640 : i32
    %scan3A_10 = arith.addi %scan3A_8, %scan3A_9 : i32
    %scan3A_11 = arith.constant 1 : i32
    scf.for %scan3A_13 = %scan3A_8 to %scan3A_10 step %scan3A_11  : i32 {
      %jit3A = arith.constant 8 : i32
      %div3A = arith.divsi %scan3A_13, %jit3A : i32
      %sign3A = arith.constant 0 : i32
      %sign3A_14 = arith.cmpi sgt, %scan3A_13, %sign3A : i32
      %sign3A_15 = arith.extui %sign3A_14 : i1 to i32
      %sign3A_16 = arith.constant 0 : i32
      %sign3A_17 = arith.cmpi slt, %scan3A_13, %sign3A_16 : i32
      %sign3A_18 = arith.extui %sign3A_17 : i1 to i32
      %sign3A_19 = arith.subi %sign3A_15, %sign3A_18 : i32
      %sign3A_20 = arith.constant 0 : i32
      %sign3A_21 = arith.cmpi sgt, %jit3A, %sign3A_20 : i32
      %sign3A_22 = arith.extui %sign3A_21 : i1 to i32
      %sign3A_23 = arith.constant 0 : i32
      %sign3A_24 = arith.cmpi slt, %jit3A, %sign3A_23 : i32
      %sign3A_25 = arith.extui %sign3A_24 : i1 to i32
      %sign3A_26 = arith.subi %sign3A_22, %sign3A_25 : i32
      %ne3A = arith.cmpi ne, %sign3A_19, %sign3A_26 : i32
      %rem3A = arith.remsi %scan3A_13, %jit3A : i32
      %ne3A_27 = arith.constant 0 : i32
      %ne3A_28 = arith.cmpi ne, %rem3A, %ne3A_27 : i32
      %and3A = arith.andi %ne3A, %ne3A_28 : i1
      %sub3A = arith.constant 1 : i32
      %sub3A_29 = arith.subi %div3A, %sub3A : i32
      %select_n3A = arith.select %and3A, %sub3A_29, %div3A : i32
      %jit3A_30 = arith.constant 8 : i32
      %eq3A = arith.constant 0 : i32
      %eq3A_31 = arith.cmpi eq, %jit3A_30, %eq3A : i32
      %jit3A_32 = arith.constant 1 : i32
      %select_n3A_33 = arith.select %eq3A_31, %jit3A_32, %jit3A_30 : i32
      %rem3A_34 = arith.remsi %scan3A_13, %select_n3A_33 : i32
      %ne3A_35 = arith.constant 0 : i32
      %ne3A_36 = arith.cmpi ne, %rem3A_34, %ne3A_35 : i32
      %lt3A = arith.constant 0 : i32
      %lt3A_37 = arith.cmpi slt, %rem3A_34, %lt3A : i32
      %lt3A_38 = arith.constant 0 : i32
      %lt3A_39 = arith.cmpi slt, %select_n3A_33, %lt3A_38 : i32
      %ne3A_40 = arith.xori %lt3A_37, %lt3A_39 : i1
      %and3A_41 = arith.andi %ne3A_40, %ne3A_36 : i1
      %add3A_42 = arith.addi %rem3A_34, %select_n3A_33 : i32
      %select_n3A_43 = arith.select %and3A_41, %add3A_42, %rem3A_34 : i32
      %mul3A_44 = arith.constant 16 : i32
      %mul3A_45 = arith.muli %select_n3A_43, %mul3A_44 : i32
      %get3A = arith.index_cast %select_n3A : i32 to index
      %get3A_46 = arith.index_cast %mul3A_45 : i32 to index
      %get3A_47 = tpu.vector_load %arg4[%get3A, %get3A_46] {strides = array<i32>} : memref<80x128xi32, #tpu.memory_space<vmem>>, vector<16xi32>,
      tpu.vector_store_idx %arg5[%get3A_47], %broadcast_in_dim3A_6 {add = true} : memref<10240xf32, #tpu.memory_space<vmem>>[vector<16xi32>], vector<16xf32>,
    }
    %scan3A_12 = arith.constant 640 : i32
    "tpu.region"() ({
      %run_scoped3A_13 = tpu.sem_alloc : memref<!tpu.dma_semaphore, #tpu.memory_space<semaphore_mem>>
      %dma_start3A = arith.constant 0 : i32
      %dma_start3A_14 = tpu.memref_slice %arg3[%add3A, %dma_start3A] : memref<32x10240xf32, #tpu.memory_space<hbm>> -> memref<1x10240xf32, #tpu.memory_space<hbm>>
      %dma_start3A_15 = tpu.memref_squeeze %dma_start3A_14 : memref<1x10240xf32, #tpu.memory_space<hbm>> -> memref<10240xf32, #tpu.memory_space<hbm>>
      %dma_start3A_16 = arith.constant 0 : i32
      %dma_start3A_17 = tpu.memref_slice %arg3[%add3A, %dma_start3A_16] : memref<32x10240xf32, #tpu.memory_space<hbm>> -> memref<1x10240xf32, #tpu.memory_space<hbm>>
      %dma_start3A_18 = tpu.memref_squeeze %dma_start3A_17 : memref<1x10240xf32, #tpu.memory_space<hbm>> -> memref<10240xf32, #tpu.memory_space<hbm>>
      tpu.enqueue_dma source(%arg5 : memref<10240xf32, #tpu.memory_space<vmem>>) target(%dma_start3A_18 : memref<10240xf32, #tpu.memory_space<hbm>>) target_semaphore(%run_scoped3A_13 : memref<!tpu.dma_semaphore, #tpu.memory_space<semaphore_mem>>)
      %dma_wait3A = arith.constant 0 : i32
      %dma_wait3A_19 = tpu.memref_slice %arg3[%add3A, %dma_wait3A] : memref<32x10240xf32, #tpu.memory_space<hbm>> -> memref<1x10240xf32, #tpu.memory_space<hbm>>
      %dma_wait3A_20 = tpu.memref_squeeze %dma_wait3A_19 : memref<1x10240xf32, #tpu.memory_space<hbm>> -> memref<10240xf32, #tpu.memory_space<hbm>>
      %dma_wait3A_21 = arith.constant 0 : i32
      %dma_wait3A_22 = tpu.memref_slice %arg3[%add3A, %dma_wait3A_21] : memref<32x10240xf32, #tpu.memory_space<hbm>> -> memref<1x10240xf32, #tpu.memory_space<hbm>>
      %dma_wait3A_23 = tpu.memref_squeeze %dma_wait3A_22 : memref<1x10240xf32, #tpu.memory_space<hbm>> -> memref<10240xf32, #tpu.memory_space<hbm>>
      tpu.wait_dma2 semaphore(%run_scoped3A_13 : memref<!tpu.dma_semaphore, #tpu.memory_space<semaphore_mem>>) src(%arg5 : memref<10240xf32, #tpu.memory_space<vmem>>) dst(%dma_wait3A_23 : memref<10240xf32, #tpu.memory_space<hbm>>)
      tpu.yield
    }) : () -> ()
    return
  }
}

#map = affine_map<(d0, d1) -> (0, 0, 0, 0)>
#map1 = affine_map<(d0, d1) -> (0, 0)>
#map2 = affine_map<(d0, d1) -> (0, 0, 0)>
module attributes {stable_mosaic.version = 14 : i64} {
  func.func @_agg_body(%arg0: i32, %arg1: i32, %arg2: memref<2x32x80x128xi32, #tpu.memory_space<hbm>>, %arg3: memref<10240x64xf32, #tpu.memory_space<hbm>>, %arg4: memref<2x10240x64xf32, #tpu.memory_space<hbm>>, %arg5: memref<80x128xi32, #tpu.memory_space<vmem>>, %arg6: memref<80x128xi32, #tpu.memory_space<vmem>>, %arg7: memref<128x64xf32, #tpu.memory_space<vmem>>, %arg8: memref<128x64xf32, #tpu.memory_space<vmem>>, %arg9: memref<128x64xf32, #tpu.memory_space<vmem>>, %arg10: memref<128x64xf32, #tpu.memory_space<vmem>>, %arg11: memref<128x64xf32, #tpu.memory_space<vmem>>, %arg12: memref<128x64xf32, #tpu.memory_space<vmem>>, %arg13: memref<128x64xf32, #tpu.memory_space<vmem>>, %arg14: memref<128x64xf32, #tpu.memory_space<vmem>>, %arg15: memref<10240x64xf32, #tpu.memory_space<vmem_shared>>, %arg16: memref<!tpu.dma_semaphore, #tpu.memory_space<semaphore_mem>>, %arg17: memref<!tpu.dma_semaphore, #tpu.memory_space<semaphore_mem>>, %arg18: memref<!tpu.dma_semaphore, #tpu.memory_space<semaphore_mem>>, %arg19: memref<!tpu.dma_semaphore, #tpu.memory_space<semaphore_mem>>, %arg20: memref<!tpu.dma_semaphore, #tpu.memory_space<semaphore_mem>>, %arg21: memref<!tpu.dma_semaphore, #tpu.memory_space<semaphore_mem>>, %arg22: memref<!tpu.dma_semaphore, #tpu.memory_space<semaphore_mem>>, %arg23: memref<!tpu.dma_semaphore, #tpu.memory_space<semaphore_mem>>, %arg24: memref<!tpu.dma_semaphore, #tpu.memory_space<semaphore_mem>>, %arg25: memref<!tpu.dma_semaphore, #tpu.memory_space<semaphore_mem>>, %arg26: memref<!tpu.dma_semaphore, #tpu.memory_space<semaphore_mem>>, %arg27: memref<!tpu.dma_semaphore, #tpu.memory_space<semaphore_mem>>, %arg28: memref<!tpu.dma_semaphore, #tpu.memory_space<semaphore_mem>>, %arg29: memref<!tpu.dma_semaphore, #tpu.memory_space<semaphore_mem>>, %arg30: memref<!tpu.dma_semaphore, #tpu.memory_space<semaphore_mem>>, %arg31: memref<!tpu.dma_semaphore, #tpu.memory_space<semaphore_mem>>) attributes {dimension_semantics = [#tpu.dimension_semantics<core_parallel>, #tpu.dimension_semantics<subcore_parallel>], iteration_bounds = array<i64: 2, 16>, scalar_prefetch = 0 : i64, scratch_operands = 27 : i64, tpu.core_type = #tpu.core_type<sc_vector_subcore>, window_params = [{transform_indices = #map}, {transform_indices = #map1}, {transform_indices = #map2}]} {
    %mul3A = arith.constant 16 : i32
    %mul3A_0 = arith.muli %arg0, %mul3A : i32
    %add3A = arith.addi %mul3A_0, %arg1 : i32
    %run_scoped3A = arith.constant 0 : i32
    "tpu.region"() ({
      %run_scoped3A_148 = tpu.sem_alloc : memref<!tpu.dma_semaphore, #tpu.memory_space<semaphore_mem>>
      %dma_start3A_149 = arith.constant 0 : i32
      %dma_start3A_150 = arith.constant 0 : i32
      %dma_start3A_151 = tpu.memref_slice %arg2[%run_scoped3A, %add3A, %dma_start3A_149, %dma_start3A_150] : memref<2x32x80x128xi32, #tpu.memory_space<hbm>> -> memref<1x1x80x128xi32, #tpu.memory_space<hbm>>
      %dma_start3A_152 = tpu.memref_squeeze %dma_start3A_151 : memref<1x1x80x128xi32, #tpu.memory_space<hbm>> -> memref<80x128xi32, #tpu.memory_space<hbm>>
      %dma_start3A_153 = arith.constant 0 : i32
      %dma_start3A_154 = arith.constant 0 : i32
      %dma_start3A_155 = tpu.memref_slice %arg2[%run_scoped3A, %add3A, %dma_start3A_153, %dma_start3A_154] : memref<2x32x80x128xi32, #tpu.memory_space<hbm>> -> memref<1x1x80x128xi32, #tpu.memory_space<hbm>>
      %dma_start3A_156 = tpu.memref_squeeze %dma_start3A_155 : memref<1x1x80x128xi32, #tpu.memory_space<hbm>> -> memref<80x128xi32, #tpu.memory_space<hbm>>
      tpu.enqueue_dma source(%dma_start3A_156 : memref<80x128xi32, #tpu.memory_space<hbm>>) target(%arg5 : memref<80x128xi32, #tpu.memory_space<vmem>>) target_semaphore(%run_scoped3A_148 : memref<!tpu.dma_semaphore, #tpu.memory_space<semaphore_mem>>)
      %dma_wait3A_157 = arith.constant 0 : i32
      %dma_wait3A_158 = arith.constant 0 : i32
      %dma_wait3A_159 = tpu.memref_slice %arg2[%run_scoped3A, %add3A, %dma_wait3A_157, %dma_wait3A_158] : memref<2x32x80x128xi32, #tpu.memory_space<hbm>> -> memref<1x1x80x128xi32, #tpu.memory_space<hbm>>
      %dma_wait3A_160 = tpu.memref_squeeze %dma_wait3A_159 : memref<1x1x80x128xi32, #tpu.memory_space<hbm>> -> memref<80x128xi32, #tpu.memory_space<hbm>>
      %dma_wait3A_161 = arith.constant 0 : i32
      %dma_wait3A_162 = arith.constant 0 : i32
      %dma_wait3A_163 = tpu.memref_slice %arg2[%run_scoped3A, %add3A, %dma_wait3A_161, %dma_wait3A_162] : memref<2x32x80x128xi32, #tpu.memory_space<hbm>> -> memref<1x1x80x128xi32, #tpu.memory_space<hbm>>
      %dma_wait3A_164 = tpu.memref_squeeze %dma_wait3A_163 : memref<1x1x80x128xi32, #tpu.memory_space<hbm>> -> memref<80x128xi32, #tpu.memory_space<hbm>>
      tpu.wait_dma2 semaphore(%run_scoped3A_148 : memref<!tpu.dma_semaphore, #tpu.memory_space<semaphore_mem>>) src(%dma_wait3A_164 : memref<80x128xi32, #tpu.memory_space<hbm>>) dst(%arg5 : memref<80x128xi32, #tpu.memory_space<vmem>>)
      tpu.yield
    }) : () -> ()
    %run_scoped3A_1 = arith.constant 1 : i32
    "tpu.region"() ({
      %run_scoped3A_148 = tpu.sem_alloc : memref<!tpu.dma_semaphore, #tpu.memory_space<semaphore_mem>>
      %dma_start3A_149 = arith.constant 0 : i32
      %dma_start3A_150 = arith.constant 0 : i32
      %dma_start3A_151 = tpu.memref_slice %arg2[%run_scoped3A_1, %add3A, %dma_start3A_149, %dma_start3A_150] : memref<2x32x80x128xi32, #tpu.memory_space<hbm>> -> memref<1x1x80x128xi32, #tpu.memory_space<hbm>>
      %dma_start3A_152 = tpu.memref_squeeze %dma_start3A_151 : memref<1x1x80x128xi32, #tpu.memory_space<hbm>> -> memref<80x128xi32, #tpu.memory_space<hbm>>
      %dma_start3A_153 = arith.constant 0 : i32
      %dma_start3A_154 = arith.constant 0 : i32
      %dma_start3A_155 = tpu.memref_slice %arg2[%run_scoped3A_1, %add3A, %dma_start3A_153, %dma_start3A_154] : memref<2x32x80x128xi32, #tpu.memory_space<hbm>> -> memref<1x1x80x128xi32, #tpu.memory_space<hbm>>
      %dma_start3A_156 = tpu.memref_squeeze %dma_start3A_155 : memref<1x1x80x128xi32, #tpu.memory_space<hbm>> -> memref<80x128xi32, #tpu.memory_space<hbm>>
      tpu.enqueue_dma source(%dma_start3A_156 : memref<80x128xi32, #tpu.memory_space<hbm>>) target(%arg6 : memref<80x128xi32, #tpu.memory_space<vmem>>) target_semaphore(%run_scoped3A_148 : memref<!tpu.dma_semaphore, #tpu.memory_space<semaphore_mem>>)
      %dma_wait3A_157 = arith.constant 0 : i32
      %dma_wait3A_158 = arith.constant 0 : i32
      %dma_wait3A_159 = tpu.memref_slice %arg2[%run_scoped3A_1, %add3A, %dma_wait3A_157, %dma_wait3A_158] : memref<2x32x80x128xi32, #tpu.memory_space<hbm>> -> memref<1x1x80x128xi32, #tpu.memory_space<hbm>>
      %dma_wait3A_160 = tpu.memref_squeeze %dma_wait3A_159 : memref<1x1x80x128xi32, #tpu.memory_space<hbm>> -> memref<80x128xi32, #tpu.memory_space<hbm>>
      %dma_wait3A_161 = arith.constant 0 : i32
      %dma_wait3A_162 = arith.constant 0 : i32
      %dma_wait3A_163 = tpu.memref_slice %arg2[%run_scoped3A_1, %add3A, %dma_wait3A_161, %dma_wait3A_162] : memref<2x32x80x128xi32, #tpu.memory_space<hbm>> -> memref<1x1x80x128xi32, #tpu.memory_space<hbm>>
      %dma_wait3A_164 = tpu.memref_squeeze %dma_wait3A_163 : memref<1x1x80x128xi32, #tpu.memory_space<hbm>> -> memref<80x128xi32, #tpu.memory_space<hbm>>
      tpu.wait_dma2 semaphore(%run_scoped3A_148 : memref<!tpu.dma_semaphore, #tpu.memory_space<semaphore_mem>>) src(%dma_wait3A_164 : memref<80x128xi32, #tpu.memory_space<hbm>>) dst(%arg6 : memref<80x128xi32, #tpu.memory_space<vmem>>)
      tpu.yield
    }) : () -> ()
    %scan3A = arith.constant 0 : i32
    %scan3A_2 = arith.constant 0 : i32
    %scan3A_3 = arith.constant 512 : i32
    %scan3A_4 = arith.addi %scan3A_2, %scan3A_3 : i32
    %scan3A_5 = arith.constant 1 : i32
    scf.for %scan3A_148 = %scan3A_2 to %scan3A_4 step %scan3A_5  : i32 {
      %broadcast_in_dim3A = arith.constant 0.000000e+00 : f32
      %broadcast_in_dim3A_149 = vector.broadcast %broadcast_in_dim3A : f32 to vector<16xf32>
      %jit3A = arith.constant 4 : i32
      %div3A = arith.divsi %scan3A_148, %jit3A : i32
      %sign3A = arith.constant 0 : i32
      %sign3A_150 = arith.cmpi sgt, %scan3A_148, %sign3A : i32
      %sign3A_151 = arith.extui %sign3A_150 : i1 to i32
      %sign3A_152 = arith.constant 0 : i32
      %sign3A_153 = arith.cmpi slt, %scan3A_148, %sign3A_152 : i32
      %sign3A_154 = arith.extui %sign3A_153 : i1 to i32
      %sign3A_155 = arith.subi %sign3A_151, %sign3A_154 : i32
      %sign3A_156 = arith.constant 0 : i32
      %sign3A_157 = arith.cmpi sgt, %jit3A, %sign3A_156 : i32
      %sign3A_158 = arith.extui %sign3A_157 : i1 to i32
      %sign3A_159 = arith.constant 0 : i32
      %sign3A_160 = arith.cmpi slt, %jit3A, %sign3A_159 : i32
      %sign3A_161 = arith.extui %sign3A_160 : i1 to i32
      %sign3A_162 = arith.subi %sign3A_158, %sign3A_161 : i32
      %ne3A = arith.cmpi ne, %sign3A_155, %sign3A_162 : i32
      %rem3A = arith.remsi %scan3A_148, %jit3A : i32
      %ne3A_163 = arith.constant 0 : i32
      %ne3A_164 = arith.cmpi ne, %rem3A, %ne3A_163 : i32
      %and3A = arith.andi %ne3A, %ne3A_164 : i1
      %sub3A = arith.constant 1 : i32
      %sub3A_165 = arith.subi %div3A, %sub3A : i32
      %select_n3A = arith.select %and3A, %sub3A_165, %div3A : i32
      %jit3A_166 = arith.constant 4 : i32
      %eq3A = arith.constant 0 : i32
      %eq3A_167 = arith.cmpi eq, %jit3A_166, %eq3A : i32
      %jit3A_168 = arith.constant 1 : i32
      %select_n3A_169 = arith.select %eq3A_167, %jit3A_168, %jit3A_166 : i32
      %rem3A_170 = arith.remsi %scan3A_148, %select_n3A_169 : i32
      %ne3A_171 = arith.constant 0 : i32
      %ne3A_172 = arith.cmpi ne, %rem3A_170, %ne3A_171 : i32
      %lt3A = arith.constant 0 : i32
      %lt3A_173 = arith.cmpi slt, %rem3A_170, %lt3A : i32
      %lt3A_174 = arith.constant 0 : i32
      %lt3A_175 = arith.cmpi slt, %select_n3A_169, %lt3A_174 : i32
      %ne3A_176 = arith.xori %lt3A_173, %lt3A_175 : i1
      %and3A_177 = arith.andi %ne3A_176, %ne3A_172 : i1
      %add3A_178 = arith.addi %rem3A_170, %select_n3A_169 : i32
      %select_n3A_179 = arith.select %and3A_177, %add3A_178, %rem3A_170 : i32
      %mul3A_180 = arith.constant 16 : i32
      %mul3A_181 = arith.muli %select_n3A_179, %mul3A_180 : i32
      %swap3A = arith.index_cast %select_n3A : i32 to index
      %swap3A_182 = arith.index_cast %mul3A_181 : i32 to index
      %swap3A_183 = tpu.vector_load %arg7[%swap3A, %swap3A_182] {strides = array<i32>} : memref<128x64xf32, #tpu.memory_space<vmem>>, vector<16xf32>,
      tpu.vector_store %arg7[%swap3A, %swap3A_182], %broadcast_in_dim3A_149 {strides = array<i32>} : memref<128x64xf32, #tpu.memory_space<vmem>>, vector<16xf32>,
    }
    %scan3A_6 = arith.constant 512 : i32
    %mul3A_7 = arith.constant 640 : i32
    %mul3A_8 = arith.muli %arg1, %mul3A_7 : i32
    %add3A_9 = arith.constant 0 : i32
    %add3A_10 = arith.addi %mul3A_8, %add3A_9 : i32
    "tpu.region"() ({
      %run_scoped3A_148 = tpu.sem_alloc : memref<!tpu.dma_semaphore, #tpu.memory_space<semaphore_mem>>
      %dma_start3A_149 = arith.constant 0 : i32
      %dma_start3A_150 = tpu.memref_slice %arg15[%add3A_10, %dma_start3A_149] : memref<10240x64xf32, #tpu.memory_space<vmem_shared>> -> memref<128x64xf32, #tpu.memory_space<vmem_shared>>
      %dma_start3A_151 = arith.constant 0 : i32
      %dma_start3A_152 = tpu.memref_slice %arg15[%add3A_10, %dma_start3A_151] : memref<10240x64xf32, #tpu.memory_space<vmem_shared>> -> memref<128x64xf32, #tpu.memory_space<vmem_shared>>
      tpu.enqueue_dma source(%arg7 : memref<128x64xf32, #tpu.memory_space<vmem>>) target(%dma_start3A_152 : memref<128x64xf32, #tpu.memory_space<vmem_shared>>) target_semaphore(%run_scoped3A_148 : memref<!tpu.dma_semaphore, #tpu.memory_space<semaphore_mem>>)
      %dma_wait3A_153 = arith.constant 0 : i32
      %dma_wait3A_154 = tpu.memref_slice %arg15[%add3A_10, %dma_wait3A_153] : memref<10240x64xf32, #tpu.memory_space<vmem_shared>> -> memref<128x64xf32, #tpu.memory_space<vmem_shared>>
      %dma_wait3A_155 = arith.constant 0 : i32
      %dma_wait3A_156 = tpu.memref_slice %arg15[%add3A_10, %dma_wait3A_155] : memref<10240x64xf32, #tpu.memory_space<vmem_shared>> -> memref<128x64xf32, #tpu.memory_space<vmem_shared>>
      tpu.wait_dma2 semaphore(%run_scoped3A_148 : memref<!tpu.dma_semaphore, #tpu.memory_space<semaphore_mem>>) src(%arg7 : memref<128x64xf32, #tpu.memory_space<vmem>>) dst(%dma_wait3A_156 : memref<128x64xf32, #tpu.memory_space<vmem_shared>>)
      tpu.yield
    }) : () -> ()
    %mul3A_11 = arith.constant 640 : i32
    %mul3A_12 = arith.muli %arg1, %mul3A_11 : i32
    %add3A_13 = arith.constant 128 : i32
    %add3A_14 = arith.addi %mul3A_12, %add3A_13 : i32
    "tpu.region"() ({
      %run_scoped3A_148 = tpu.sem_alloc : memref<!tpu.dma_semaphore, #tpu.memory_space<semaphore_mem>>
      %dma_start3A_149 = arith.constant 0 : i32
      %dma_start3A_150 = tpu.memref_slice %arg15[%add3A_14, %dma_start3A_149] : memref<10240x64xf32, #tpu.memory_space<vmem_shared>> -> memref<128x64xf32, #tpu.memory_space<vmem_shared>>
      %dma_start3A_151 = arith.constant 0 : i32
      %dma_start3A_152 = tpu.memref_slice %arg15[%add3A_14, %dma_start3A_151] : memref<10240x64xf32, #tpu.memory_space<vmem_shared>> -> memref<128x64xf32, #tpu.memory_space<vmem_shared>>
      tpu.enqueue_dma source(%arg7 : memref<128x64xf32, #tpu.memory_space<vmem>>) target(%dma_start3A_152 : memref<128x64xf32, #tpu.memory_space<vmem_shared>>) target_semaphore(%run_scoped3A_148 : memref<!tpu.dma_semaphore, #tpu.memory_space<semaphore_mem>>)
      %dma_wait3A_153 = arith.constant 0 : i32
      %dma_wait3A_154 = tpu.memref_slice %arg15[%add3A_14, %dma_wait3A_153] : memref<10240x64xf32, #tpu.memory_space<vmem_shared>> -> memref<128x64xf32, #tpu.memory_space<vmem_shared>>
      %dma_wait3A_155 = arith.constant 0 : i32
      %dma_wait3A_156 = tpu.memref_slice %arg15[%add3A_14, %dma_wait3A_155] : memref<10240x64xf32, #tpu.memory_space<vmem_shared>> -> memref<128x64xf32, #tpu.memory_space<vmem_shared>>
      tpu.wait_dma2 semaphore(%run_scoped3A_148 : memref<!tpu.dma_semaphore, #tpu.memory_space<semaphore_mem>>) src(%arg7 : memref<128x64xf32, #tpu.memory_space<vmem>>) dst(%dma_wait3A_156 : memref<128x64xf32, #tpu.memory_space<vmem_shared>>)
      tpu.yield
    }) : () -> ()
    %mul3A_15 = arith.constant 640 : i32
    %mul3A_16 = arith.muli %arg1, %mul3A_15 : i32
    %add3A_17 = arith.constant 256 : i32
    %add3A_18 = arith.addi %mul3A_16, %add3A_17 : i32
    "tpu.region"() ({
      %run_scoped3A_148 = tpu.sem_alloc : memref<!tpu.dma_semaphore, #tpu.memory_space<semaphore_mem>>
      %dma_start3A_149 = arith.constant 0 : i32
      %dma_start3A_150 = tpu.memref_slice %arg15[%add3A_18, %dma_start3A_149] : memref<10240x64xf32, #tpu.memory_space<vmem_shared>> -> memref<128x64xf32, #tpu.memory_space<vmem_shared>>
      %dma_start3A_151 = arith.constant 0 : i32
      %dma_start3A_152 = tpu.memref_slice %arg15[%add3A_18, %dma_start3A_151] : memref<10240x64xf32, #tpu.memory_space<vmem_shared>> -> memref<128x64xf32, #tpu.memory_space<vmem_shared>>
      tpu.enqueue_dma source(%arg7 : memref<128x64xf32, #tpu.memory_space<vmem>>) target(%dma_start3A_152 : memref<128x64xf32, #tpu.memory_space<vmem_shared>>) target_semaphore(%run_scoped3A_148 : memref<!tpu.dma_semaphore, #tpu.memory_space<semaphore_mem>>)
      %dma_wait3A_153 = arith.constant 0 : i32
      %dma_wait3A_154 = tpu.memref_slice %arg15[%add3A_18, %dma_wait3A_153] : memref<10240x64xf32, #tpu.memory_space<vmem_shared>> -> memref<128x64xf32, #tpu.memory_space<vmem_shared>>
      %dma_wait3A_155 = arith.constant 0 : i32
      %dma_wait3A_156 = tpu.memref_slice %arg15[%add3A_18, %dma_wait3A_155] : memref<10240x64xf32, #tpu.memory_space<vmem_shared>> -> memref<128x64xf32, #tpu.memory_space<vmem_shared>>
      tpu.wait_dma2 semaphore(%run_scoped3A_148 : memref<!tpu.dma_semaphore, #tpu.memory_space<semaphore_mem>>) src(%arg7 : memref<128x64xf32, #tpu.memory_space<vmem>>) dst(%dma_wait3A_156 : memref<128x64xf32, #tpu.memory_space<vmem_shared>>)
      tpu.yield
    }) : () -> ()
    %mul3A_19 = arith.constant 640 : i32
    %mul3A_20 = arith.muli %arg1, %mul3A_19 : i32
    %add3A_21 = arith.constant 384 : i32
    %add3A_22 = arith.addi %mul3A_20, %add3A_21 : i32
    "tpu.region"() ({
      %run_scoped3A_148 = tpu.sem_alloc : memref<!tpu.dma_semaphore, #tpu.memory_space<semaphore_mem>>
      %dma_start3A_149 = arith.constant 0 : i32
      %dma_start3A_150 = tpu.memref_slice %arg15[%add3A_22, %dma_start3A_149] : memref<10240x64xf32, #tpu.memory_space<vmem_shared>> -> memref<128x64xf32, #tpu.memory_space<vmem_shared>>
      %dma_start3A_151 = arith.constant 0 : i32
      %dma_start3A_152 = tpu.memref_slice %arg15[%add3A_22, %dma_start3A_151] : memref<10240x64xf32, #tpu.memory_space<vmem_shared>> -> memref<128x64xf32, #tpu.memory_space<vmem_shared>>
      tpu.enqueue_dma source(%arg7 : memref<128x64xf32, #tpu.memory_space<vmem>>) target(%dma_start3A_152 : memref<128x64xf32, #tpu.memory_space<vmem_shared>>) target_semaphore(%run_scoped3A_148 : memref<!tpu.dma_semaphore, #tpu.memory_space<semaphore_mem>>)
      %dma_wait3A_153 = arith.constant 0 : i32
      %dma_wait3A_154 = tpu.memref_slice %arg15[%add3A_22, %dma_wait3A_153] : memref<10240x64xf32, #tpu.memory_space<vmem_shared>> -> memref<128x64xf32, #tpu.memory_space<vmem_shared>>
      %dma_wait3A_155 = arith.constant 0 : i32
      %dma_wait3A_156 = tpu.memref_slice %arg15[%add3A_22, %dma_wait3A_155] : memref<10240x64xf32, #tpu.memory_space<vmem_shared>> -> memref<128x64xf32, #tpu.memory_space<vmem_shared>>
      tpu.wait_dma2 semaphore(%run_scoped3A_148 : memref<!tpu.dma_semaphore, #tpu.memory_space<semaphore_mem>>) src(%arg7 : memref<128x64xf32, #tpu.memory_space<vmem>>) dst(%dma_wait3A_156 : memref<128x64xf32, #tpu.memory_space<vmem_shared>>)
      tpu.yield
    }) : () -> ()
    %mul3A_23 = arith.constant 640 : i32
    %mul3A_24 = arith.muli %arg1, %mul3A_23 : i32
    %add3A_25 = arith.constant 512 : i32
    %add3A_26 = arith.addi %mul3A_24, %add3A_25 : i32
    "tpu.region"() ({
      %run_scoped3A_148 = tpu.sem_alloc : memref<!tpu.dma_semaphore, #tpu.memory_space<semaphore_mem>>
      %dma_start3A_149 = arith.constant 0 : i32
      %dma_start3A_150 = tpu.memref_slice %arg15[%add3A_26, %dma_start3A_149] : memref<10240x64xf32, #tpu.memory_space<vmem_shared>> -> memref<128x64xf32, #tpu.memory_space<vmem_shared>>
      %dma_start3A_151 = arith.constant 0 : i32
      %dma_start3A_152 = tpu.memref_slice %arg15[%add3A_26, %dma_start3A_151] : memref<10240x64xf32, #tpu.memory_space<vmem_shared>> -> memref<128x64xf32, #tpu.memory_space<vmem_shared>>
      tpu.enqueue_dma source(%arg7 : memref<128x64xf32, #tpu.memory_space<vmem>>) target(%dma_start3A_152 : memref<128x64xf32, #tpu.memory_space<vmem_shared>>) target_semaphore(%run_scoped3A_148 : memref<!tpu.dma_semaphore, #tpu.memory_space<semaphore_mem>>)
      %dma_wait3A_153 = arith.constant 0 : i32
      %dma_wait3A_154 = tpu.memref_slice %arg15[%add3A_26, %dma_wait3A_153] : memref<10240x64xf32, #tpu.memory_space<vmem_shared>> -> memref<128x64xf32, #tpu.memory_space<vmem_shared>>
      %dma_wait3A_155 = arith.constant 0 : i32
      %dma_wait3A_156 = tpu.memref_slice %arg15[%add3A_26, %dma_wait3A_155] : memref<10240x64xf32, #tpu.memory_space<vmem_shared>> -> memref<128x64xf32, #tpu.memory_space<vmem_shared>>
      tpu.wait_dma2 semaphore(%run_scoped3A_148 : memref<!tpu.dma_semaphore, #tpu.memory_space<semaphore_mem>>) src(%arg7 : memref<128x64xf32, #tpu.memory_space<vmem>>) dst(%dma_wait3A_156 : memref<128x64xf32, #tpu.memory_space<vmem_shared>>)
      tpu.yield
    }) : () -> ()
    %barrier3A = arith.constant 0 : index
    tpu.barrier barrier_id(%barrier3A)
    %dma_start3A = arith.constant 0 : i32
    %dma_start3A_27 = arith.constant 0 : i32
    %dma_start3A_28 = tpu.memref_slice %arg5[%dma_start3A, %dma_start3A_27] : memref<80x128xi32, #tpu.memory_space<vmem>> -> memref<1x128xi32, #tpu.memory_space<vmem>>
    %dma_start3A_29 = tpu.memref_squeeze %dma_start3A_28 : memref<1x128xi32, #tpu.memory_space<vmem>> -> memref<128xi32, #tpu.memory_space<vmem>>
    %dma_start3A_30 = arith.constant 0 : i32
    %dma_start3A_31 = arith.constant 0 : i32
    %dma_start3A_32 = tpu.memref_slice %arg3[%dma_start3A_30, %dma_start3A_31] : memref<10240x64xf32, #tpu.memory_space<hbm>> -> memref<10240x64xf32, #tpu.memory_space<hbm>>
    tpu.enqueue_indirect_dma source(%dma_start3A_32 : memref<10240x64xf32, #tpu.memory_space<hbm>>) target(%arg7 : memref<128x64xf32, #tpu.memory_space<vmem>>) offsets(%dma_start3A_29 : memref<128xi32, #tpu.memory_space<vmem>>) semaphore(%arg16 : memref<!tpu.dma_semaphore, #tpu.memory_space<semaphore_mem>>)
    %dma_start3A_33 = arith.constant 1 : i32
    %dma_start3A_34 = arith.constant 0 : i32
    %dma_start3A_35 = tpu.memref_slice %arg5[%dma_start3A_33, %dma_start3A_34] : memref<80x128xi32, #tpu.memory_space<vmem>> -> memref<1x128xi32, #tpu.memory_space<vmem>>
    %dma_start3A_36 = tpu.memref_squeeze %dma_start3A_35 : memref<1x128xi32, #tpu.memory_space<vmem>> -> memref<128xi32, #tpu.memory_space<vmem>>
    %dma_start3A_37 = arith.constant 0 : i32
    %dma_start3A_38 = arith.constant 0 : i32
    %dma_start3A_39 = tpu.memref_slice %arg3[%dma_start3A_37, %dma_start3A_38] : memref<10240x64xf32, #tpu.memory_space<hbm>> -> memref<10240x64xf32, #tpu.memory_space<hbm>>
    tpu.enqueue_indirect_dma source(%dma_start3A_39 : memref<10240x64xf32, #tpu.memory_space<hbm>>) target(%arg8 : memref<128x64xf32, #tpu.memory_space<vmem>>) offsets(%dma_start3A_36 : memref<128xi32, #tpu.memory_space<vmem>>) semaphore(%arg17 : memref<!tpu.dma_semaphore, #tpu.memory_space<semaphore_mem>>)
    %dma_start3A_40 = arith.constant 2 : i32
    %dma_start3A_41 = arith.constant 0 : i32
    %dma_start3A_42 = tpu.memref_slice %arg5[%dma_start3A_40, %dma_start3A_41] : memref<80x128xi32, #tpu.memory_space<vmem>> -> memref<1x128xi32, #tpu.memory_space<vmem>>
    %dma_start3A_43 = tpu.memref_squeeze %dma_start3A_42 : memref<1x128xi32, #tpu.memory_space<vmem>> -> memref<128xi32, #tpu.memory_space<vmem>>
    %dma_start3A_44 = arith.constant 0 : i32
    %dma_start3A_45 = arith.constant 0 : i32
    %dma_start3A_46 = tpu.memref_slice %arg3[%dma_start3A_44, %dma_start3A_45] : memref<10240x64xf32, #tpu.memory_space<hbm>> -> memref<10240x64xf32, #tpu.memory_space<hbm>>
    tpu.enqueue_indirect_dma source(%dma_start3A_46 : memref<10240x64xf32, #tpu.memory_space<hbm>>) target(%arg9 : memref<128x64xf32, #tpu.memory_space<vmem>>) offsets(%dma_start3A_43 : memref<128xi32, #tpu.memory_space<vmem>>) semaphore(%arg18 : memref<!tpu.dma_semaphore, #tpu.memory_space<semaphore_mem>>)
    %dma_start3A_47 = arith.constant 3 : i32
    %dma_start3A_48 = arith.constant 0 : i32
    %dma_start3A_49 = tpu.memref_slice %arg5[%dma_start3A_47, %dma_start3A_48] : memref<80x128xi32, #tpu.memory_space<vmem>> -> memref<1x128xi32, #tpu.memory_space<vmem>>
    %dma_start3A_50 = tpu.memref_squeeze %dma_start3A_49 : memref<1x128xi32, #tpu.memory_space<vmem>> -> memref<128xi32, #tpu.memory_space<vmem>>
    %dma_start3A_51 = arith.constant 0 : i32
    %dma_start3A_52 = arith.constant 0 : i32
    %dma_start3A_53 = tpu.memref_slice %arg3[%dma_start3A_51, %dma_start3A_52] : memref<10240x64xf32, #tpu.memory_space<hbm>> -> memref<10240x64xf32, #tpu.memory_space<hbm>>
    tpu.enqueue_indirect_dma source(%dma_start3A_53 : memref<10240x64xf32, #tpu.memory_space<hbm>>) target(%arg10 : memref<128x64xf32, #tpu.memory_space<vmem>>) offsets(%dma_start3A_50 : memref<128xi32, #tpu.memory_space<vmem>>) semaphore(%arg19 : memref<!tpu.dma_semaphore, #tpu.memory_space<semaphore_mem>>)
    %dma_start3A_54 = arith.constant 4 : i32
    %dma_start3A_55 = arith.constant 0 : i32
    %dma_start3A_56 = tpu.memref_slice %arg5[%dma_start3A_54, %dma_start3A_55] : memref<80x128xi32, #tpu.memory_space<vmem>> -> memref<1x128xi32, #tpu.memory_space<vmem>>
    %dma_start3A_57 = tpu.memref_squeeze %dma_start3A_56 : memref<1x128xi32, #tpu.memory_space<vmem>> -> memref<128xi32, #tpu.memory_space<vmem>>
    %dma_start3A_58 = arith.constant 0 : i32
    %dma_start3A_59 = arith.constant 0 : i32
    %dma_start3A_60 = tpu.memref_slice %arg3[%dma_start3A_58, %dma_start3A_59] : memref<10240x64xf32, #tpu.memory_space<hbm>> -> memref<10240x64xf32, #tpu.memory_space<hbm>>
    tpu.enqueue_indirect_dma source(%dma_start3A_60 : memref<10240x64xf32, #tpu.memory_space<hbm>>) target(%arg11 : memref<128x64xf32, #tpu.memory_space<vmem>>) offsets(%dma_start3A_57 : memref<128xi32, #tpu.memory_space<vmem>>) semaphore(%arg20 : memref<!tpu.dma_semaphore, #tpu.memory_space<semaphore_mem>>)
    %dma_start3A_61 = arith.constant 5 : i32
    %dma_start3A_62 = arith.constant 0 : i32
    %dma_start3A_63 = tpu.memref_slice %arg5[%dma_start3A_61, %dma_start3A_62] : memref<80x128xi32, #tpu.memory_space<vmem>> -> memref<1x128xi32, #tpu.memory_space<vmem>>
    %dma_start3A_64 = tpu.memref_squeeze %dma_start3A_63 : memref<1x128xi32, #tpu.memory_space<vmem>> -> memref<128xi32, #tpu.memory_space<vmem>>
    %dma_start3A_65 = arith.constant 0 : i32
    %dma_start3A_66 = arith.constant 0 : i32
    %dma_start3A_67 = tpu.memref_slice %arg3[%dma_start3A_65, %dma_start3A_66] : memref<10240x64xf32, #tpu.memory_space<hbm>> -> memref<10240x64xf32, #tpu.memory_space<hbm>>
    tpu.enqueue_indirect_dma source(%dma_start3A_67 : memref<10240x64xf32, #tpu.memory_space<hbm>>) target(%arg12 : memref<128x64xf32, #tpu.memory_space<vmem>>) offsets(%dma_start3A_64 : memref<128xi32, #tpu.memory_space<vmem>>) semaphore(%arg21 : memref<!tpu.dma_semaphore, #tpu.memory_space<semaphore_mem>>)
    %dma_start3A_68 = arith.constant 6 : i32
    %dma_start3A_69 = arith.constant 0 : i32
    %dma_start3A_70 = tpu.memref_slice %arg5[%dma_start3A_68, %dma_start3A_69] : memref<80x128xi32, #tpu.memory_space<vmem>> -> memref<1x128xi32, #tpu.memory_space<vmem>>
    %dma_start3A_71 = tpu.memref_squeeze %dma_start3A_70 : memref<1x128xi32, #tpu.memory_space<vmem>> -> memref<128xi32, #tpu.memory_space<vmem>>
    %dma_start3A_72 = arith.constant 0 : i32
    %dma_start3A_73 = arith.constant 0 : i32
    %dma_start3A_74 = tpu.memref_slice %arg3[%dma_start3A_72, %dma_start3A_73] : memref<10240x64xf32, #tpu.memory_space<hbm>> -> memref<10240x64xf32, #tpu.memory_space<hbm>>
    tpu.enqueue_indirect_dma source(%dma_start3A_74 : memref<10240x64xf32, #tpu.memory_space<hbm>>) target(%arg13 : memref<128x64xf32, #tpu.memory_space<vmem>>) offsets(%dma_start3A_71 : memref<128xi32, #tpu.memory_space<vmem>>) semaphore(%arg22 : memref<!tpu.dma_semaphore, #tpu.memory_space<semaphore_mem>>)
    %dma_start3A_75 = arith.constant 7 : i32
    %dma_start3A_76 = arith.constant 0 : i32
    %dma_start3A_77 = tpu.memref_slice %arg5[%dma_start3A_75, %dma_start3A_76] : memref<80x128xi32, #tpu.memory_space<vmem>> -> memref<1x128xi32, #tpu.memory_space<vmem>>
    %dma_start3A_78 = tpu.memref_squeeze %dma_start3A_77 : memref<1x128xi32, #tpu.memory_space<vmem>> -> memref<128xi32, #tpu.memory_space<vmem>>
    %dma_start3A_79 = arith.constant 0 : i32
    %dma_start3A_80 = arith.constant 0 : i32
    %dma_start3A_81 = tpu.memref_slice %arg3[%dma_start3A_79, %dma_start3A_80] : memref<10240x64xf32, #tpu.memory_space<hbm>> -> memref<10240x64xf32, #tpu.memory_space<hbm>>
    tpu.enqueue_indirect_dma source(%dma_start3A_81 : memref<10240x64xf32, #tpu.memory_space<hbm>>) target(%arg14 : memref<128x64xf32, #tpu.memory_space<vmem>>) offsets(%dma_start3A_78 : memref<128xi32, #tpu.memory_space<vmem>>) semaphore(%arg23 : memref<!tpu.dma_semaphore, #tpu.memory_space<semaphore_mem>>)
    %scan3A_82 = arith.constant 0 : i32
    %scan3A_83 = arith.constant 0 : i32
    %scan3A_84 = arith.constant 10 : i32
    %scan3A_85 = arith.addi %scan3A_83, %scan3A_84 : i32
    %scan3A_86 = arith.constant 1 : i32
    scf.for %scan3A_148 = %scan3A_83 to %scan3A_85 step %scan3A_86  : i32 {
      %mul3A_149 = arith.constant 8 : i32
      %mul3A_150 = arith.muli %mul3A_149, %scan3A_148 : i32
      %dma_wait3A_151 = arith.constant 0 : i32
      %dma_wait3A_152 = tpu.memref_slice %arg5[%mul3A_150, %dma_wait3A_151] : memref<80x128xi32, #tpu.memory_space<vmem>> -> memref<1x128xi32, #tpu.memory_space<vmem>>
      %dma_wait3A_153 = tpu.memref_squeeze %dma_wait3A_152 : memref<1x128xi32, #tpu.memory_space<vmem>> -> memref<128xi32, #tpu.memory_space<vmem>>
      %dma_wait3A_154 = arith.constant 0 : i32
      %dma_wait3A_155 = arith.constant 0 : i32
      %dma_wait3A_156 = tpu.memref_slice %arg3[%dma_wait3A_154, %dma_wait3A_155] : memref<10240x64xf32, #tpu.memory_space<hbm>> -> memref<10240x64xf32, #tpu.memory_space<hbm>>
      tpu.wait_indirect_dma semaphore(%arg16 : memref<!tpu.dma_semaphore, #tpu.memory_space<semaphore_mem>>) src(%dma_wait3A_156 : memref<10240x64xf32, #tpu.memory_space<hbm>>) dst(%arg7 : memref<128x64xf32, #tpu.memory_space<vmem>>)
      %add3A_157 = arith.constant 0 : i32
      %add3A_158 = arith.addi %mul3A_150, %add3A_157 : i32
      %dma_start3A_159 = arith.constant 0 : i32
      %dma_start3A_160 = tpu.memref_slice %arg6[%add3A_158, %dma_start3A_159] : memref<80x128xi32, #tpu.memory_space<vmem>> -> memref<1x128xi32, #tpu.memory_space<vmem>>
      %dma_start3A_161 = tpu.memref_squeeze %dma_start3A_160 : memref<1x128xi32, #tpu.memory_space<vmem>> -> memref<128xi32, #tpu.memory_space<vmem>>
      %dma_start3A_162 = arith.constant 0 : i32
      %dma_start3A_163 = arith.constant 0 : i32
      %dma_start3A_164 = tpu.memref_slice %arg15[%dma_start3A_162, %dma_start3A_163] : memref<10240x64xf32, #tpu.memory_space<vmem_shared>> -> memref<10240x64xf32, #tpu.memory_space<vmem_shared>>
      tpu.enqueue_indirect_dma source(%arg7 : memref<128x64xf32, #tpu.memory_space<vmem>>) target(%dma_start3A_164 : memref<10240x64xf32, #tpu.memory_space<vmem_shared>>) offsets(%dma_start3A_161 : memref<128xi32, #tpu.memory_space<vmem>>) semaphore(%arg24 : memref<!tpu.dma_semaphore, #tpu.memory_space<semaphore_mem>>) {add = true}
      %dma_wait3A_165 = arith.constant 0 : i32
      %dma_wait3A_166 = tpu.memref_slice %arg5[%mul3A_150, %dma_wait3A_165] : memref<80x128xi32, #tpu.memory_space<vmem>> -> memref<1x128xi32, #tpu.memory_space<vmem>>
      %dma_wait3A_167 = tpu.memref_squeeze %dma_wait3A_166 : memref<1x128xi32, #tpu.memory_space<vmem>> -> memref<128xi32, #tpu.memory_space<vmem>>
      %dma_wait3A_168 = arith.constant 0 : i32
      %dma_wait3A_169 = arith.constant 0 : i32
      %dma_wait3A_170 = tpu.memref_slice %arg3[%dma_wait3A_168, %dma_wait3A_169] : memref<10240x64xf32, #tpu.memory_space<hbm>> -> memref<10240x64xf32, #tpu.memory_space<hbm>>
      tpu.wait_indirect_dma semaphore(%arg17 : memref<!tpu.dma_semaphore, #tpu.memory_space<semaphore_mem>>) src(%dma_wait3A_170 : memref<10240x64xf32, #tpu.memory_space<hbm>>) dst(%arg8 : memref<128x64xf32, #tpu.memory_space<vmem>>)
      %add3A_171 = arith.constant 1 : i32
      %add3A_172 = arith.addi %mul3A_150, %add3A_171 : i32
      %dma_start3A_173 = arith.constant 0 : i32
      %dma_start3A_174 = tpu.memref_slice %arg6[%add3A_172, %dma_start3A_173] : memref<80x128xi32, #tpu.memory_space<vmem>> -> memref<1x128xi32, #tpu.memory_space<vmem>>
      %dma_start3A_175 = tpu.memref_squeeze %dma_start3A_174 : memref<1x128xi32, #tpu.memory_space<vmem>> -> memref<128xi32, #tpu.memory_space<vmem>>
      %dma_start3A_176 = arith.constant 0 : i32
      %dma_start3A_177 = arith.constant 0 : i32
      %dma_start3A_178 = tpu.memref_slice %arg15[%dma_start3A_176, %dma_start3A_177] : memref<10240x64xf32, #tpu.memory_space<vmem_shared>> -> memref<10240x64xf32, #tpu.memory_space<vmem_shared>>
      tpu.enqueue_indirect_dma source(%arg8 : memref<128x64xf32, #tpu.memory_space<vmem>>) target(%dma_start3A_178 : memref<10240x64xf32, #tpu.memory_space<vmem_shared>>) offsets(%dma_start3A_175 : memref<128xi32, #tpu.memory_space<vmem>>) semaphore(%arg25 : memref<!tpu.dma_semaphore, #tpu.memory_space<semaphore_mem>>) {add = true}
      %dma_wait3A_179 = arith.constant 0 : i32
      %dma_wait3A_180 = tpu.memref_slice %arg5[%mul3A_150, %dma_wait3A_179] : memref<80x128xi32, #tpu.memory_space<vmem>> -> memref<1x128xi32, #tpu.memory_space<vmem>>
      %dma_wait3A_181 = tpu.memref_squeeze %dma_wait3A_180 : memref<1x128xi32, #tpu.memory_space<vmem>> -> memref<128xi32, #tpu.memory_space<vmem>>
      %dma_wait3A_182 = arith.constant 0 : i32
      %dma_wait3A_183 = arith.constant 0 : i32
      %dma_wait3A_184 = tpu.memref_slice %arg3[%dma_wait3A_182, %dma_wait3A_183] : memref<10240x64xf32, #tpu.memory_space<hbm>> -> memref<10240x64xf32, #tpu.memory_space<hbm>>
      tpu.wait_indirect_dma semaphore(%arg18 : memref<!tpu.dma_semaphore, #tpu.memory_space<semaphore_mem>>) src(%dma_wait3A_184 : memref<10240x64xf32, #tpu.memory_space<hbm>>) dst(%arg9 : memref<128x64xf32, #tpu.memory_space<vmem>>)
      %add3A_185 = arith.constant 2 : i32
      %add3A_186 = arith.addi %mul3A_150, %add3A_185 : i32
      %dma_start3A_187 = arith.constant 0 : i32
      %dma_start3A_188 = tpu.memref_slice %arg6[%add3A_186, %dma_start3A_187] : memref<80x128xi32, #tpu.memory_space<vmem>> -> memref<1x128xi32, #tpu.memory_space<vmem>>
      %dma_start3A_189 = tpu.memref_squeeze %dma_start3A_188 : memref<1x128xi32, #tpu.memory_space<vmem>> -> memref<128xi32, #tpu.memory_space<vmem>>
      %dma_start3A_190 = arith.constant 0 : i32
      %dma_start3A_191 = arith.constant 0 : i32
      %dma_start3A_192 = tpu.memref_slice %arg15[%dma_start3A_190, %dma_start3A_191] : memref<10240x64xf32, #tpu.memory_space<vmem_shared>> -> memref<10240x64xf32, #tpu.memory_space<vmem_shared>>
      tpu.enqueue_indirect_dma source(%arg9 : memref<128x64xf32, #tpu.memory_space<vmem>>) target(%dma_start3A_192 : memref<10240x64xf32, #tpu.memory_space<vmem_shared>>) offsets(%dma_start3A_189 : memref<128xi32, #tpu.memory_space<vmem>>) semaphore(%arg26 : memref<!tpu.dma_semaphore, #tpu.memory_space<semaphore_mem>>) {add = true}
      %dma_wait3A_193 = arith.constant 0 : i32
      %dma_wait3A_194 = tpu.memref_slice %arg5[%mul3A_150, %dma_wait3A_193] : memref<80x128xi32, #tpu.memory_space<vmem>> -> memref<1x128xi32, #tpu.memory_space<vmem>>
      %dma_wait3A_195 = tpu.memref_squeeze %dma_wait3A_194 : memref<1x128xi32, #tpu.memory_space<vmem>> -> memref<128xi32, #tpu.memory_space<vmem>>
      %dma_wait3A_196 = arith.constant 0 : i32
      %dma_wait3A_197 = arith.constant 0 : i32
      %dma_wait3A_198 = tpu.memref_slice %arg3[%dma_wait3A_196, %dma_wait3A_197] : memref<10240x64xf32, #tpu.memory_space<hbm>> -> memref<10240x64xf32, #tpu.memory_space<hbm>>
      tpu.wait_indirect_dma semaphore(%arg19 : memref<!tpu.dma_semaphore, #tpu.memory_space<semaphore_mem>>) src(%dma_wait3A_198 : memref<10240x64xf32, #tpu.memory_space<hbm>>) dst(%arg10 : memref<128x64xf32, #tpu.memory_space<vmem>>)
      %add3A_199 = arith.constant 3 : i32
      %add3A_200 = arith.addi %mul3A_150, %add3A_199 : i32
      %dma_start3A_201 = arith.constant 0 : i32
      %dma_start3A_202 = tpu.memref_slice %arg6[%add3A_200, %dma_start3A_201] : memref<80x128xi32, #tpu.memory_space<vmem>> -> memref<1x128xi32, #tpu.memory_space<vmem>>
      %dma_start3A_203 = tpu.memref_squeeze %dma_start3A_202 : memref<1x128xi32, #tpu.memory_space<vmem>> -> memref<128xi32, #tpu.memory_space<vmem>>
      %dma_start3A_204 = arith.constant 0 : i32
      %dma_start3A_205 = arith.constant 0 : i32
      %dma_start3A_206 = tpu.memref_slice %arg15[%dma_start3A_204, %dma_start3A_205] : memref<10240x64xf32, #tpu.memory_space<vmem_shared>> -> memref<10240x64xf32, #tpu.memory_space<vmem_shared>>
      tpu.enqueue_indirect_dma source(%arg10 : memref<128x64xf32, #tpu.memory_space<vmem>>) target(%dma_start3A_206 : memref<10240x64xf32, #tpu.memory_space<vmem_shared>>) offsets(%dma_start3A_203 : memref<128xi32, #tpu.memory_space<vmem>>) semaphore(%arg27 : memref<!tpu.dma_semaphore, #tpu.memory_space<semaphore_mem>>) {add = true}
      %dma_wait3A_207 = arith.constant 0 : i32
      %dma_wait3A_208 = tpu.memref_slice %arg5[%mul3A_150, %dma_wait3A_207] : memref<80x128xi32, #tpu.memory_space<vmem>> -> memref<1x128xi32, #tpu.memory_space<vmem>>
      %dma_wait3A_209 = tpu.memref_squeeze %dma_wait3A_208 : memref<1x128xi32, #tpu.memory_space<vmem>> -> memref<128xi32, #tpu.memory_space<vmem>>
      %dma_wait3A_210 = arith.constant 0 : i32
      %dma_wait3A_211 = arith.constant 0 : i32
      %dma_wait3A_212 = tpu.memref_slice %arg3[%dma_wait3A_210, %dma_wait3A_211] : memref<10240x64xf32, #tpu.memory_space<hbm>> -> memref<10240x64xf32, #tpu.memory_space<hbm>>
      tpu.wait_indirect_dma semaphore(%arg20 : memref<!tpu.dma_semaphore, #tpu.memory_space<semaphore_mem>>) src(%dma_wait3A_212 : memref<10240x64xf32, #tpu.memory_space<hbm>>) dst(%arg11 : memref<128x64xf32, #tpu.memory_space<vmem>>)
      %add3A_213 = arith.constant 4 : i32
      %add3A_214 = arith.addi %mul3A_150, %add3A_213 : i32
      %dma_start3A_215 = arith.constant 0 : i32
      %dma_start3A_216 = tpu.memref_slice %arg6[%add3A_214, %dma_start3A_215] : memref<80x128xi32, #tpu.memory_space<vmem>> -> memref<1x128xi32, #tpu.memory_space<vmem>>
      %dma_start3A_217 = tpu.memref_squeeze %dma_start3A_216 : memref<1x128xi32, #tpu.memory_space<vmem>> -> memref<128xi32, #tpu.memory_space<vmem>>
      %dma_start3A_218 = arith.constant 0 : i32
      %dma_start3A_219 = arith.constant 0 : i32
      %dma_start3A_220 = tpu.memref_slice %arg15[%dma_start3A_218, %dma_start3A_219] : memref<10240x64xf32, #tpu.memory_space<vmem_shared>> -> memref<10240x64xf32, #tpu.memory_space<vmem_shared>>
      tpu.enqueue_indirect_dma source(%arg11 : memref<128x64xf32, #tpu.memory_space<vmem>>) target(%dma_start3A_220 : memref<10240x64xf32, #tpu.memory_space<vmem_shared>>) offsets(%dma_start3A_217 : memref<128xi32, #tpu.memory_space<vmem>>) semaphore(%arg28 : memref<!tpu.dma_semaphore, #tpu.memory_space<semaphore_mem>>) {add = true}
      %dma_wait3A_221 = arith.constant 0 : i32
      %dma_wait3A_222 = tpu.memref_slice %arg5[%mul3A_150, %dma_wait3A_221] : memref<80x128xi32, #tpu.memory_space<vmem>> -> memref<1x128xi32, #tpu.memory_space<vmem>>
      %dma_wait3A_223 = tpu.memref_squeeze %dma_wait3A_222 : memref<1x128xi32, #tpu.memory_space<vmem>> -> memref<128xi32, #tpu.memory_space<vmem>>
      %dma_wait3A_224 = arith.constant 0 : i32
      %dma_wait3A_225 = arith.constant 0 : i32
      %dma_wait3A_226 = tpu.memref_slice %arg3[%dma_wait3A_224, %dma_wait3A_225] : memref<10240x64xf32, #tpu.memory_space<hbm>> -> memref<10240x64xf32, #tpu.memory_space<hbm>>
      tpu.wait_indirect_dma semaphore(%arg21 : memref<!tpu.dma_semaphore, #tpu.memory_space<semaphore_mem>>) src(%dma_wait3A_226 : memref<10240x64xf32, #tpu.memory_space<hbm>>) dst(%arg12 : memref<128x64xf32, #tpu.memory_space<vmem>>)
      %add3A_227 = arith.constant 5 : i32
      %add3A_228 = arith.addi %mul3A_150, %add3A_227 : i32
      %dma_start3A_229 = arith.constant 0 : i32
      %dma_start3A_230 = tpu.memref_slice %arg6[%add3A_228, %dma_start3A_229] : memref<80x128xi32, #tpu.memory_space<vmem>> -> memref<1x128xi32, #tpu.memory_space<vmem>>
      %dma_start3A_231 = tpu.memref_squeeze %dma_start3A_230 : memref<1x128xi32, #tpu.memory_space<vmem>> -> memref<128xi32, #tpu.memory_space<vmem>>
      %dma_start3A_232 = arith.constant 0 : i32
      %dma_start3A_233 = arith.constant 0 : i32
      %dma_start3A_234 = tpu.memref_slice %arg15[%dma_start3A_232, %dma_start3A_233] : memref<10240x64xf32, #tpu.memory_space<vmem_shared>> -> memref<10240x64xf32, #tpu.memory_space<vmem_shared>>
      tpu.enqueue_indirect_dma source(%arg12 : memref<128x64xf32, #tpu.memory_space<vmem>>) target(%dma_start3A_234 : memref<10240x64xf32, #tpu.memory_space<vmem_shared>>) offsets(%dma_start3A_231 : memref<128xi32, #tpu.memory_space<vmem>>) semaphore(%arg29 : memref<!tpu.dma_semaphore, #tpu.memory_space<semaphore_mem>>) {add = true}
      %dma_wait3A_235 = arith.constant 0 : i32
      %dma_wait3A_236 = tpu.memref_slice %arg5[%mul3A_150, %dma_wait3A_235] : memref<80x128xi32, #tpu.memory_space<vmem>> -> memref<1x128xi32, #tpu.memory_space<vmem>>
      %dma_wait3A_237 = tpu.memref_squeeze %dma_wait3A_236 : memref<1x128xi32, #tpu.memory_space<vmem>> -> memref<128xi32, #tpu.memory_space<vmem>>
      %dma_wait3A_238 = arith.constant 0 : i32
      %dma_wait3A_239 = arith.constant 0 : i32
      %dma_wait3A_240 = tpu.memref_slice %arg3[%dma_wait3A_238, %dma_wait3A_239] : memref<10240x64xf32, #tpu.memory_space<hbm>> -> memref<10240x64xf32, #tpu.memory_space<hbm>>
      tpu.wait_indirect_dma semaphore(%arg22 : memref<!tpu.dma_semaphore, #tpu.memory_space<semaphore_mem>>) src(%dma_wait3A_240 : memref<10240x64xf32, #tpu.memory_space<hbm>>) dst(%arg13 : memref<128x64xf32, #tpu.memory_space<vmem>>)
      %add3A_241 = arith.constant 6 : i32
      %add3A_242 = arith.addi %mul3A_150, %add3A_241 : i32
      %dma_start3A_243 = arith.constant 0 : i32
      %dma_start3A_244 = tpu.memref_slice %arg6[%add3A_242, %dma_start3A_243] : memref<80x128xi32, #tpu.memory_space<vmem>> -> memref<1x128xi32, #tpu.memory_space<vmem>>
      %dma_start3A_245 = tpu.memref_squeeze %dma_start3A_244 : memref<1x128xi32, #tpu.memory_space<vmem>> -> memref<128xi32, #tpu.memory_space<vmem>>
      %dma_start3A_246 = arith.constant 0 : i32
      %dma_start3A_247 = arith.constant 0 : i32
      %dma_start3A_248 = tpu.memref_slice %arg15[%dma_start3A_246, %dma_start3A_247] : memref<10240x64xf32, #tpu.memory_space<vmem_shared>> -> memref<10240x64xf32, #tpu.memory_space<vmem_shared>>
      tpu.enqueue_indirect_dma source(%arg13 : memref<128x64xf32, #tpu.memory_space<vmem>>) target(%dma_start3A_248 : memref<10240x64xf32, #tpu.memory_space<vmem_shared>>) offsets(%dma_start3A_245 : memref<128xi32, #tpu.memory_space<vmem>>) semaphore(%arg30 : memref<!tpu.dma_semaphore, #tpu.memory_space<semaphore_mem>>) {add = true}
      %dma_wait3A_249 = arith.constant 0 : i32
      %dma_wait3A_250 = tpu.memref_slice %arg5[%mul3A_150, %dma_wait3A_249] : memref<80x128xi32, #tpu.memory_space<vmem>> -> memref<1x128xi32, #tpu.memory_space<vmem>>
      %dma_wait3A_251 = tpu.memref_squeeze %dma_wait3A_250 : memref<1x128xi32, #tpu.memory_space<vmem>> -> memref<128xi32, #tpu.memory_space<vmem>>
      %dma_wait3A_252 = arith.constant 0 : i32
      %dma_wait3A_253 = arith.constant 0 : i32
      %dma_wait3A_254 = tpu.memref_slice %arg3[%dma_wait3A_252, %dma_wait3A_253] : memref<10240x64xf32, #tpu.memory_space<hbm>> -> memref<10240x64xf32, #tpu.memory_space<hbm>>
      tpu.wait_indirect_dma semaphore(%arg23 : memref<!tpu.dma_semaphore, #tpu.memory_space<semaphore_mem>>) src(%dma_wait3A_254 : memref<10240x64xf32, #tpu.memory_space<hbm>>) dst(%arg14 : memref<128x64xf32, #tpu.memory_space<vmem>>)
      %add3A_255 = arith.constant 7 : i32
      %add3A_256 = arith.addi %mul3A_150, %add3A_255 : i32
      %dma_start3A_257 = arith.constant 0 : i32
      %dma_start3A_258 = tpu.memref_slice %arg6[%add3A_256, %dma_start3A_257] : memref<80x128xi32, #tpu.memory_space<vmem>> -> memref<1x128xi32, #tpu.memory_space<vmem>>
      %dma_start3A_259 = tpu.memref_squeeze %dma_start3A_258 : memref<1x128xi32, #tpu.memory_space<vmem>> -> memref<128xi32, #tpu.memory_space<vmem>>
      %dma_start3A_260 = arith.constant 0 : i32
      %dma_start3A_261 = arith.constant 0 : i32
      %dma_start3A_262 = tpu.memref_slice %arg15[%dma_start3A_260, %dma_start3A_261] : memref<10240x64xf32, #tpu.memory_space<vmem_shared>> -> memref<10240x64xf32, #tpu.memory_space<vmem_shared>>
      tpu.enqueue_indirect_dma source(%arg14 : memref<128x64xf32, #tpu.memory_space<vmem>>) target(%dma_start3A_262 : memref<10240x64xf32, #tpu.memory_space<vmem_shared>>) offsets(%dma_start3A_259 : memref<128xi32, #tpu.memory_space<vmem>>) semaphore(%arg31 : memref<!tpu.dma_semaphore, #tpu.memory_space<semaphore_mem>>) {add = true}
      %dma_wait3A_263 = arith.constant 0 : i32
      %dma_wait3A_264 = tpu.memref_slice %arg6[%mul3A_150, %dma_wait3A_263] : memref<80x128xi32, #tpu.memory_space<vmem>> -> memref<1x128xi32, #tpu.memory_space<vmem>>
      %dma_wait3A_265 = tpu.memref_squeeze %dma_wait3A_264 : memref<1x128xi32, #tpu.memory_space<vmem>> -> memref<128xi32, #tpu.memory_space<vmem>>
      %dma_wait3A_266 = arith.constant 0 : i32
      %dma_wait3A_267 = arith.constant 0 : i32
      %dma_wait3A_268 = tpu.memref_slice %arg15[%dma_wait3A_266, %dma_wait3A_267] : memref<10240x64xf32, #tpu.memory_space<vmem_shared>> -> memref<10240x64xf32, #tpu.memory_space<vmem_shared>>
      tpu.wait_indirect_dma semaphore(%arg24 : memref<!tpu.dma_semaphore, #tpu.memory_space<semaphore_mem>>) src(%arg7 : memref<128x64xf32, #tpu.memory_space<vmem>>) dst(%dma_wait3A_268 : memref<10240x64xf32, #tpu.memory_space<vmem_shared>>)
      %add3A_269 = arith.constant 8 : i32
      %add3A_270 = arith.addi %mul3A_150, %add3A_269 : i32
      %add3A_271 = arith.constant 0 : i32
      %add3A_272 = arith.addi %add3A_270, %add3A_271 : i32
      %rem3A = arith.constant 80 : i32
      %rem3A_273 = arith.remsi %add3A_272, %rem3A : i32
      %dma_start3A_274 = arith.constant 0 : i32
      %dma_start3A_275 = tpu.memref_slice %arg5[%rem3A_273, %dma_start3A_274] : memref<80x128xi32, #tpu.memory_space<vmem>> -> memref<1x128xi32, #tpu.memory_space<vmem>>
      %dma_start3A_276 = tpu.memref_squeeze %dma_start3A_275 : memref<1x128xi32, #tpu.memory_space<vmem>> -> memref<128xi32, #tpu.memory_space<vmem>>
      %dma_start3A_277 = arith.constant 0 : i32
      %dma_start3A_278 = arith.constant 0 : i32
      %dma_start3A_279 = tpu.memref_slice %arg3[%dma_start3A_277, %dma_start3A_278] : memref<10240x64xf32, #tpu.memory_space<hbm>> -> memref<10240x64xf32, #tpu.memory_space<hbm>>
      tpu.enqueue_indirect_dma source(%dma_start3A_279 : memref<10240x64xf32, #tpu.memory_space<hbm>>) target(%arg7 : memref<128x64xf32, #tpu.memory_space<vmem>>) offsets(%dma_start3A_276 : memref<128xi32, #tpu.memory_space<vmem>>) semaphore(%arg16 : memref<!tpu.dma_semaphore, #tpu.memory_space<semaphore_mem>>)
      %dma_wait3A_280 = arith.constant 0 : i32
      %dma_wait3A_281 = tpu.memref_slice %arg6[%mul3A_150, %dma_wait3A_280] : memref<80x128xi32, #tpu.memory_space<vmem>> -> memref<1x128xi32, #tpu.memory_space<vmem>>
      %dma_wait3A_282 = tpu.memref_squeeze %dma_wait3A_281 : memref<1x128xi32, #tpu.memory_space<vmem>> -> memref<128xi32, #tpu.memory_space<vmem>>
      %dma_wait3A_283 = arith.constant 0 : i32
      %dma_wait3A_284 = arith.constant 0 : i32
      %dma_wait3A_285 = tpu.memref_slice %arg15[%dma_wait3A_283, %dma_wait3A_284] : memref<10240x64xf32, #tpu.memory_space<vmem_shared>> -> memref<10240x64xf32, #tpu.memory_space<vmem_shared>>
      tpu.wait_indirect_dma semaphore(%arg25 : memref<!tpu.dma_semaphore, #tpu.memory_space<semaphore_mem>>) src(%arg8 : memref<128x64xf32, #tpu.memory_space<vmem>>) dst(%dma_wait3A_285 : memref<10240x64xf32, #tpu.memory_space<vmem_shared>>)
      %add3A_286 = arith.constant 8 : i32
      %add3A_287 = arith.addi %mul3A_150, %add3A_286 : i32
      %add3A_288 = arith.constant 1 : i32
      %add3A_289 = arith.addi %add3A_287, %add3A_288 : i32
      %rem3A_290 = arith.constant 80 : i32
      %rem3A_291 = arith.remsi %add3A_289, %rem3A_290 : i32
      %dma_start3A_292 = arith.constant 0 : i32
      %dma_start3A_293 = tpu.memref_slice %arg5[%rem3A_291, %dma_start3A_292] : memref<80x128xi32, #tpu.memory_space<vmem>> -> memref<1x128xi32, #tpu.memory_space<vmem>>
      %dma_start3A_294 = tpu.memref_squeeze %dma_start3A_293 : memref<1x128xi32, #tpu.memory_space<vmem>> -> memref<128xi32, #tpu.memory_space<vmem>>
      %dma_start3A_295 = arith.constant 0 : i32
      %dma_start3A_296 = arith.constant 0 : i32
      %dma_start3A_297 = tpu.memref_slice %arg3[%dma_start3A_295, %dma_start3A_296] : memref<10240x64xf32, #tpu.memory_space<hbm>> -> memref<10240x64xf32, #tpu.memory_space<hbm>>
      tpu.enqueue_indirect_dma source(%dma_start3A_297 : memref<10240x64xf32, #tpu.memory_space<hbm>>) target(%arg8 : memref<128x64xf32, #tpu.memory_space<vmem>>) offsets(%dma_start3A_294 : memref<128xi32, #tpu.memory_space<vmem>>) semaphore(%arg17 : memref<!tpu.dma_semaphore, #tpu.memory_space<semaphore_mem>>)
      %dma_wait3A_298 = arith.constant 0 : i32
      %dma_wait3A_299 = tpu.memref_slice %arg6[%mul3A_150, %dma_wait3A_298] : memref<80x128xi32, #tpu.memory_space<vmem>> -> memref<1x128xi32, #tpu.memory_space<vmem>>
      %dma_wait3A_300 = tpu.memref_squeeze %dma_wait3A_299 : memref<1x128xi32, #tpu.memory_space<vmem>> -> memref<128xi32, #tpu.memory_space<vmem>>
      %dma_wait3A_301 = arith.constant 0 : i32
      %dma_wait3A_302 = arith.constant 0 : i32
      %dma_wait3A_303 = tpu.memref_slice %arg15[%dma_wait3A_301, %dma_wait3A_302] : memref<10240x64xf32, #tpu.memory_space<vmem_shared>> -> memref<10240x64xf32, #tpu.memory_space<vmem_shared>>
      tpu.wait_indirect_dma semaphore(%arg26 : memref<!tpu.dma_semaphore, #tpu.memory_space<semaphore_mem>>) src(%arg9 : memref<128x64xf32, #tpu.memory_space<vmem>>) dst(%dma_wait3A_303 : memref<10240x64xf32, #tpu.memory_space<vmem_shared>>)
      %add3A_304 = arith.constant 8 : i32
      %add3A_305 = arith.addi %mul3A_150, %add3A_304 : i32
      %add3A_306 = arith.constant 2 : i32
      %add3A_307 = arith.addi %add3A_305, %add3A_306 : i32
      %rem3A_308 = arith.constant 80 : i32
      %rem3A_309 = arith.remsi %add3A_307, %rem3A_308 : i32
      %dma_start3A_310 = arith.constant 0 : i32
      %dma_start3A_311 = tpu.memref_slice %arg5[%rem3A_309, %dma_start3A_310] : memref<80x128xi32, #tpu.memory_space<vmem>> -> memref<1x128xi32, #tpu.memory_space<vmem>>
      %dma_start3A_312 = tpu.memref_squeeze %dma_start3A_311 : memref<1x128xi32, #tpu.memory_space<vmem>> -> memref<128xi32, #tpu.memory_space<vmem>>
      %dma_start3A_313 = arith.constant 0 : i32
      %dma_start3A_314 = arith.constant 0 : i32
      %dma_start3A_315 = tpu.memref_slice %arg3[%dma_start3A_313, %dma_start3A_314] : memref<10240x64xf32, #tpu.memory_space<hbm>> -> memref<10240x64xf32, #tpu.memory_space<hbm>>
      tpu.enqueue_indirect_dma source(%dma_start3A_315 : memref<10240x64xf32, #tpu.memory_space<hbm>>) target(%arg9 : memref<128x64xf32, #tpu.memory_space<vmem>>) offsets(%dma_start3A_312 : memref<128xi32, #tpu.memory_space<vmem>>) semaphore(%arg18 : memref<!tpu.dma_semaphore, #tpu.memory_space<semaphore_mem>>)
      %dma_wait3A_316 = arith.constant 0 : i32
      %dma_wait3A_317 = tpu.memref_slice %arg6[%mul3A_150, %dma_wait3A_316] : memref<80x128xi32, #tpu.memory_space<vmem>> -> memref<1x128xi32, #tpu.memory_space<vmem>>
      %dma_wait3A_318 = tpu.memref_squeeze %dma_wait3A_317 : memref<1x128xi32, #tpu.memory_space<vmem>> -> memref<128xi32, #tpu.memory_space<vmem>>
      %dma_wait3A_319 = arith.constant 0 : i32
      %dma_wait3A_320 = arith.constant 0 : i32
      %dma_wait3A_321 = tpu.memref_slice %arg15[%dma_wait3A_319, %dma_wait3A_320] : memref<10240x64xf32, #tpu.memory_space<vmem_shared>> -> memref<10240x64xf32, #tpu.memory_space<vmem_shared>>
      tpu.wait_indirect_dma semaphore(%arg27 : memref<!tpu.dma_semaphore, #tpu.memory_space<semaphore_mem>>) src(%arg10 : memref<128x64xf32, #tpu.memory_space<vmem>>) dst(%dma_wait3A_321 : memref<10240x64xf32, #tpu.memory_space<vmem_shared>>)
      %add3A_322 = arith.constant 8 : i32
      %add3A_323 = arith.addi %mul3A_150, %add3A_322 : i32
      %add3A_324 = arith.constant 3 : i32
      %add3A_325 = arith.addi %add3A_323, %add3A_324 : i32
      %rem3A_326 = arith.constant 80 : i32
      %rem3A_327 = arith.remsi %add3A_325, %rem3A_326 : i32
      %dma_start3A_328 = arith.constant 0 : i32
      %dma_start3A_329 = tpu.memref_slice %arg5[%rem3A_327, %dma_start3A_328] : memref<80x128xi32, #tpu.memory_space<vmem>> -> memref<1x128xi32, #tpu.memory_space<vmem>>
      %dma_start3A_330 = tpu.memref_squeeze %dma_start3A_329 : memref<1x128xi32, #tpu.memory_space<vmem>> -> memref<128xi32, #tpu.memory_space<vmem>>
      %dma_start3A_331 = arith.constant 0 : i32
      %dma_start3A_332 = arith.constant 0 : i32
      %dma_start3A_333 = tpu.memref_slice %arg3[%dma_start3A_331, %dma_start3A_332] : memref<10240x64xf32, #tpu.memory_space<hbm>> -> memref<10240x64xf32, #tpu.memory_space<hbm>>
      tpu.enqueue_indirect_dma source(%dma_start3A_333 : memref<10240x64xf32, #tpu.memory_space<hbm>>) target(%arg10 : memref<128x64xf32, #tpu.memory_space<vmem>>) offsets(%dma_start3A_330 : memref<128xi32, #tpu.memory_space<vmem>>) semaphore(%arg19 : memref<!tpu.dma_semaphore, #tpu.memory_space<semaphore_mem>>)
      %dma_wait3A_334 = arith.constant 0 : i32
      %dma_wait3A_335 = tpu.memref_slice %arg6[%mul3A_150, %dma_wait3A_334] : memref<80x128xi32, #tpu.memory_space<vmem>> -> memref<1x128xi32, #tpu.memory_space<vmem>>
      %dma_wait3A_336 = tpu.memref_squeeze %dma_wait3A_335 : memref<1x128xi32, #tpu.memory_space<vmem>> -> memref<128xi32, #tpu.memory_space<vmem>>
      %dma_wait3A_337 = arith.constant 0 : i32
      %dma_wait3A_338 = arith.constant 0 : i32
      %dma_wait3A_339 = tpu.memref_slice %arg15[%dma_wait3A_337, %dma_wait3A_338] : memref<10240x64xf32, #tpu.memory_space<vmem_shared>> -> memref<10240x64xf32, #tpu.memory_space<vmem_shared>>
      tpu.wait_indirect_dma semaphore(%arg28 : memref<!tpu.dma_semaphore, #tpu.memory_space<semaphore_mem>>) src(%arg11 : memref<128x64xf32, #tpu.memory_space<vmem>>) dst(%dma_wait3A_339 : memref<10240x64xf32, #tpu.memory_space<vmem_shared>>)
      %add3A_340 = arith.constant 8 : i32
      %add3A_341 = arith.addi %mul3A_150, %add3A_340 : i32
      %add3A_342 = arith.constant 4 : i32
      %add3A_343 = arith.addi %add3A_341, %add3A_342 : i32
      %rem3A_344 = arith.constant 80 : i32
      %rem3A_345 = arith.remsi %add3A_343, %rem3A_344 : i32
      %dma_start3A_346 = arith.constant 0 : i32
      %dma_start3A_347 = tpu.memref_slice %arg5[%rem3A_345, %dma_start3A_346] : memref<80x128xi32, #tpu.memory_space<vmem>> -> memref<1x128xi32, #tpu.memory_space<vmem>>
      %dma_start3A_348 = tpu.memref_squeeze %dma_start3A_347 : memref<1x128xi32, #tpu.memory_space<vmem>> -> memref<128xi32, #tpu.memory_space<vmem>>
      %dma_start3A_349 = arith.constant 0 : i32
      %dma_start3A_350 = arith.constant 0 : i32
      %dma_start3A_351 = tpu.memref_slice %arg3[%dma_start3A_349, %dma_start3A_350] : memref<10240x64xf32, #tpu.memory_space<hbm>> -> memref<10240x64xf32, #tpu.memory_space<hbm>>
      tpu.enqueue_indirect_dma source(%dma_start3A_351 : memref<10240x64xf32, #tpu.memory_space<hbm>>) target(%arg11 : memref<128x64xf32, #tpu.memory_space<vmem>>) offsets(%dma_start3A_348 : memref<128xi32, #tpu.memory_space<vmem>>) semaphore(%arg20 : memref<!tpu.dma_semaphore, #tpu.memory_space<semaphore_mem>>)
      %dma_wait3A_352 = arith.constant 0 : i32
      %dma_wait3A_353 = tpu.memref_slice %arg6[%mul3A_150, %dma_wait3A_352] : memref<80x128xi32, #tpu.memory_space<vmem>> -> memref<1x128xi32, #tpu.memory_space<vmem>>
      %dma_wait3A_354 = tpu.memref_squeeze %dma_wait3A_353 : memref<1x128xi32, #tpu.memory_space<vmem>> -> memref<128xi32, #tpu.memory_space<vmem>>
      %dma_wait3A_355 = arith.constant 0 : i32
      %dma_wait3A_356 = arith.constant 0 : i32
      %dma_wait3A_357 = tpu.memref_slice %arg15[%dma_wait3A_355, %dma_wait3A_356] : memref<10240x64xf32, #tpu.memory_space<vmem_shared>> -> memref<10240x64xf32, #tpu.memory_space<vmem_shared>>
      tpu.wait_indirect_dma semaphore(%arg29 : memref<!tpu.dma_semaphore, #tpu.memory_space<semaphore_mem>>) src(%arg12 : memref<128x64xf32, #tpu.memory_space<vmem>>) dst(%dma_wait3A_357 : memref<10240x64xf32, #tpu.memory_space<vmem_shared>>)
      %add3A_358 = arith.constant 8 : i32
      %add3A_359 = arith.addi %mul3A_150, %add3A_358 : i32
      %add3A_360 = arith.constant 5 : i32
      %add3A_361 = arith.addi %add3A_359, %add3A_360 : i32
      %rem3A_362 = arith.constant 80 : i32
      %rem3A_363 = arith.remsi %add3A_361, %rem3A_362 : i32
      %dma_start3A_364 = arith.constant 0 : i32
      %dma_start3A_365 = tpu.memref_slice %arg5[%rem3A_363, %dma_start3A_364] : memref<80x128xi32, #tpu.memory_space<vmem>> -> memref<1x128xi32, #tpu.memory_space<vmem>>
      %dma_start3A_366 = tpu.memref_squeeze %dma_start3A_365 : memref<1x128xi32, #tpu.memory_space<vmem>> -> memref<128xi32, #tpu.memory_space<vmem>>
      %dma_start3A_367 = arith.constant 0 : i32
      %dma_start3A_368 = arith.constant 0 : i32
      %dma_start3A_369 = tpu.memref_slice %arg3[%dma_start3A_367, %dma_start3A_368] : memref<10240x64xf32, #tpu.memory_space<hbm>> -> memref<10240x64xf32, #tpu.memory_space<hbm>>
      tpu.enqueue_indirect_dma source(%dma_start3A_369 : memref<10240x64xf32, #tpu.memory_space<hbm>>) target(%arg12 : memref<128x64xf32, #tpu.memory_space<vmem>>) offsets(%dma_start3A_366 : memref<128xi32, #tpu.memory_space<vmem>>) semaphore(%arg21 : memref<!tpu.dma_semaphore, #tpu.memory_space<semaphore_mem>>)
      %dma_wait3A_370 = arith.constant 0 : i32
      %dma_wait3A_371 = tpu.memref_slice %arg6[%mul3A_150, %dma_wait3A_370] : memref<80x128xi32, #tpu.memory_space<vmem>> -> memref<1x128xi32, #tpu.memory_space<vmem>>
      %dma_wait3A_372 = tpu.memref_squeeze %dma_wait3A_371 : memref<1x128xi32, #tpu.memory_space<vmem>> -> memref<128xi32, #tpu.memory_space<vmem>>
      %dma_wait3A_373 = arith.constant 0 : i32
      %dma_wait3A_374 = arith.constant 0 : i32
      %dma_wait3A_375 = tpu.memref_slice %arg15[%dma_wait3A_373, %dma_wait3A_374] : memref<10240x64xf32, #tpu.memory_space<vmem_shared>> -> memref<10240x64xf32, #tpu.memory_space<vmem_shared>>
      tpu.wait_indirect_dma semaphore(%arg30 : memref<!tpu.dma_semaphore, #tpu.memory_space<semaphore_mem>>) src(%arg13 : memref<128x64xf32, #tpu.memory_space<vmem>>) dst(%dma_wait3A_375 : memref<10240x64xf32, #tpu.memory_space<vmem_shared>>)
      %add3A_376 = arith.constant 8 : i32
      %add3A_377 = arith.addi %mul3A_150, %add3A_376 : i32
      %add3A_378 = arith.constant 6 : i32
      %add3A_379 = arith.addi %add3A_377, %add3A_378 : i32
      %rem3A_380 = arith.constant 80 : i32
      %rem3A_381 = arith.remsi %add3A_379, %rem3A_380 : i32
      %dma_start3A_382 = arith.constant 0 : i32
      %dma_start3A_383 = tpu.memref_slice %arg5[%rem3A_381, %dma_start3A_382] : memref<80x128xi32, #tpu.memory_space<vmem>> -> memref<1x128xi32, #tpu.memory_space<vmem>>
      %dma_start3A_384 = tpu.memref_squeeze %dma_start3A_383 : memref<1x128xi32, #tpu.memory_space<vmem>> -> memref<128xi32, #tpu.memory_space<vmem>>
      %dma_start3A_385 = arith.constant 0 : i32
      %dma_start3A_386 = arith.constant 0 : i32
      %dma_start3A_387 = tpu.memref_slice %arg3[%dma_start3A_385, %dma_start3A_386] : memref<10240x64xf32, #tpu.memory_space<hbm>> -> memref<10240x64xf32, #tpu.memory_space<hbm>>
      tpu.enqueue_indirect_dma source(%dma_start3A_387 : memref<10240x64xf32, #tpu.memory_space<hbm>>) target(%arg13 : memref<128x64xf32, #tpu.memory_space<vmem>>) offsets(%dma_start3A_384 : memref<128xi32, #tpu.memory_space<vmem>>) semaphore(%arg22 : memref<!tpu.dma_semaphore, #tpu.memory_space<semaphore_mem>>)
      %dma_wait3A_388 = arith.constant 0 : i32
      %dma_wait3A_389 = tpu.memref_slice %arg6[%mul3A_150, %dma_wait3A_388] : memref<80x128xi32, #tpu.memory_space<vmem>> -> memref<1x128xi32, #tpu.memory_space<vmem>>
      %dma_wait3A_390 = tpu.memref_squeeze %dma_wait3A_389 : memref<1x128xi32, #tpu.memory_space<vmem>> -> memref<128xi32, #tpu.memory_space<vmem>>
      %dma_wait3A_391 = arith.constant 0 : i32
      %dma_wait3A_392 = arith.constant 0 : i32
      %dma_wait3A_393 = tpu.memref_slice %arg15[%dma_wait3A_391, %dma_wait3A_392] : memref<10240x64xf32, #tpu.memory_space<vmem_shared>> -> memref<10240x64xf32, #tpu.memory_space<vmem_shared>>
      tpu.wait_indirect_dma semaphore(%arg31 : memref<!tpu.dma_semaphore, #tpu.memory_space<semaphore_mem>>) src(%arg14 : memref<128x64xf32, #tpu.memory_space<vmem>>) dst(%dma_wait3A_393 : memref<10240x64xf32, #tpu.memory_space<vmem_shared>>)
      %add3A_394 = arith.constant 8 : i32
      %add3A_395 = arith.addi %mul3A_150, %add3A_394 : i32
      %add3A_396 = arith.constant 7 : i32
      %add3A_397 = arith.addi %add3A_395, %add3A_396 : i32
      %rem3A_398 = arith.constant 80 : i32
      %rem3A_399 = arith.remsi %add3A_397, %rem3A_398 : i32
      %dma_start3A_400 = arith.constant 0 : i32
      %dma_start3A_401 = tpu.memref_slice %arg5[%rem3A_399, %dma_start3A_400] : memref<80x128xi32, #tpu.memory_space<vmem>> -> memref<1x128xi32, #tpu.memory_space<vmem>>
      %dma_start3A_402 = tpu.memref_squeeze %dma_start3A_401 : memref<1x128xi32, #tpu.memory_space<vmem>> -> memref<128xi32, #tpu.memory_space<vmem>>
      %dma_start3A_403 = arith.constant 0 : i32
      %dma_start3A_404 = arith.constant 0 : i32
      %dma_start3A_405 = tpu.memref_slice %arg3[%dma_start3A_403, %dma_start3A_404] : memref<10240x64xf32, #tpu.memory_space<hbm>> -> memref<10240x64xf32, #tpu.memory_space<hbm>>
      tpu.enqueue_indirect_dma source(%dma_start3A_405 : memref<10240x64xf32, #tpu.memory_space<hbm>>) target(%arg14 : memref<128x64xf32, #tpu.memory_space<vmem>>) offsets(%dma_start3A_402 : memref<128xi32, #tpu.memory_space<vmem>>) semaphore(%arg23 : memref<!tpu.dma_semaphore, #tpu.memory_space<semaphore_mem>>)
    }
    %scan3A_87 = arith.constant 10 : i32
    %dma_wait3A = arith.constant 0 : i32
    %dma_wait3A_88 = arith.constant 0 : i32
    %dma_wait3A_89 = tpu.memref_slice %arg5[%dma_wait3A, %dma_wait3A_88] : memref<80x128xi32, #tpu.memory_space<vmem>> -> memref<1x128xi32, #tpu.memory_space<vmem>>
    %dma_wait3A_90 = tpu.memref_squeeze %dma_wait3A_89 : memref<1x128xi32, #tpu.memory_space<vmem>> -> memref<128xi32, #tpu.memory_space<vmem>>
    %dma_wait3A_91 = arith.constant 0 : i32
    %dma_wait3A_92 = arith.constant 0 : i32
    %dma_wait3A_93 = tpu.memref_slice %arg3[%dma_wait3A_91, %dma_wait3A_92] : memref<10240x64xf32, #tpu.memory_space<hbm>> -> memref<10240x64xf32, #tpu.memory_space<hbm>>
    tpu.wait_indirect_dma semaphore(%arg16 : memref<!tpu.dma_semaphore, #tpu.memory_space<semaphore_mem>>) src(%dma_wait3A_93 : memref<10240x64xf32, #tpu.memory_space<hbm>>) dst(%arg7 : memref<128x64xf32, #tpu.memory_space<vmem>>)
    %dma_wait3A_94 = arith.constant 1 : i32
    %dma_wait3A_95 = arith.constant 0 : i32
    %dma_wait3A_96 = tpu.memref_slice %arg5[%dma_wait3A_94, %dma_wait3A_95] : memref<80x128xi32, #tpu.memory_space<vmem>> -> memref<1x128xi32, #tpu.memory_space<vmem>>
    %dma_wait3A_97 = tpu.memref_squeeze %dma_wait3A_96 : memref<1x128xi32, #tpu.memory_space<vmem>> -> memref<128xi32, #tpu.memory_space<vmem>>
    %dma_wait3A_98 = arith.constant 0 : i32
    %dma_wait3A_99 = arith.constant 0 : i32
    %dma_wait3A_100 = tpu.memref_slice %arg3[%dma_wait3A_98, %dma_wait3A_99] : memref<10240x64xf32, #tpu.memory_space<hbm>> -> memref<10240x64xf32, #tpu.memory_space<hbm>>
    tpu.wait_indirect_dma semaphore(%arg17 : memref<!tpu.dma_semaphore, #tpu.memory_space<semaphore_mem>>) src(%dma_wait3A_100 : memref<10240x64xf32, #tpu.memory_space<hbm>>) dst(%arg8 : memref<128x64xf32, #tpu.memory_space<vmem>>)
    %dma_wait3A_101 = arith.constant 2 : i32
    %dma_wait3A_102 = arith.constant 0 : i32
    %dma_wait3A_103 = tpu.memref_slice %arg5[%dma_wait3A_101, %dma_wait3A_102] : memref<80x128xi32, #tpu.memory_space<vmem>> -> memref<1x128xi32, #tpu.memory_space<vmem>>
    %dma_wait3A_104 = tpu.memref_squeeze %dma_wait3A_103 : memref<1x128xi32, #tpu.memory_space<vmem>> -> memref<128xi32, #tpu.memory_space<vmem>>
    %dma_wait3A_105 = arith.constant 0 : i32
    %dma_wait3A_106 = arith.constant 0 : i32
    %dma_wait3A_107 = tpu.memref_slice %arg3[%dma_wait3A_105, %dma_wait3A_106] : memref<10240x64xf32, #tpu.memory_space<hbm>> -> memref<10240x64xf32, #tpu.memory_space<hbm>>
    tpu.wait_indirect_dma semaphore(%arg18 : memref<!tpu.dma_semaphore, #tpu.memory_space<semaphore_mem>>) src(%dma_wait3A_107 : memref<10240x64xf32, #tpu.memory_space<hbm>>) dst(%arg9 : memref<128x64xf32, #tpu.memory_space<vmem>>)
    %dma_wait3A_108 = arith.constant 3 : i32
    %dma_wait3A_109 = arith.constant 0 : i32
    %dma_wait3A_110 = tpu.memref_slice %arg5[%dma_wait3A_108, %dma_wait3A_109] : memref<80x128xi32, #tpu.memory_space<vmem>> -> memref<1x128xi32, #tpu.memory_space<vmem>>
    %dma_wait3A_111 = tpu.memref_squeeze %dma_wait3A_110 : memref<1x128xi32, #tpu.memory_space<vmem>> -> memref<128xi32, #tpu.memory_space<vmem>>
    %dma_wait3A_112 = arith.constant 0 : i32
    %dma_wait3A_113 = arith.constant 0 : i32
    %dma_wait3A_114 = tpu.memref_slice %arg3[%dma_wait3A_112, %dma_wait3A_113] : memref<10240x64xf32, #tpu.memory_space<hbm>> -> memref<10240x64xf32, #tpu.memory_space<hbm>>
    tpu.wait_indirect_dma semaphore(%arg19 : memref<!tpu.dma_semaphore, #tpu.memory_space<semaphore_mem>>) src(%dma_wait3A_114 : memref<10240x64xf32, #tpu.memory_space<hbm>>) dst(%arg10 : memref<128x64xf32, #tpu.memory_space<vmem>>)
    %dma_wait3A_115 = arith.constant 4 : i32
    %dma_wait3A_116 = arith.constant 0 : i32
    %dma_wait3A_117 = tpu.memref_slice %arg5[%dma_wait3A_115, %dma_wait3A_116] : memref<80x128xi32, #tpu.memory_space<vmem>> -> memref<1x128xi32, #tpu.memory_space<vmem>>
    %dma_wait3A_118 = tpu.memref_squeeze %dma_wait3A_117 : memref<1x128xi32, #tpu.memory_space<vmem>> -> memref<128xi32, #tpu.memory_space<vmem>>
    %dma_wait3A_119 = arith.constant 0 : i32
    %dma_wait3A_120 = arith.constant 0 : i32
    %dma_wait3A_121 = tpu.memref_slice %arg3[%dma_wait3A_119, %dma_wait3A_120] : memref<10240x64xf32, #tpu.memory_space<hbm>> -> memref<10240x64xf32, #tpu.memory_space<hbm>>
    tpu.wait_indirect_dma semaphore(%arg20 : memref<!tpu.dma_semaphore, #tpu.memory_space<semaphore_mem>>) src(%dma_wait3A_121 : memref<10240x64xf32, #tpu.memory_space<hbm>>) dst(%arg11 : memref<128x64xf32, #tpu.memory_space<vmem>>)
    %dma_wait3A_122 = arith.constant 5 : i32
    %dma_wait3A_123 = arith.constant 0 : i32
    %dma_wait3A_124 = tpu.memref_slice %arg5[%dma_wait3A_122, %dma_wait3A_123] : memref<80x128xi32, #tpu.memory_space<vmem>> -> memref<1x128xi32, #tpu.memory_space<vmem>>
    %dma_wait3A_125 = tpu.memref_squeeze %dma_wait3A_124 : memref<1x128xi32, #tpu.memory_space<vmem>> -> memref<128xi32, #tpu.memory_space<vmem>>
    %dma_wait3A_126 = arith.constant 0 : i32
    %dma_wait3A_127 = arith.constant 0 : i32
    %dma_wait3A_128 = tpu.memref_slice %arg3[%dma_wait3A_126, %dma_wait3A_127] : memref<10240x64xf32, #tpu.memory_space<hbm>> -> memref<10240x64xf32, #tpu.memory_space<hbm>>
    tpu.wait_indirect_dma semaphore(%arg21 : memref<!tpu.dma_semaphore, #tpu.memory_space<semaphore_mem>>) src(%dma_wait3A_128 : memref<10240x64xf32, #tpu.memory_space<hbm>>) dst(%arg12 : memref<128x64xf32, #tpu.memory_space<vmem>>)
    %dma_wait3A_129 = arith.constant 6 : i32
    %dma_wait3A_130 = arith.constant 0 : i32
    %dma_wait3A_131 = tpu.memref_slice %arg5[%dma_wait3A_129, %dma_wait3A_130] : memref<80x128xi32, #tpu.memory_space<vmem>> -> memref<1x128xi32, #tpu.memory_space<vmem>>
    %dma_wait3A_132 = tpu.memref_squeeze %dma_wait3A_131 : memref<1x128xi32, #tpu.memory_space<vmem>> -> memref<128xi32, #tpu.memory_space<vmem>>
    %dma_wait3A_133 = arith.constant 0 : i32
    %dma_wait3A_134 = arith.constant 0 : i32
    %dma_wait3A_135 = tpu.memref_slice %arg3[%dma_wait3A_133, %dma_wait3A_134] : memref<10240x64xf32, #tpu.memory_space<hbm>> -> memref<10240x64xf32, #tpu.memory_space<hbm>>
    tpu.wait_indirect_dma semaphore(%arg22 : memref<!tpu.dma_semaphore, #tpu.memory_space<semaphore_mem>>) src(%dma_wait3A_135 : memref<10240x64xf32, #tpu.memory_space<hbm>>) dst(%arg13 : memref<128x64xf32, #tpu.memory_space<vmem>>)
    %dma_wait3A_136 = arith.constant 7 : i32
    %dma_wait3A_137 = arith.constant 0 : i32
    %dma_wait3A_138 = tpu.memref_slice %arg5[%dma_wait3A_136, %dma_wait3A_137] : memref<80x128xi32, #tpu.memory_space<vmem>> -> memref<1x128xi32, #tpu.memory_space<vmem>>
    %dma_wait3A_139 = tpu.memref_squeeze %dma_wait3A_138 : memref<1x128xi32, #tpu.memory_space<vmem>> -> memref<128xi32, #tpu.memory_space<vmem>>
    %dma_wait3A_140 = arith.constant 0 : i32
    %dma_wait3A_141 = arith.constant 0 : i32
    %dma_wait3A_142 = tpu.memref_slice %arg3[%dma_wait3A_140, %dma_wait3A_141] : memref<10240x64xf32, #tpu.memory_space<hbm>> -> memref<10240x64xf32, #tpu.memory_space<hbm>>
    tpu.wait_indirect_dma semaphore(%arg23 : memref<!tpu.dma_semaphore, #tpu.memory_space<semaphore_mem>>) src(%dma_wait3A_142 : memref<10240x64xf32, #tpu.memory_space<hbm>>) dst(%arg14 : memref<128x64xf32, #tpu.memory_space<vmem>>)
    %barrier3A_143 = arith.constant 0 : index
    tpu.barrier barrier_id(%barrier3A_143)
    %mul3A_144 = arith.constant 640 : i32
    %mul3A_145 = arith.muli %arg1, %mul3A_144 : i32
    %mul3A_146 = arith.constant 640 : i32
    %mul3A_147 = arith.muli %arg1, %mul3A_146 : i32
    "tpu.region"() ({
      %run_scoped3A_148 = tpu.sem_alloc : memref<!tpu.dma_semaphore, #tpu.memory_space<semaphore_mem>>
      %dma_start3A_149 = arith.constant 0 : i32
      %dma_start3A_150 = tpu.memref_slice %arg4[%arg0, %mul3A_147, %dma_start3A_149] : memref<2x10240x64xf32, #tpu.memory_space<hbm>> -> memref<1x640x64xf32, #tpu.memory_space<hbm>>
      %dma_start3A_151 = tpu.memref_squeeze %dma_start3A_150 : memref<1x640x64xf32, #tpu.memory_space<hbm>> -> memref<640x64xf32, #tpu.memory_space<hbm>>
      %dma_start3A_152 = arith.constant 0 : i32
      %dma_start3A_153 = tpu.memref_slice %arg15[%mul3A_145, %dma_start3A_152] : memref<10240x64xf32, #tpu.memory_space<vmem_shared>> -> memref<640x64xf32, #tpu.memory_space<vmem_shared>>
      tpu.enqueue_dma source(%dma_start3A_153 : memref<640x64xf32, #tpu.memory_space<vmem_shared>>) target(%dma_start3A_151 : memref<640x64xf32, #tpu.memory_space<hbm>>) target_semaphore(%run_scoped3A_148 : memref<!tpu.dma_semaphore, #tpu.memory_space<semaphore_mem>>)
      %dma_wait3A_154 = arith.constant 0 : i32
      %dma_wait3A_155 = tpu.memref_slice %arg4[%arg0, %mul3A_147, %dma_wait3A_154] : memref<2x10240x64xf32, #tpu.memory_space<hbm>> -> memref<1x640x64xf32, #tpu.memory_space<hbm>>
      %dma_wait3A_156 = tpu.memref_squeeze %dma_wait3A_155 : memref<1x640x64xf32, #tpu.memory_space<hbm>> -> memref<640x64xf32, #tpu.memory_space<hbm>>
      %dma_wait3A_157 = arith.constant 0 : i32
      %dma_wait3A_158 = tpu.memref_slice %arg15[%mul3A_145, %dma_wait3A_157] : memref<10240x64xf32, #tpu.memory_space<vmem_shared>> -> memref<640x64xf32, #tpu.memory_space<vmem_shared>>
      tpu.wait_dma2 semaphore(%run_scoped3A_148 : memref<!tpu.dma_semaphore, #tpu.memory_space<semaphore_mem>>) src(%dma_wait3A_158 : memref<640x64xf32, #tpu.memory_space<vmem_shared>>) dst(%dma_wait3A_156 : memref<640x64xf32, #tpu.memory_space<hbm>>)
      tpu.yield
    }) : () -> ()
    return
  }
}

#map = affine_map<(d0, d1) -> (0, 0, 0, 0)>
#map1 = affine_map<(d0, d1) -> (0, 0)>
#map2 = affine_map<(d0, d1) -> (0, 0, 0)>
module attributes {stable_mosaic.version = 14 : i64} {
  func.func @_agg_body(%arg0: i32, %arg1: i32, %arg2: memref<2x32x80x128xi32, #tpu.memory_space<hbm>>, %arg3: memref<10240x64xf32, #tpu.memory_space<hbm>>, %arg4: memref<2x10240x64xf32, #tpu.memory_space<hbm>>, %arg5: memref<80x128xi32, #tpu.memory_space<vmem>>, %arg6: memref<80x128xi32, #tpu.memory_space<vmem>>, %arg7: memref<128x64xf32, #tpu.memory_space<vmem>>, %arg8: memref<128x64xf32, #tpu.memory_space<vmem>>, %arg9: memref<128x64xf32, #tpu.memory_space<vmem>>, %arg10: memref<128x64xf32, #tpu.memory_space<vmem>>, %arg11: memref<128x64xf32, #tpu.memory_space<vmem>>, %arg12: memref<128x64xf32, #tpu.memory_space<vmem>>, %arg13: memref<128x64xf32, #tpu.memory_space<vmem>>, %arg14: memref<128x64xf32, #tpu.memory_space<vmem>>, %arg15: memref<10240x64xf32, #tpu.memory_space<vmem_shared>>, %arg16: memref<!tpu.dma_semaphore, #tpu.memory_space<semaphore_mem>>, %arg17: memref<!tpu.dma_semaphore, #tpu.memory_space<semaphore_mem>>, %arg18: memref<!tpu.dma_semaphore, #tpu.memory_space<semaphore_mem>>, %arg19: memref<!tpu.dma_semaphore, #tpu.memory_space<semaphore_mem>>, %arg20: memref<!tpu.dma_semaphore, #tpu.memory_space<semaphore_mem>>, %arg21: memref<!tpu.dma_semaphore, #tpu.memory_space<semaphore_mem>>, %arg22: memref<!tpu.dma_semaphore, #tpu.memory_space<semaphore_mem>>, %arg23: memref<!tpu.dma_semaphore, #tpu.memory_space<semaphore_mem>>, %arg24: memref<!tpu.dma_semaphore, #tpu.memory_space<semaphore_mem>>, %arg25: memref<!tpu.dma_semaphore, #tpu.memory_space<semaphore_mem>>, %arg26: memref<!tpu.dma_semaphore, #tpu.memory_space<semaphore_mem>>, %arg27: memref<!tpu.dma_semaphore, #tpu.memory_space<semaphore_mem>>, %arg28: memref<!tpu.dma_semaphore, #tpu.memory_space<semaphore_mem>>, %arg29: memref<!tpu.dma_semaphore, #tpu.memory_space<semaphore_mem>>, %arg30: memref<!tpu.dma_semaphore, #tpu.memory_space<semaphore_mem>>, %arg31: memref<!tpu.dma_semaphore, #tpu.memory_space<semaphore_mem>>) attributes {dimension_semantics = [#tpu.dimension_semantics<core_parallel>, #tpu.dimension_semantics<subcore_parallel>], iteration_bounds = array<i64: 2, 16>, scalar_prefetch = 0 : i64, scratch_operands = 27 : i64, tpu.core_type = #tpu.core_type<sc_vector_subcore>, window_params = [{transform_indices = #map}, {transform_indices = #map1}, {transform_indices = #map2}]} {
    %mul3A = arith.constant 16 : i32
    %mul3A_0 = arith.muli %arg0, %mul3A : i32
    %add3A = arith.addi %mul3A_0, %arg1 : i32
    %run_scoped3A = arith.constant 0 : i32
    "tpu.region"() ({
      %run_scoped3A_148 = tpu.sem_alloc : memref<!tpu.dma_semaphore, #tpu.memory_space<semaphore_mem>>
      %dma_start3A_149 = arith.constant 0 : i32
      %dma_start3A_150 = arith.constant 0 : i32
      %dma_start3A_151 = tpu.memref_slice %arg2[%run_scoped3A, %add3A, %dma_start3A_149, %dma_start3A_150] : memref<2x32x80x128xi32, #tpu.memory_space<hbm>> -> memref<1x1x80x128xi32, #tpu.memory_space<hbm>>
      %dma_start3A_152 = tpu.memref_squeeze %dma_start3A_151 : memref<1x1x80x128xi32, #tpu.memory_space<hbm>> -> memref<80x128xi32, #tpu.memory_space<hbm>>
      %dma_start3A_153 = arith.constant 0 : i32
      %dma_start3A_154 = arith.constant 0 : i32
      %dma_start3A_155 = tpu.memref_slice %arg2[%run_scoped3A, %add3A, %dma_start3A_153, %dma_start3A_154] : memref<2x32x80x128xi32, #tpu.memory_space<hbm>> -> memref<1x1x80x128xi32, #tpu.memory_space<hbm>>
      %dma_start3A_156 = tpu.memref_squeeze %dma_start3A_155 : memref<1x1x80x128xi32, #tpu.memory_space<hbm>> -> memref<80x128xi32, #tpu.memory_space<hbm>>
      tpu.enqueue_dma source(%dma_start3A_156 : memref<80x128xi32, #tpu.memory_space<hbm>>) target(%arg5 : memref<80x128xi32, #tpu.memory_space<vmem>>) target_semaphore(%run_scoped3A_148 : memref<!tpu.dma_semaphore, #tpu.memory_space<semaphore_mem>>)
      %dma_wait3A_157 = arith.constant 0 : i32
      %dma_wait3A_158 = arith.constant 0 : i32
      %dma_wait3A_159 = tpu.memref_slice %arg2[%run_scoped3A, %add3A, %dma_wait3A_157, %dma_wait3A_158] : memref<2x32x80x128xi32, #tpu.memory_space<hbm>> -> memref<1x1x80x128xi32, #tpu.memory_space<hbm>>
      %dma_wait3A_160 = tpu.memref_squeeze %dma_wait3A_159 : memref<1x1x80x128xi32, #tpu.memory_space<hbm>> -> memref<80x128xi32, #tpu.memory_space<hbm>>
      %dma_wait3A_161 = arith.constant 0 : i32
      %dma_wait3A_162 = arith.constant 0 : i32
      %dma_wait3A_163 = tpu.memref_slice %arg2[%run_scoped3A, %add3A, %dma_wait3A_161, %dma_wait3A_162] : memref<2x32x80x128xi32, #tpu.memory_space<hbm>> -> memref<1x1x80x128xi32, #tpu.memory_space<hbm>>
      %dma_wait3A_164 = tpu.memref_squeeze %dma_wait3A_163 : memref<1x1x80x128xi32, #tpu.memory_space<hbm>> -> memref<80x128xi32, #tpu.memory_space<hbm>>
      tpu.wait_dma2 semaphore(%run_scoped3A_148 : memref<!tpu.dma_semaphore, #tpu.memory_space<semaphore_mem>>) src(%dma_wait3A_164 : memref<80x128xi32, #tpu.memory_space<hbm>>) dst(%arg5 : memref<80x128xi32, #tpu.memory_space<vmem>>)
      tpu.yield
    }) : () -> ()
    %run_scoped3A_1 = arith.constant 1 : i32
    "tpu.region"() ({
      %run_scoped3A_148 = tpu.sem_alloc : memref<!tpu.dma_semaphore, #tpu.memory_space<semaphore_mem>>
      %dma_start3A_149 = arith.constant 0 : i32
      %dma_start3A_150 = arith.constant 0 : i32
      %dma_start3A_151 = tpu.memref_slice %arg2[%run_scoped3A_1, %add3A, %dma_start3A_149, %dma_start3A_150] : memref<2x32x80x128xi32, #tpu.memory_space<hbm>> -> memref<1x1x80x128xi32, #tpu.memory_space<hbm>>
      %dma_start3A_152 = tpu.memref_squeeze %dma_start3A_151 : memref<1x1x80x128xi32, #tpu.memory_space<hbm>> -> memref<80x128xi32, #tpu.memory_space<hbm>>
      %dma_start3A_153 = arith.constant 0 : i32
      %dma_start3A_154 = arith.constant 0 : i32
      %dma_start3A_155 = tpu.memref_slice %arg2[%run_scoped3A_1, %add3A, %dma_start3A_153, %dma_start3A_154] : memref<2x32x80x128xi32, #tpu.memory_space<hbm>> -> memref<1x1x80x128xi32, #tpu.memory_space<hbm>>
      %dma_start3A_156 = tpu.memref_squeeze %dma_start3A_155 : memref<1x1x80x128xi32, #tpu.memory_space<hbm>> -> memref<80x128xi32, #tpu.memory_space<hbm>>
      tpu.enqueue_dma source(%dma_start3A_156 : memref<80x128xi32, #tpu.memory_space<hbm>>) target(%arg6 : memref<80x128xi32, #tpu.memory_space<vmem>>) target_semaphore(%run_scoped3A_148 : memref<!tpu.dma_semaphore, #tpu.memory_space<semaphore_mem>>)
      %dma_wait3A_157 = arith.constant 0 : i32
      %dma_wait3A_158 = arith.constant 0 : i32
      %dma_wait3A_159 = tpu.memref_slice %arg2[%run_scoped3A_1, %add3A, %dma_wait3A_157, %dma_wait3A_158] : memref<2x32x80x128xi32, #tpu.memory_space<hbm>> -> memref<1x1x80x128xi32, #tpu.memory_space<hbm>>
      %dma_wait3A_160 = tpu.memref_squeeze %dma_wait3A_159 : memref<1x1x80x128xi32, #tpu.memory_space<hbm>> -> memref<80x128xi32, #tpu.memory_space<hbm>>
      %dma_wait3A_161 = arith.constant 0 : i32
      %dma_wait3A_162 = arith.constant 0 : i32
      %dma_wait3A_163 = tpu.memref_slice %arg2[%run_scoped3A_1, %add3A, %dma_wait3A_161, %dma_wait3A_162] : memref<2x32x80x128xi32, #tpu.memory_space<hbm>> -> memref<1x1x80x128xi32, #tpu.memory_space<hbm>>
      %dma_wait3A_164 = tpu.memref_squeeze %dma_wait3A_163 : memref<1x1x80x128xi32, #tpu.memory_space<hbm>> -> memref<80x128xi32, #tpu.memory_space<hbm>>
      tpu.wait_dma2 semaphore(%run_scoped3A_148 : memref<!tpu.dma_semaphore, #tpu.memory_space<semaphore_mem>>) src(%dma_wait3A_164 : memref<80x128xi32, #tpu.memory_space<hbm>>) dst(%arg6 : memref<80x128xi32, #tpu.memory_space<vmem>>)
      tpu.yield
    }) : () -> ()
    %scan3A = arith.constant 0 : i32
    %scan3A_2 = arith.constant 0 : i32
    %scan3A_3 = arith.constant 512 : i32
    %scan3A_4 = arith.addi %scan3A_2, %scan3A_3 : i32
    %scan3A_5 = arith.constant 1 : i32
    scf.for %scan3A_148 = %scan3A_2 to %scan3A_4 step %scan3A_5  : i32 {
      %broadcast_in_dim3A = arith.constant 0.000000e+00 : f32
      %broadcast_in_dim3A_149 = vector.broadcast %broadcast_in_dim3A : f32 to vector<16xf32>
      %jit3A = arith.constant 4 : i32
      %div3A = arith.divsi %scan3A_148, %jit3A : i32
      %sign3A = arith.constant 0 : i32
      %sign3A_150 = arith.cmpi sgt, %scan3A_148, %sign3A : i32
      %sign3A_151 = arith.extui %sign3A_150 : i1 to i32
      %sign3A_152 = arith.constant 0 : i32
      %sign3A_153 = arith.cmpi slt, %scan3A_148, %sign3A_152 : i32
      %sign3A_154 = arith.extui %sign3A_153 : i1 to i32
      %sign3A_155 = arith.subi %sign3A_151, %sign3A_154 : i32
      %sign3A_156 = arith.constant 0 : i32
      %sign3A_157 = arith.cmpi sgt, %jit3A, %sign3A_156 : i32
      %sign3A_158 = arith.extui %sign3A_157 : i1 to i32
      %sign3A_159 = arith.constant 0 : i32
      %sign3A_160 = arith.cmpi slt, %jit3A, %sign3A_159 : i32
      %sign3A_161 = arith.extui %sign3A_160 : i1 to i32
      %sign3A_162 = arith.subi %sign3A_158, %sign3A_161 : i32
      %ne3A = arith.cmpi ne, %sign3A_155, %sign3A_162 : i32
      %rem3A = arith.remsi %scan3A_148, %jit3A : i32
      %ne3A_163 = arith.constant 0 : i32
      %ne3A_164 = arith.cmpi ne, %rem3A, %ne3A_163 : i32
      %and3A = arith.andi %ne3A, %ne3A_164 : i1
      %sub3A = arith.constant 1 : i32
      %sub3A_165 = arith.subi %div3A, %sub3A : i32
      %select_n3A = arith.select %and3A, %sub3A_165, %div3A : i32
      %jit3A_166 = arith.constant 4 : i32
      %eq3A = arith.constant 0 : i32
      %eq3A_167 = arith.cmpi eq, %jit3A_166, %eq3A : i32
      %jit3A_168 = arith.constant 1 : i32
      %select_n3A_169 = arith.select %eq3A_167, %jit3A_168, %jit3A_166 : i32
      %rem3A_170 = arith.remsi %scan3A_148, %select_n3A_169 : i32
      %ne3A_171 = arith.constant 0 : i32
      %ne3A_172 = arith.cmpi ne, %rem3A_170, %ne3A_171 : i32
      %lt3A = arith.constant 0 : i32
      %lt3A_173 = arith.cmpi slt, %rem3A_170, %lt3A : i32
      %lt3A_174 = arith.constant 0 : i32
      %lt3A_175 = arith.cmpi slt, %select_n3A_169, %lt3A_174 : i32
      %ne3A_176 = arith.xori %lt3A_173, %lt3A_175 : i1
      %and3A_177 = arith.andi %ne3A_176, %ne3A_172 : i1
      %add3A_178 = arith.addi %rem3A_170, %select_n3A_169 : i32
      %select_n3A_179 = arith.select %and3A_177, %add3A_178, %rem3A_170 : i32
      %mul3A_180 = arith.constant 16 : i32
      %mul3A_181 = arith.muli %select_n3A_179, %mul3A_180 : i32
      %swap3A = arith.index_cast %select_n3A : i32 to index
      %swap3A_182 = arith.index_cast %mul3A_181 : i32 to index
      %swap3A_183 = tpu.vector_load %arg7[%swap3A, %swap3A_182] {strides = array<i32>} : memref<128x64xf32, #tpu.memory_space<vmem>>, vector<16xf32>,
      tpu.vector_store %arg7[%swap3A, %swap3A_182], %broadcast_in_dim3A_149 {strides = array<i32>} : memref<128x64xf32, #tpu.memory_space<vmem>>, vector<16xf32>,
    }
    %scan3A_6 = arith.constant 512 : i32
    %mul3A_7 = arith.constant 640 : i32
    %mul3A_8 = arith.muli %arg1, %mul3A_7 : i32
    %add3A_9 = arith.constant 0 : i32
    %add3A_10 = arith.addi %mul3A_8, %add3A_9 : i32
    "tpu.region"() ({
      %run_scoped3A_148 = tpu.sem_alloc : memref<!tpu.dma_semaphore, #tpu.memory_space<semaphore_mem>>
      %dma_start3A_149 = arith.constant 0 : i32
      %dma_start3A_150 = tpu.memref_slice %arg15[%add3A_10, %dma_start3A_149] : memref<10240x64xf32, #tpu.memory_space<vmem_shared>> -> memref<128x64xf32, #tpu.memory_space<vmem_shared>>
      %dma_start3A_151 = arith.constant 0 : i32
      %dma_start3A_152 = tpu.memref_slice %arg15[%add3A_10, %dma_start3A_151] : memref<10240x64xf32, #tpu.memory_space<vmem_shared>> -> memref<128x64xf32, #tpu.memory_space<vmem_shared>>
      tpu.enqueue_dma source(%arg7 : memref<128x64xf32, #tpu.memory_space<vmem>>) target(%dma_start3A_152 : memref<128x64xf32, #tpu.memory_space<vmem_shared>>) target_semaphore(%run_scoped3A_148 : memref<!tpu.dma_semaphore, #tpu.memory_space<semaphore_mem>>)
      %dma_wait3A_153 = arith.constant 0 : i32
      %dma_wait3A_154 = tpu.memref_slice %arg15[%add3A_10, %dma_wait3A_153] : memref<10240x64xf32, #tpu.memory_space<vmem_shared>> -> memref<128x64xf32, #tpu.memory_space<vmem_shared>>
      %dma_wait3A_155 = arith.constant 0 : i32
      %dma_wait3A_156 = tpu.memref_slice %arg15[%add3A_10, %dma_wait3A_155] : memref<10240x64xf32, #tpu.memory_space<vmem_shared>> -> memref<128x64xf32, #tpu.memory_space<vmem_shared>>
      tpu.wait_dma2 semaphore(%run_scoped3A_148 : memref<!tpu.dma_semaphore, #tpu.memory_space<semaphore_mem>>) src(%arg7 : memref<128x64xf32, #tpu.memory_space<vmem>>) dst(%dma_wait3A_156 : memref<128x64xf32, #tpu.memory_space<vmem_shared>>)
      tpu.yield
    }) : () -> ()
    %mul3A_11 = arith.constant 640 : i32
    %mul3A_12 = arith.muli %arg1, %mul3A_11 : i32
    %add3A_13 = arith.constant 128 : i32
    %add3A_14 = arith.addi %mul3A_12, %add3A_13 : i32
    "tpu.region"() ({
      %run_scoped3A_148 = tpu.sem_alloc : memref<!tpu.dma_semaphore, #tpu.memory_space<semaphore_mem>>
      %dma_start3A_149 = arith.constant 0 : i32
      %dma_start3A_150 = tpu.memref_slice %arg15[%add3A_14, %dma_start3A_149] : memref<10240x64xf32, #tpu.memory_space<vmem_shared>> -> memref<128x64xf32, #tpu.memory_space<vmem_shared>>
      %dma_start3A_151 = arith.constant 0 : i32
      %dma_start3A_152 = tpu.memref_slice %arg15[%add3A_14, %dma_start3A_151] : memref<10240x64xf32, #tpu.memory_space<vmem_shared>> -> memref<128x64xf32, #tpu.memory_space<vmem_shared>>
      tpu.enqueue_dma source(%arg7 : memref<128x64xf32, #tpu.memory_space<vmem>>) target(%dma_start3A_152 : memref<128x64xf32, #tpu.memory_space<vmem_shared>>) target_semaphore(%run_scoped3A_148 : memref<!tpu.dma_semaphore, #tpu.memory_space<semaphore_mem>>)
      %dma_wait3A_153 = arith.constant 0 : i32
      %dma_wait3A_154 = tpu.memref_slice %arg15[%add3A_14, %dma_wait3A_153] : memref<10240x64xf32, #tpu.memory_space<vmem_shared>> -> memref<128x64xf32, #tpu.memory_space<vmem_shared>>
      %dma_wait3A_155 = arith.constant 0 : i32
      %dma_wait3A_156 = tpu.memref_slice %arg15[%add3A_14, %dma_wait3A_155] : memref<10240x64xf32, #tpu.memory_space<vmem_shared>> -> memref<128x64xf32, #tpu.memory_space<vmem_shared>>
      tpu.wait_dma2 semaphore(%run_scoped3A_148 : memref<!tpu.dma_semaphore, #tpu.memory_space<semaphore_mem>>) src(%arg7 : memref<128x64xf32, #tpu.memory_space<vmem>>) dst(%dma_wait3A_156 : memref<128x64xf32, #tpu.memory_space<vmem_shared>>)
      tpu.yield
    }) : () -> ()
    %mul3A_15 = arith.constant 640 : i32
    %mul3A_16 = arith.muli %arg1, %mul3A_15 : i32
    %add3A_17 = arith.constant 256 : i32
    %add3A_18 = arith.addi %mul3A_16, %add3A_17 : i32
    "tpu.region"() ({
      %run_scoped3A_148 = tpu.sem_alloc : memref<!tpu.dma_semaphore, #tpu.memory_space<semaphore_mem>>
      %dma_start3A_149 = arith.constant 0 : i32
      %dma_start3A_150 = tpu.memref_slice %arg15[%add3A_18, %dma_start3A_149] : memref<10240x64xf32, #tpu.memory_space<vmem_shared>> -> memref<128x64xf32, #tpu.memory_space<vmem_shared>>
      %dma_start3A_151 = arith.constant 0 : i32
      %dma_start3A_152 = tpu.memref_slice %arg15[%add3A_18, %dma_start3A_151] : memref<10240x64xf32, #tpu.memory_space<vmem_shared>> -> memref<128x64xf32, #tpu.memory_space<vmem_shared>>
      tpu.enqueue_dma source(%arg7 : memref<128x64xf32, #tpu.memory_space<vmem>>) target(%dma_start3A_152 : memref<128x64xf32, #tpu.memory_space<vmem_shared>>) target_semaphore(%run_scoped3A_148 : memref<!tpu.dma_semaphore, #tpu.memory_space<semaphore_mem>>)
      %dma_wait3A_153 = arith.constant 0 : i32
      %dma_wait3A_154 = tpu.memref_slice %arg15[%add3A_18, %dma_wait3A_153] : memref<10240x64xf32, #tpu.memory_space<vmem_shared>> -> memref<128x64xf32, #tpu.memory_space<vmem_shared>>
      %dma_wait3A_155 = arith.constant 0 : i32
      %dma_wait3A_156 = tpu.memref_slice %arg15[%add3A_18, %dma_wait3A_155] : memref<10240x64xf32, #tpu.memory_space<vmem_shared>> -> memref<128x64xf32, #tpu.memory_space<vmem_shared>>
      tpu.wait_dma2 semaphore(%run_scoped3A_148 : memref<!tpu.dma_semaphore, #tpu.memory_space<semaphore_mem>>) src(%arg7 : memref<128x64xf32, #tpu.memory_space<vmem>>) dst(%dma_wait3A_156 : memref<128x64xf32, #tpu.memory_space<vmem_shared>>)
      tpu.yield
    }) : () -> ()
    %mul3A_19 = arith.constant 640 : i32
    %mul3A_20 = arith.muli %arg1, %mul3A_19 : i32
    %add3A_21 = arith.constant 384 : i32
    %add3A_22 = arith.addi %mul3A_20, %add3A_21 : i32
    "tpu.region"() ({
      %run_scoped3A_148 = tpu.sem_alloc : memref<!tpu.dma_semaphore, #tpu.memory_space<semaphore_mem>>
      %dma_start3A_149 = arith.constant 0 : i32
      %dma_start3A_150 = tpu.memref_slice %arg15[%add3A_22, %dma_start3A_149] : memref<10240x64xf32, #tpu.memory_space<vmem_shared>> -> memref<128x64xf32, #tpu.memory_space<vmem_shared>>
      %dma_start3A_151 = arith.constant 0 : i32
      %dma_start3A_152 = tpu.memref_slice %arg15[%add3A_22, %dma_start3A_151] : memref<10240x64xf32, #tpu.memory_space<vmem_shared>> -> memref<128x64xf32, #tpu.memory_space<vmem_shared>>
      tpu.enqueue_dma source(%arg7 : memref<128x64xf32, #tpu.memory_space<vmem>>) target(%dma_start3A_152 : memref<128x64xf32, #tpu.memory_space<vmem_shared>>) target_semaphore(%run_scoped3A_148 : memref<!tpu.dma_semaphore, #tpu.memory_space<semaphore_mem>>)
      %dma_wait3A_153 = arith.constant 0 : i32
      %dma_wait3A_154 = tpu.memref_slice %arg15[%add3A_22, %dma_wait3A_153] : memref<10240x64xf32, #tpu.memory_space<vmem_shared>> -> memref<128x64xf32, #tpu.memory_space<vmem_shared>>
      %dma_wait3A_155 = arith.constant 0 : i32
      %dma_wait3A_156 = tpu.memref_slice %arg15[%add3A_22, %dma_wait3A_155] : memref<10240x64xf32, #tpu.memory_space<vmem_shared>> -> memref<128x64xf32, #tpu.memory_space<vmem_shared>>
      tpu.wait_dma2 semaphore(%run_scoped3A_148 : memref<!tpu.dma_semaphore, #tpu.memory_space<semaphore_mem>>) src(%arg7 : memref<128x64xf32, #tpu.memory_space<vmem>>) dst(%dma_wait3A_156 : memref<128x64xf32, #tpu.memory_space<vmem_shared>>)
      tpu.yield
    }) : () -> ()
    %mul3A_23 = arith.constant 640 : i32
    %mul3A_24 = arith.muli %arg1, %mul3A_23 : i32
    %add3A_25 = arith.constant 512 : i32
    %add3A_26 = arith.addi %mul3A_24, %add3A_25 : i32
    "tpu.region"() ({
      %run_scoped3A_148 = tpu.sem_alloc : memref<!tpu.dma_semaphore, #tpu.memory_space<semaphore_mem>>
      %dma_start3A_149 = arith.constant 0 : i32
      %dma_start3A_150 = tpu.memref_slice %arg15[%add3A_26, %dma_start3A_149] : memref<10240x64xf32, #tpu.memory_space<vmem_shared>> -> memref<128x64xf32, #tpu.memory_space<vmem_shared>>
      %dma_start3A_151 = arith.constant 0 : i32
      %dma_start3A_152 = tpu.memref_slice %arg15[%add3A_26, %dma_start3A_151] : memref<10240x64xf32, #tpu.memory_space<vmem_shared>> -> memref<128x64xf32, #tpu.memory_space<vmem_shared>>
      tpu.enqueue_dma source(%arg7 : memref<128x64xf32, #tpu.memory_space<vmem>>) target(%dma_start3A_152 : memref<128x64xf32, #tpu.memory_space<vmem_shared>>) target_semaphore(%run_scoped3A_148 : memref<!tpu.dma_semaphore, #tpu.memory_space<semaphore_mem>>)
      %dma_wait3A_153 = arith.constant 0 : i32
      %dma_wait3A_154 = tpu.memref_slice %arg15[%add3A_26, %dma_wait3A_153] : memref<10240x64xf32, #tpu.memory_space<vmem_shared>> -> memref<128x64xf32, #tpu.memory_space<vmem_shared>>
      %dma_wait3A_155 = arith.constant 0 : i32
      %dma_wait3A_156 = tpu.memref_slice %arg15[%add3A_26, %dma_wait3A_155] : memref<10240x64xf32, #tpu.memory_space<vmem_shared>> -> memref<128x64xf32, #tpu.memory_space<vmem_shared>>
      tpu.wait_dma2 semaphore(%run_scoped3A_148 : memref<!tpu.dma_semaphore, #tpu.memory_space<semaphore_mem>>) src(%arg7 : memref<128x64xf32, #tpu.memory_space<vmem>>) dst(%dma_wait3A_156 : memref<128x64xf32, #tpu.memory_space<vmem_shared>>)
      tpu.yield
    }) : () -> ()
    %barrier3A = arith.constant 0 : index
    tpu.barrier barrier_id(%barrier3A)
    %dma_start3A = arith.constant 0 : i32
    %dma_start3A_27 = arith.constant 0 : i32
    %dma_start3A_28 = tpu.memref_slice %arg5[%dma_start3A, %dma_start3A_27] : memref<80x128xi32, #tpu.memory_space<vmem>> -> memref<1x128xi32, #tpu.memory_space<vmem>>
    %dma_start3A_29 = tpu.memref_squeeze %dma_start3A_28 : memref<1x128xi32, #tpu.memory_space<vmem>> -> memref<128xi32, #tpu.memory_space<vmem>>
    %dma_start3A_30 = arith.constant 0 : i32
    %dma_start3A_31 = arith.constant 0 : i32
    %dma_start3A_32 = tpu.memref_slice %arg3[%dma_start3A_30, %dma_start3A_31] : memref<10240x64xf32, #tpu.memory_space<hbm>> -> memref<10240x64xf32, #tpu.memory_space<hbm>>
    tpu.enqueue_indirect_dma source(%dma_start3A_32 : memref<10240x64xf32, #tpu.memory_space<hbm>>) target(%arg7 : memref<128x64xf32, #tpu.memory_space<vmem>>) offsets(%dma_start3A_29 : memref<128xi32, #tpu.memory_space<vmem>>) semaphore(%arg16 : memref<!tpu.dma_semaphore, #tpu.memory_space<semaphore_mem>>)
    %dma_start3A_33 = arith.constant 1 : i32
    %dma_start3A_34 = arith.constant 0 : i32
    %dma_start3A_35 = tpu.memref_slice %arg5[%dma_start3A_33, %dma_start3A_34] : memref<80x128xi32, #tpu.memory_space<vmem>> -> memref<1x128xi32, #tpu.memory_space<vmem>>
    %dma_start3A_36 = tpu.memref_squeeze %dma_start3A_35 : memref<1x128xi32, #tpu.memory_space<vmem>> -> memref<128xi32, #tpu.memory_space<vmem>>
    %dma_start3A_37 = arith.constant 0 : i32
    %dma_start3A_38 = arith.constant 0 : i32
    %dma_start3A_39 = tpu.memref_slice %arg3[%dma_start3A_37, %dma_start3A_38] : memref<10240x64xf32, #tpu.memory_space<hbm>> -> memref<10240x64xf32, #tpu.memory_space<hbm>>
    tpu.enqueue_indirect_dma source(%dma_start3A_39 : memref<10240x64xf32, #tpu.memory_space<hbm>>) target(%arg8 : memref<128x64xf32, #tpu.memory_space<vmem>>) offsets(%dma_start3A_36 : memref<128xi32, #tpu.memory_space<vmem>>) semaphore(%arg17 : memref<!tpu.dma_semaphore, #tpu.memory_space<semaphore_mem>>)
    %dma_start3A_40 = arith.constant 2 : i32
    %dma_start3A_41 = arith.constant 0 : i32
    %dma_start3A_42 = tpu.memref_slice %arg5[%dma_start3A_40, %dma_start3A_41] : memref<80x128xi32, #tpu.memory_space<vmem>> -> memref<1x128xi32, #tpu.memory_space<vmem>>
    %dma_start3A_43 = tpu.memref_squeeze %dma_start3A_42 : memref<1x128xi32, #tpu.memory_space<vmem>> -> memref<128xi32, #tpu.memory_space<vmem>>
    %dma_start3A_44 = arith.constant 0 : i32
    %dma_start3A_45 = arith.constant 0 : i32
    %dma_start3A_46 = tpu.memref_slice %arg3[%dma_start3A_44, %dma_start3A_45] : memref<10240x64xf32, #tpu.memory_space<hbm>> -> memref<10240x64xf32, #tpu.memory_space<hbm>>
    tpu.enqueue_indirect_dma source(%dma_start3A_46 : memref<10240x64xf32, #tpu.memory_space<hbm>>) target(%arg9 : memref<128x64xf32, #tpu.memory_space<vmem>>) offsets(%dma_start3A_43 : memref<128xi32, #tpu.memory_space<vmem>>) semaphore(%arg18 : memref<!tpu.dma_semaphore, #tpu.memory_space<semaphore_mem>>)
    %dma_start3A_47 = arith.constant 3 : i32
    %dma_start3A_48 = arith.constant 0 : i32
    %dma_start3A_49 = tpu.memref_slice %arg5[%dma_start3A_47, %dma_start3A_48] : memref<80x128xi32, #tpu.memory_space<vmem>> -> memref<1x128xi32, #tpu.memory_space<vmem>>
    %dma_start3A_50 = tpu.memref_squeeze %dma_start3A_49 : memref<1x128xi32, #tpu.memory_space<vmem>> -> memref<128xi32, #tpu.memory_space<vmem>>
    %dma_start3A_51 = arith.constant 0 : i32
    %dma_start3A_52 = arith.constant 0 : i32
    %dma_start3A_53 = tpu.memref_slice %arg3[%dma_start3A_51, %dma_start3A_52] : memref<10240x64xf32, #tpu.memory_space<hbm>> -> memref<10240x64xf32, #tpu.memory_space<hbm>>
    tpu.enqueue_indirect_dma source(%dma_start3A_53 : memref<10240x64xf32, #tpu.memory_space<hbm>>) target(%arg10 : memref<128x64xf32, #tpu.memory_space<vmem>>) offsets(%dma_start3A_50 : memref<128xi32, #tpu.memory_space<vmem>>) semaphore(%arg19 : memref<!tpu.dma_semaphore, #tpu.memory_space<semaphore_mem>>)
    %dma_start3A_54 = arith.constant 4 : i32
    %dma_start3A_55 = arith.constant 0 : i32
    %dma_start3A_56 = tpu.memref_slice %arg5[%dma_start3A_54, %dma_start3A_55] : memref<80x128xi32, #tpu.memory_space<vmem>> -> memref<1x128xi32, #tpu.memory_space<vmem>>
    %dma_start3A_57 = tpu.memref_squeeze %dma_start3A_56 : memref<1x128xi32, #tpu.memory_space<vmem>> -> memref<128xi32, #tpu.memory_space<vmem>>
    %dma_start3A_58 = arith.constant 0 : i32
    %dma_start3A_59 = arith.constant 0 : i32
    %dma_start3A_60 = tpu.memref_slice %arg3[%dma_start3A_58, %dma_start3A_59] : memref<10240x64xf32, #tpu.memory_space<hbm>> -> memref<10240x64xf32, #tpu.memory_space<hbm>>
    tpu.enqueue_indirect_dma source(%dma_start3A_60 : memref<10240x64xf32, #tpu.memory_space<hbm>>) target(%arg11 : memref<128x64xf32, #tpu.memory_space<vmem>>) offsets(%dma_start3A_57 : memref<128xi32, #tpu.memory_space<vmem>>) semaphore(%arg20 : memref<!tpu.dma_semaphore, #tpu.memory_space<semaphore_mem>>)
    %dma_start3A_61 = arith.constant 5 : i32
    %dma_start3A_62 = arith.constant 0 : i32
    %dma_start3A_63 = tpu.memref_slice %arg5[%dma_start3A_61, %dma_start3A_62] : memref<80x128xi32, #tpu.memory_space<vmem>> -> memref<1x128xi32, #tpu.memory_space<vmem>>
    %dma_start3A_64 = tpu.memref_squeeze %dma_start3A_63 : memref<1x128xi32, #tpu.memory_space<vmem>> -> memref<128xi32, #tpu.memory_space<vmem>>
    %dma_start3A_65 = arith.constant 0 : i32
    %dma_start3A_66 = arith.constant 0 : i32
    %dma_start3A_67 = tpu.memref_slice %arg3[%dma_start3A_65, %dma_start3A_66] : memref<10240x64xf32, #tpu.memory_space<hbm>> -> memref<10240x64xf32, #tpu.memory_space<hbm>>
    tpu.enqueue_indirect_dma source(%dma_start3A_67 : memref<10240x64xf32, #tpu.memory_space<hbm>>) target(%arg12 : memref<128x64xf32, #tpu.memory_space<vmem>>) offsets(%dma_start3A_64 : memref<128xi32, #tpu.memory_space<vmem>>) semaphore(%arg21 : memref<!tpu.dma_semaphore, #tpu.memory_space<semaphore_mem>>)
    %dma_start3A_68 = arith.constant 6 : i32
    %dma_start3A_69 = arith.constant 0 : i32
    %dma_start3A_70 = tpu.memref_slice %arg5[%dma_start3A_68, %dma_start3A_69] : memref<80x128xi32, #tpu.memory_space<vmem>> -> memref<1x128xi32, #tpu.memory_space<vmem>>
    %dma_start3A_71 = tpu.memref_squeeze %dma_start3A_70 : memref<1x128xi32, #tpu.memory_space<vmem>> -> memref<128xi32, #tpu.memory_space<vmem>>
    %dma_start3A_72 = arith.constant 0 : i32
    %dma_start3A_73 = arith.constant 0 : i32
    %dma_start3A_74 = tpu.memref_slice %arg3[%dma_start3A_72, %dma_start3A_73] : memref<10240x64xf32, #tpu.memory_space<hbm>> -> memref<10240x64xf32, #tpu.memory_space<hbm>>
    tpu.enqueue_indirect_dma source(%dma_start3A_74 : memref<10240x64xf32, #tpu.memory_space<hbm>>) target(%arg13 : memref<128x64xf32, #tpu.memory_space<vmem>>) offsets(%dma_start3A_71 : memref<128xi32, #tpu.memory_space<vmem>>) semaphore(%arg22 : memref<!tpu.dma_semaphore, #tpu.memory_space<semaphore_mem>>)
    %dma_start3A_75 = arith.constant 7 : i32
    %dma_start3A_76 = arith.constant 0 : i32
    %dma_start3A_77 = tpu.memref_slice %arg5[%dma_start3A_75, %dma_start3A_76] : memref<80x128xi32, #tpu.memory_space<vmem>> -> memref<1x128xi32, #tpu.memory_space<vmem>>
    %dma_start3A_78 = tpu.memref_squeeze %dma_start3A_77 : memref<1x128xi32, #tpu.memory_space<vmem>> -> memref<128xi32, #tpu.memory_space<vmem>>
    %dma_start3A_79 = arith.constant 0 : i32
    %dma_start3A_80 = arith.constant 0 : i32
    %dma_start3A_81 = tpu.memref_slice %arg3[%dma_start3A_79, %dma_start3A_80] : memref<10240x64xf32, #tpu.memory_space<hbm>> -> memref<10240x64xf32, #tpu.memory_space<hbm>>
    tpu.enqueue_indirect_dma source(%dma_start3A_81 : memref<10240x64xf32, #tpu.memory_space<hbm>>) target(%arg14 : memref<128x64xf32, #tpu.memory_space<vmem>>) offsets(%dma_start3A_78 : memref<128xi32, #tpu.memory_space<vmem>>) semaphore(%arg23 : memref<!tpu.dma_semaphore, #tpu.memory_space<semaphore_mem>>)
    %scan3A_82 = arith.constant 0 : i32
    %scan3A_83 = arith.constant 0 : i32
    %scan3A_84 = arith.constant 10 : i32
    %scan3A_85 = arith.addi %scan3A_83, %scan3A_84 : i32
    %scan3A_86 = arith.constant 1 : i32
    scf.for %scan3A_148 = %scan3A_83 to %scan3A_85 step %scan3A_86  : i32 {
      %mul3A_149 = arith.constant 8 : i32
      %mul3A_150 = arith.muli %mul3A_149, %scan3A_148 : i32
      %dma_wait3A_151 = arith.constant 0 : i32
      %dma_wait3A_152 = tpu.memref_slice %arg5[%mul3A_150, %dma_wait3A_151] : memref<80x128xi32, #tpu.memory_space<vmem>> -> memref<1x128xi32, #tpu.memory_space<vmem>>
      %dma_wait3A_153 = tpu.memref_squeeze %dma_wait3A_152 : memref<1x128xi32, #tpu.memory_space<vmem>> -> memref<128xi32, #tpu.memory_space<vmem>>
      %dma_wait3A_154 = arith.constant 0 : i32
      %dma_wait3A_155 = arith.constant 0 : i32
      %dma_wait3A_156 = tpu.memref_slice %arg3[%dma_wait3A_154, %dma_wait3A_155] : memref<10240x64xf32, #tpu.memory_space<hbm>> -> memref<10240x64xf32, #tpu.memory_space<hbm>>
      tpu.wait_indirect_dma semaphore(%arg16 : memref<!tpu.dma_semaphore, #tpu.memory_space<semaphore_mem>>) src(%dma_wait3A_156 : memref<10240x64xf32, #tpu.memory_space<hbm>>) dst(%arg7 : memref<128x64xf32, #tpu.memory_space<vmem>>)
      %add3A_157 = arith.constant 0 : i32
      %add3A_158 = arith.addi %mul3A_150, %add3A_157 : i32
      %dma_start3A_159 = arith.constant 0 : i32
      %dma_start3A_160 = tpu.memref_slice %arg6[%add3A_158, %dma_start3A_159] : memref<80x128xi32, #tpu.memory_space<vmem>> -> memref<1x128xi32, #tpu.memory_space<vmem>>
      %dma_start3A_161 = tpu.memref_squeeze %dma_start3A_160 : memref<1x128xi32, #tpu.memory_space<vmem>> -> memref<128xi32, #tpu.memory_space<vmem>>
      %dma_start3A_162 = arith.constant 0 : i32
      %dma_start3A_163 = arith.constant 0 : i32
      %dma_start3A_164 = tpu.memref_slice %arg15[%dma_start3A_162, %dma_start3A_163] : memref<10240x64xf32, #tpu.memory_space<vmem_shared>> -> memref<10240x64xf32, #tpu.memory_space<vmem_shared>>
      tpu.enqueue_indirect_dma source(%arg7 : memref<128x64xf32, #tpu.memory_space<vmem>>) target(%dma_start3A_164 : memref<10240x64xf32, #tpu.memory_space<vmem_shared>>) offsets(%dma_start3A_161 : memref<128xi32, #tpu.memory_space<vmem>>) semaphore(%arg24 : memref<!tpu.dma_semaphore, #tpu.memory_space<semaphore_mem>>) {add = true}
      %dma_wait3A_165 = arith.constant 0 : i32
      %dma_wait3A_166 = tpu.memref_slice %arg5[%mul3A_150, %dma_wait3A_165] : memref<80x128xi32, #tpu.memory_space<vmem>> -> memref<1x128xi32, #tpu.memory_space<vmem>>
      %dma_wait3A_167 = tpu.memref_squeeze %dma_wait3A_166 : memref<1x128xi32, #tpu.memory_space<vmem>> -> memref<128xi32, #tpu.memory_space<vmem>>
      %dma_wait3A_168 = arith.constant 0 : i32
      %dma_wait3A_169 = arith.constant 0 : i32
      %dma_wait3A_170 = tpu.memref_slice %arg3[%dma_wait3A_168, %dma_wait3A_169] : memref<10240x64xf32, #tpu.memory_space<hbm>> -> memref<10240x64xf32, #tpu.memory_space<hbm>>
      tpu.wait_indirect_dma semaphore(%arg17 : memref<!tpu.dma_semaphore, #tpu.memory_space<semaphore_mem>>) src(%dma_wait3A_170 : memref<10240x64xf32, #tpu.memory_space<hbm>>) dst(%arg8 : memref<128x64xf32, #tpu.memory_space<vmem>>)
      %add3A_171 = arith.constant 1 : i32
      %add3A_172 = arith.addi %mul3A_150, %add3A_171 : i32
      %dma_start3A_173 = arith.constant 0 : i32
      %dma_start3A_174 = tpu.memref_slice %arg6[%add3A_172, %dma_start3A_173] : memref<80x128xi32, #tpu.memory_space<vmem>> -> memref<1x128xi32, #tpu.memory_space<vmem>>
      %dma_start3A_175 = tpu.memref_squeeze %dma_start3A_174 : memref<1x128xi32, #tpu.memory_space<vmem>> -> memref<128xi32, #tpu.memory_space<vmem>>
      %dma_start3A_176 = arith.constant 0 : i32
      %dma_start3A_177 = arith.constant 0 : i32
      %dma_start3A_178 = tpu.memref_slice %arg15[%dma_start3A_176, %dma_start3A_177] : memref<10240x64xf32, #tpu.memory_space<vmem_shared>> -> memref<10240x64xf32, #tpu.memory_space<vmem_shared>>
      tpu.enqueue_indirect_dma source(%arg8 : memref<128x64xf32, #tpu.memory_space<vmem>>) target(%dma_start3A_178 : memref<10240x64xf32, #tpu.memory_space<vmem_shared>>) offsets(%dma_start3A_175 : memref<128xi32, #tpu.memory_space<vmem>>) semaphore(%arg25 : memref<!tpu.dma_semaphore, #tpu.memory_space<semaphore_mem>>) {add = true}
      %dma_wait3A_179 = arith.constant 0 : i32
      %dma_wait3A_180 = tpu.memref_slice %arg5[%mul3A_150, %dma_wait3A_179] : memref<80x128xi32, #tpu.memory_space<vmem>> -> memref<1x128xi32, #tpu.memory_space<vmem>>
      %dma_wait3A_181 = tpu.memref_squeeze %dma_wait3A_180 : memref<1x128xi32, #tpu.memory_space<vmem>> -> memref<128xi32, #tpu.memory_space<vmem>>
      %dma_wait3A_182 = arith.constant 0 : i32
      %dma_wait3A_183 = arith.constant 0 : i32
      %dma_wait3A_184 = tpu.memref_slice %arg3[%dma_wait3A_182, %dma_wait3A_183] : memref<10240x64xf32, #tpu.memory_space<hbm>> -> memref<10240x64xf32, #tpu.memory_space<hbm>>
      tpu.wait_indirect_dma semaphore(%arg18 : memref<!tpu.dma_semaphore, #tpu.memory_space<semaphore_mem>>) src(%dma_wait3A_184 : memref<10240x64xf32, #tpu.memory_space<hbm>>) dst(%arg9 : memref<128x64xf32, #tpu.memory_space<vmem>>)
      %add3A_185 = arith.constant 2 : i32
      %add3A_186 = arith.addi %mul3A_150, %add3A_185 : i32
      %dma_start3A_187 = arith.constant 0 : i32
      %dma_start3A_188 = tpu.memref_slice %arg6[%add3A_186, %dma_start3A_187] : memref<80x128xi32, #tpu.memory_space<vmem>> -> memref<1x128xi32, #tpu.memory_space<vmem>>
      %dma_start3A_189 = tpu.memref_squeeze %dma_start3A_188 : memref<1x128xi32, #tpu.memory_space<vmem>> -> memref<128xi32, #tpu.memory_space<vmem>>
      %dma_start3A_190 = arith.constant 0 : i32
      %dma_start3A_191 = arith.constant 0 : i32
      %dma_start3A_192 = tpu.memref_slice %arg15[%dma_start3A_190, %dma_start3A_191] : memref<10240x64xf32, #tpu.memory_space<vmem_shared>> -> memref<10240x64xf32, #tpu.memory_space<vmem_shared>>
      tpu.enqueue_indirect_dma source(%arg9 : memref<128x64xf32, #tpu.memory_space<vmem>>) target(%dma_start3A_192 : memref<10240x64xf32, #tpu.memory_space<vmem_shared>>) offsets(%dma_start3A_189 : memref<128xi32, #tpu.memory_space<vmem>>) semaphore(%arg26 : memref<!tpu.dma_semaphore, #tpu.memory_space<semaphore_mem>>) {add = true}
      %dma_wait3A_193 = arith.constant 0 : i32
      %dma_wait3A_194 = tpu.memref_slice %arg5[%mul3A_150, %dma_wait3A_193] : memref<80x128xi32, #tpu.memory_space<vmem>> -> memref<1x128xi32, #tpu.memory_space<vmem>>
      %dma_wait3A_195 = tpu.memref_squeeze %dma_wait3A_194 : memref<1x128xi32, #tpu.memory_space<vmem>> -> memref<128xi32, #tpu.memory_space<vmem>>
      %dma_wait3A_196 = arith.constant 0 : i32
      %dma_wait3A_197 = arith.constant 0 : i32
      %dma_wait3A_198 = tpu.memref_slice %arg3[%dma_wait3A_196, %dma_wait3A_197] : memref<10240x64xf32, #tpu.memory_space<hbm>> -> memref<10240x64xf32, #tpu.memory_space<hbm>>
      tpu.wait_indirect_dma semaphore(%arg19 : memref<!tpu.dma_semaphore, #tpu.memory_space<semaphore_mem>>) src(%dma_wait3A_198 : memref<10240x64xf32, #tpu.memory_space<hbm>>) dst(%arg10 : memref<128x64xf32, #tpu.memory_space<vmem>>)
      %add3A_199 = arith.constant 3 : i32
      %add3A_200 = arith.addi %mul3A_150, %add3A_199 : i32
      %dma_start3A_201 = arith.constant 0 : i32
      %dma_start3A_202 = tpu.memref_slice %arg6[%add3A_200, %dma_start3A_201] : memref<80x128xi32, #tpu.memory_space<vmem>> -> memref<1x128xi32, #tpu.memory_space<vmem>>
      %dma_start3A_203 = tpu.memref_squeeze %dma_start3A_202 : memref<1x128xi32, #tpu.memory_space<vmem>> -> memref<128xi32, #tpu.memory_space<vmem>>
      %dma_start3A_204 = arith.constant 0 : i32
      %dma_start3A_205 = arith.constant 0 : i32
      %dma_start3A_206 = tpu.memref_slice %arg15[%dma_start3A_204, %dma_start3A_205] : memref<10240x64xf32, #tpu.memory_space<vmem_shared>> -> memref<10240x64xf32, #tpu.memory_space<vmem_shared>>
      tpu.enqueue_indirect_dma source(%arg10 : memref<128x64xf32, #tpu.memory_space<vmem>>) target(%dma_start3A_206 : memref<10240x64xf32, #tpu.memory_space<vmem_shared>>) offsets(%dma_start3A_203 : memref<128xi32, #tpu.memory_space<vmem>>) semaphore(%arg27 : memref<!tpu.dma_semaphore, #tpu.memory_space<semaphore_mem>>) {add = true}
      %dma_wait3A_207 = arith.constant 0 : i32
      %dma_wait3A_208 = tpu.memref_slice %arg5[%mul3A_150, %dma_wait3A_207] : memref<80x128xi32, #tpu.memory_space<vmem>> -> memref<1x128xi32, #tpu.memory_space<vmem>>
      %dma_wait3A_209 = tpu.memref_squeeze %dma_wait3A_208 : memref<1x128xi32, #tpu.memory_space<vmem>> -> memref<128xi32, #tpu.memory_space<vmem>>
      %dma_wait3A_210 = arith.constant 0 : i32
      %dma_wait3A_211 = arith.constant 0 : i32
      %dma_wait3A_212 = tpu.memref_slice %arg3[%dma_wait3A_210, %dma_wait3A_211] : memref<10240x64xf32, #tpu.memory_space<hbm>> -> memref<10240x64xf32, #tpu.memory_space<hbm>>
      tpu.wait_indirect_dma semaphore(%arg20 : memref<!tpu.dma_semaphore, #tpu.memory_space<semaphore_mem>>) src(%dma_wait3A_212 : memref<10240x64xf32, #tpu.memory_space<hbm>>) dst(%arg11 : memref<128x64xf32, #tpu.memory_space<vmem>>)
      %add3A_213 = arith.constant 4 : i32
      %add3A_214 = arith.addi %mul3A_150, %add3A_213 : i32
      %dma_start3A_215 = arith.constant 0 : i32
      %dma_start3A_216 = tpu.memref_slice %arg6[%add3A_214, %dma_start3A_215] : memref<80x128xi32, #tpu.memory_space<vmem>> -> memref<1x128xi32, #tpu.memory_space<vmem>>
      %dma_start3A_217 = tpu.memref_squeeze %dma_start3A_216 : memref<1x128xi32, #tpu.memory_space<vmem>> -> memref<128xi32, #tpu.memory_space<vmem>>
      %dma_start3A_218 = arith.constant 0 : i32
      %dma_start3A_219 = arith.constant 0 : i32
      %dma_start3A_220 = tpu.memref_slice %arg15[%dma_start3A_218, %dma_start3A_219] : memref<10240x64xf32, #tpu.memory_space<vmem_shared>> -> memref<10240x64xf32, #tpu.memory_space<vmem_shared>>
      tpu.enqueue_indirect_dma source(%arg11 : memref<128x64xf32, #tpu.memory_space<vmem>>) target(%dma_start3A_220 : memref<10240x64xf32, #tpu.memory_space<vmem_shared>>) offsets(%dma_start3A_217 : memref<128xi32, #tpu.memory_space<vmem>>) semaphore(%arg28 : memref<!tpu.dma_semaphore, #tpu.memory_space<semaphore_mem>>) {add = true}
      %dma_wait3A_221 = arith.constant 0 : i32
      %dma_wait3A_222 = tpu.memref_slice %arg5[%mul3A_150, %dma_wait3A_221] : memref<80x128xi32, #tpu.memory_space<vmem>> -> memref<1x128xi32, #tpu.memory_space<vmem>>
      %dma_wait3A_223 = tpu.memref_squeeze %dma_wait3A_222 : memref<1x128xi32, #tpu.memory_space<vmem>> -> memref<128xi32, #tpu.memory_space<vmem>>
      %dma_wait3A_224 = arith.constant 0 : i32
      %dma_wait3A_225 = arith.constant 0 : i32
      %dma_wait3A_226 = tpu.memref_slice %arg3[%dma_wait3A_224, %dma_wait3A_225] : memref<10240x64xf32, #tpu.memory_space<hbm>> -> memref<10240x64xf32, #tpu.memory_space<hbm>>
      tpu.wait_indirect_dma semaphore(%arg21 : memref<!tpu.dma_semaphore, #tpu.memory_space<semaphore_mem>>) src(%dma_wait3A_226 : memref<10240x64xf32, #tpu.memory_space<hbm>>) dst(%arg12 : memref<128x64xf32, #tpu.memory_space<vmem>>)
      %add3A_227 = arith.constant 5 : i32
      %add3A_228 = arith.addi %mul3A_150, %add3A_227 : i32
      %dma_start3A_229 = arith.constant 0 : i32
      %dma_start3A_230 = tpu.memref_slice %arg6[%add3A_228, %dma_start3A_229] : memref<80x128xi32, #tpu.memory_space<vmem>> -> memref<1x128xi32, #tpu.memory_space<vmem>>
      %dma_start3A_231 = tpu.memref_squeeze %dma_start3A_230 : memref<1x128xi32, #tpu.memory_space<vmem>> -> memref<128xi32, #tpu.memory_space<vmem>>
      %dma_start3A_232 = arith.constant 0 : i32
      %dma_start3A_233 = arith.constant 0 : i32
      %dma_start3A_234 = tpu.memref_slice %arg15[%dma_start3A_232, %dma_start3A_233] : memref<10240x64xf32, #tpu.memory_space<vmem_shared>> -> memref<10240x64xf32, #tpu.memory_space<vmem_shared>>
      tpu.enqueue_indirect_dma source(%arg12 : memref<128x64xf32, #tpu.memory_space<vmem>>) target(%dma_start3A_234 : memref<10240x64xf32, #tpu.memory_space<vmem_shared>>) offsets(%dma_start3A_231 : memref<128xi32, #tpu.memory_space<vmem>>) semaphore(%arg29 : memref<!tpu.dma_semaphore, #tpu.memory_space<semaphore_mem>>) {add = true}
      %dma_wait3A_235 = arith.constant 0 : i32
      %dma_wait3A_236 = tpu.memref_slice %arg5[%mul3A_150, %dma_wait3A_235] : memref<80x128xi32, #tpu.memory_space<vmem>> -> memref<1x128xi32, #tpu.memory_space<vmem>>
      %dma_wait3A_237 = tpu.memref_squeeze %dma_wait3A_236 : memref<1x128xi32, #tpu.memory_space<vmem>> -> memref<128xi32, #tpu.memory_space<vmem>>
      %dma_wait3A_238 = arith.constant 0 : i32
      %dma_wait3A_239 = arith.constant 0 : i32
      %dma_wait3A_240 = tpu.memref_slice %arg3[%dma_wait3A_238, %dma_wait3A_239] : memref<10240x64xf32, #tpu.memory_space<hbm>> -> memref<10240x64xf32, #tpu.memory_space<hbm>>
      tpu.wait_indirect_dma semaphore(%arg22 : memref<!tpu.dma_semaphore, #tpu.memory_space<semaphore_mem>>) src(%dma_wait3A_240 : memref<10240x64xf32, #tpu.memory_space<hbm>>) dst(%arg13 : memref<128x64xf32, #tpu.memory_space<vmem>>)
      %add3A_241 = arith.constant 6 : i32
      %add3A_242 = arith.addi %mul3A_150, %add3A_241 : i32
      %dma_start3A_243 = arith.constant 0 : i32
      %dma_start3A_244 = tpu.memref_slice %arg6[%add3A_242, %dma_start3A_243] : memref<80x128xi32, #tpu.memory_space<vmem>> -> memref<1x128xi32, #tpu.memory_space<vmem>>
      %dma_start3A_245 = tpu.memref_squeeze %dma_start3A_244 : memref<1x128xi32, #tpu.memory_space<vmem>> -> memref<128xi32, #tpu.memory_space<vmem>>
      %dma_start3A_246 = arith.constant 0 : i32
      %dma_start3A_247 = arith.constant 0 : i32
      %dma_start3A_248 = tpu.memref_slice %arg15[%dma_start3A_246, %dma_start3A_247] : memref<10240x64xf32, #tpu.memory_space<vmem_shared>> -> memref<10240x64xf32, #tpu.memory_space<vmem_shared>>
      tpu.enqueue_indirect_dma source(%arg13 : memref<128x64xf32, #tpu.memory_space<vmem>>) target(%dma_start3A_248 : memref<10240x64xf32, #tpu.memory_space<vmem_shared>>) offsets(%dma_start3A_245 : memref<128xi32, #tpu.memory_space<vmem>>) semaphore(%arg30 : memref<!tpu.dma_semaphore, #tpu.memory_space<semaphore_mem>>) {add = true}
      %dma_wait3A_249 = arith.constant 0 : i32
      %dma_wait3A_250 = tpu.memref_slice %arg5[%mul3A_150, %dma_wait3A_249] : memref<80x128xi32, #tpu.memory_space<vmem>> -> memref<1x128xi32, #tpu.memory_space<vmem>>
      %dma_wait3A_251 = tpu.memref_squeeze %dma_wait3A_250 : memref<1x128xi32, #tpu.memory_space<vmem>> -> memref<128xi32, #tpu.memory_space<vmem>>
      %dma_wait3A_252 = arith.constant 0 : i32
      %dma_wait3A_253 = arith.constant 0 : i32
      %dma_wait3A_254 = tpu.memref_slice %arg3[%dma_wait3A_252, %dma_wait3A_253] : memref<10240x64xf32, #tpu.memory_space<hbm>> -> memref<10240x64xf32, #tpu.memory_space<hbm>>
      tpu.wait_indirect_dma semaphore(%arg23 : memref<!tpu.dma_semaphore, #tpu.memory_space<semaphore_mem>>) src(%dma_wait3A_254 : memref<10240x64xf32, #tpu.memory_space<hbm>>) dst(%arg14 : memref<128x64xf32, #tpu.memory_space<vmem>>)
      %add3A_255 = arith.constant 7 : i32
      %add3A_256 = arith.addi %mul3A_150, %add3A_255 : i32
      %dma_start3A_257 = arith.constant 0 : i32
      %dma_start3A_258 = tpu.memref_slice %arg6[%add3A_256, %dma_start3A_257] : memref<80x128xi32, #tpu.memory_space<vmem>> -> memref<1x128xi32, #tpu.memory_space<vmem>>
      %dma_start3A_259 = tpu.memref_squeeze %dma_start3A_258 : memref<1x128xi32, #tpu.memory_space<vmem>> -> memref<128xi32, #tpu.memory_space<vmem>>
      %dma_start3A_260 = arith.constant 0 : i32
      %dma_start3A_261 = arith.constant 0 : i32
      %dma_start3A_262 = tpu.memref_slice %arg15[%dma_start3A_260, %dma_start3A_261] : memref<10240x64xf32, #tpu.memory_space<vmem_shared>> -> memref<10240x64xf32, #tpu.memory_space<vmem_shared>>
      tpu.enqueue_indirect_dma source(%arg14 : memref<128x64xf32, #tpu.memory_space<vmem>>) target(%dma_start3A_262 : memref<10240x64xf32, #tpu.memory_space<vmem_shared>>) offsets(%dma_start3A_259 : memref<128xi32, #tpu.memory_space<vmem>>) semaphore(%arg31 : memref<!tpu.dma_semaphore, #tpu.memory_space<semaphore_mem>>) {add = true}
      %dma_wait3A_263 = arith.constant 0 : i32
      %dma_wait3A_264 = tpu.memref_slice %arg6[%mul3A_150, %dma_wait3A_263] : memref<80x128xi32, #tpu.memory_space<vmem>> -> memref<1x128xi32, #tpu.memory_space<vmem>>
      %dma_wait3A_265 = tpu.memref_squeeze %dma_wait3A_264 : memref<1x128xi32, #tpu.memory_space<vmem>> -> memref<128xi32, #tpu.memory_space<vmem>>
      %dma_wait3A_266 = arith.constant 0 : i32
      %dma_wait3A_267 = arith.constant 0 : i32
      %dma_wait3A_268 = tpu.memref_slice %arg15[%dma_wait3A_266, %dma_wait3A_267] : memref<10240x64xf32, #tpu.memory_space<vmem_shared>> -> memref<10240x64xf32, #tpu.memory_space<vmem_shared>>
      tpu.wait_indirect_dma semaphore(%arg24 : memref<!tpu.dma_semaphore, #tpu.memory_space<semaphore_mem>>) src(%arg7 : memref<128x64xf32, #tpu.memory_space<vmem>>) dst(%dma_wait3A_268 : memref<10240x64xf32, #tpu.memory_space<vmem_shared>>)
      %add3A_269 = arith.constant 8 : i32
      %add3A_270 = arith.addi %mul3A_150, %add3A_269 : i32
      %add3A_271 = arith.constant 0 : i32
      %add3A_272 = arith.addi %add3A_270, %add3A_271 : i32
      %rem3A = arith.constant 80 : i32
      %rem3A_273 = arith.remsi %add3A_272, %rem3A : i32
      %dma_start3A_274 = arith.constant 0 : i32
      %dma_start3A_275 = tpu.memref_slice %arg5[%rem3A_273, %dma_start3A_274] : memref<80x128xi32, #tpu.memory_space<vmem>> -> memref<1x128xi32, #tpu.memory_space<vmem>>
      %dma_start3A_276 = tpu.memref_squeeze %dma_start3A_275 : memref<1x128xi32, #tpu.memory_space<vmem>> -> memref<128xi32, #tpu.memory_space<vmem>>
      %dma_start3A_277 = arith.constant 0 : i32
      %dma_start3A_278 = arith.constant 0 : i32
      %dma_start3A_279 = tpu.memref_slice %arg3[%dma_start3A_277, %dma_start3A_278] : memref<10240x64xf32, #tpu.memory_space<hbm>> -> memref<10240x64xf32, #tpu.memory_space<hbm>>
      tpu.enqueue_indirect_dma source(%dma_start3A_279 : memref<10240x64xf32, #tpu.memory_space<hbm>>) target(%arg7 : memref<128x64xf32, #tpu.memory_space<vmem>>) offsets(%dma_start3A_276 : memref<128xi32, #tpu.memory_space<vmem>>) semaphore(%arg16 : memref<!tpu.dma_semaphore, #tpu.memory_space<semaphore_mem>>)
      %dma_wait3A_280 = arith.constant 0 : i32
      %dma_wait3A_281 = tpu.memref_slice %arg6[%mul3A_150, %dma_wait3A_280] : memref<80x128xi32, #tpu.memory_space<vmem>> -> memref<1x128xi32, #tpu.memory_space<vmem>>
      %dma_wait3A_282 = tpu.memref_squeeze %dma_wait3A_281 : memref<1x128xi32, #tpu.memory_space<vmem>> -> memref<128xi32, #tpu.memory_space<vmem>>
      %dma_wait3A_283 = arith.constant 0 : i32
      %dma_wait3A_284 = arith.constant 0 : i32
      %dma_wait3A_285 = tpu.memref_slice %arg15[%dma_wait3A_283, %dma_wait3A_284] : memref<10240x64xf32, #tpu.memory_space<vmem_shared>> -> memref<10240x64xf32, #tpu.memory_space<vmem_shared>>
      tpu.wait_indirect_dma semaphore(%arg25 : memref<!tpu.dma_semaphore, #tpu.memory_space<semaphore_mem>>) src(%arg8 : memref<128x64xf32, #tpu.memory_space<vmem>>) dst(%dma_wait3A_285 : memref<10240x64xf32, #tpu.memory_space<vmem_shared>>)
      %add3A_286 = arith.constant 8 : i32
      %add3A_287 = arith.addi %mul3A_150, %add3A_286 : i32
      %add3A_288 = arith.constant 1 : i32
      %add3A_289 = arith.addi %add3A_287, %add3A_288 : i32
      %rem3A_290 = arith.constant 80 : i32
      %rem3A_291 = arith.remsi %add3A_289, %rem3A_290 : i32
      %dma_start3A_292 = arith.constant 0 : i32
      %dma_start3A_293 = tpu.memref_slice %arg5[%rem3A_291, %dma_start3A_292] : memref<80x128xi32, #tpu.memory_space<vmem>> -> memref<1x128xi32, #tpu.memory_space<vmem>>
      %dma_start3A_294 = tpu.memref_squeeze %dma_start3A_293 : memref<1x128xi32, #tpu.memory_space<vmem>> -> memref<128xi32, #tpu.memory_space<vmem>>
      %dma_start3A_295 = arith.constant 0 : i32
      %dma_start3A_296 = arith.constant 0 : i32
      %dma_start3A_297 = tpu.memref_slice %arg3[%dma_start3A_295, %dma_start3A_296] : memref<10240x64xf32, #tpu.memory_space<hbm>> -> memref<10240x64xf32, #tpu.memory_space<hbm>>
      tpu.enqueue_indirect_dma source(%dma_start3A_297 : memref<10240x64xf32, #tpu.memory_space<hbm>>) target(%arg8 : memref<128x64xf32, #tpu.memory_space<vmem>>) offsets(%dma_start3A_294 : memref<128xi32, #tpu.memory_space<vmem>>) semaphore(%arg17 : memref<!tpu.dma_semaphore, #tpu.memory_space<semaphore_mem>>)
      %dma_wait3A_298 = arith.constant 0 : i32
      %dma_wait3A_299 = tpu.memref_slice %arg6[%mul3A_150, %dma_wait3A_298] : memref<80x128xi32, #tpu.memory_space<vmem>> -> memref<1x128xi32, #tpu.memory_space<vmem>>
      %dma_wait3A_300 = tpu.memref_squeeze %dma_wait3A_299 : memref<1x128xi32, #tpu.memory_space<vmem>> -> memref<128xi32, #tpu.memory_space<vmem>>
      %dma_wait3A_301 = arith.constant 0 : i32
      %dma_wait3A_302 = arith.constant 0 : i32
      %dma_wait3A_303 = tpu.memref_slice %arg15[%dma_wait3A_301, %dma_wait3A_302] : memref<10240x64xf32, #tpu.memory_space<vmem_shared>> -> memref<10240x64xf32, #tpu.memory_space<vmem_shared>>
      tpu.wait_indirect_dma semaphore(%arg26 : memref<!tpu.dma_semaphore, #tpu.memory_space<semaphore_mem>>) src(%arg9 : memref<128x64xf32, #tpu.memory_space<vmem>>) dst(%dma_wait3A_303 : memref<10240x64xf32, #tpu.memory_space<vmem_shared>>)
      %add3A_304 = arith.constant 8 : i32
      %add3A_305 = arith.addi %mul3A_150, %add3A_304 : i32
      %add3A_306 = arith.constant 2 : i32
      %add3A_307 = arith.addi %add3A_305, %add3A_306 : i32
      %rem3A_308 = arith.constant 80 : i32
      %rem3A_309 = arith.remsi %add3A_307, %rem3A_308 : i32
      %dma_start3A_310 = arith.constant 0 : i32
      %dma_start3A_311 = tpu.memref_slice %arg5[%rem3A_309, %dma_start3A_310] : memref<80x128xi32, #tpu.memory_space<vmem>> -> memref<1x128xi32, #tpu.memory_space<vmem>>
      %dma_start3A_312 = tpu.memref_squeeze %dma_start3A_311 : memref<1x128xi32, #tpu.memory_space<vmem>> -> memref<128xi32, #tpu.memory_space<vmem>>
      %dma_start3A_313 = arith.constant 0 : i32
      %dma_start3A_314 = arith.constant 0 : i32
      %dma_start3A_315 = tpu.memref_slice %arg3[%dma_start3A_313, %dma_start3A_314] : memref<10240x64xf32, #tpu.memory_space<hbm>> -> memref<10240x64xf32, #tpu.memory_space<hbm>>
      tpu.enqueue_indirect_dma source(%dma_start3A_315 : memref<10240x64xf32, #tpu.memory_space<hbm>>) target(%arg9 : memref<128x64xf32, #tpu.memory_space<vmem>>) offsets(%dma_start3A_312 : memref<128xi32, #tpu.memory_space<vmem>>) semaphore(%arg18 : memref<!tpu.dma_semaphore, #tpu.memory_space<semaphore_mem>>)
      %dma_wait3A_316 = arith.constant 0 : i32
      %dma_wait3A_317 = tpu.memref_slice %arg6[%mul3A_150, %dma_wait3A_316] : memref<80x128xi32, #tpu.memory_space<vmem>> -> memref<1x128xi32, #tpu.memory_space<vmem>>
      %dma_wait3A_318 = tpu.memref_squeeze %dma_wait3A_317 : memref<1x128xi32, #tpu.memory_space<vmem>> -> memref<128xi32, #tpu.memory_space<vmem>>
      %dma_wait3A_319 = arith.constant 0 : i32
      %dma_wait3A_320 = arith.constant 0 : i32
      %dma_wait3A_321 = tpu.memref_slice %arg15[%dma_wait3A_319, %dma_wait3A_320] : memref<10240x64xf32, #tpu.memory_space<vmem_shared>> -> memref<10240x64xf32, #tpu.memory_space<vmem_shared>>
      tpu.wait_indirect_dma semaphore(%arg27 : memref<!tpu.dma_semaphore, #tpu.memory_space<semaphore_mem>>) src(%arg10 : memref<128x64xf32, #tpu.memory_space<vmem>>) dst(%dma_wait3A_321 : memref<10240x64xf32, #tpu.memory_space<vmem_shared>>)
      %add3A_322 = arith.constant 8 : i32
      %add3A_323 = arith.addi %mul3A_150, %add3A_322 : i32
      %add3A_324 = arith.constant 3 : i32
      %add3A_325 = arith.addi %add3A_323, %add3A_324 : i32
      %rem3A_326 = arith.constant 80 : i32
      %rem3A_327 = arith.remsi %add3A_325, %rem3A_326 : i32
      %dma_start3A_328 = arith.constant 0 : i32
      %dma_start3A_329 = tpu.memref_slice %arg5[%rem3A_327, %dma_start3A_328] : memref<80x128xi32, #tpu.memory_space<vmem>> -> memref<1x128xi32, #tpu.memory_space<vmem>>
      %dma_start3A_330 = tpu.memref_squeeze %dma_start3A_329 : memref<1x128xi32, #tpu.memory_space<vmem>> -> memref<128xi32, #tpu.memory_space<vmem>>
      %dma_start3A_331 = arith.constant 0 : i32
      %dma_start3A_332 = arith.constant 0 : i32
      %dma_start3A_333 = tpu.memref_slice %arg3[%dma_start3A_331, %dma_start3A_332] : memref<10240x64xf32, #tpu.memory_space<hbm>> -> memref<10240x64xf32, #tpu.memory_space<hbm>>
      tpu.enqueue_indirect_dma source(%dma_start3A_333 : memref<10240x64xf32, #tpu.memory_space<hbm>>) target(%arg10 : memref<128x64xf32, #tpu.memory_space<vmem>>) offsets(%dma_start3A_330 : memref<128xi32, #tpu.memory_space<vmem>>) semaphore(%arg19 : memref<!tpu.dma_semaphore, #tpu.memory_space<semaphore_mem>>)
      %dma_wait3A_334 = arith.constant 0 : i32
      %dma_wait3A_335 = tpu.memref_slice %arg6[%mul3A_150, %dma_wait3A_334] : memref<80x128xi32, #tpu.memory_space<vmem>> -> memref<1x128xi32, #tpu.memory_space<vmem>>
      %dma_wait3A_336 = tpu.memref_squeeze %dma_wait3A_335 : memref<1x128xi32, #tpu.memory_space<vmem>> -> memref<128xi32, #tpu.memory_space<vmem>>
      %dma_wait3A_337 = arith.constant 0 : i32
      %dma_wait3A_338 = arith.constant 0 : i32
      %dma_wait3A_339 = tpu.memref_slice %arg15[%dma_wait3A_337, %dma_wait3A_338] : memref<10240x64xf32, #tpu.memory_space<vmem_shared>> -> memref<10240x64xf32, #tpu.memory_space<vmem_shared>>
      tpu.wait_indirect_dma semaphore(%arg28 : memref<!tpu.dma_semaphore, #tpu.memory_space<semaphore_mem>>) src(%arg11 : memref<128x64xf32, #tpu.memory_space<vmem>>) dst(%dma_wait3A_339 : memref<10240x64xf32, #tpu.memory_space<vmem_shared>>)
      %add3A_340 = arith.constant 8 : i32
      %add3A_341 = arith.addi %mul3A_150, %add3A_340 : i32
      %add3A_342 = arith.constant 4 : i32
      %add3A_343 = arith.addi %add3A_341, %add3A_342 : i32
      %rem3A_344 = arith.constant 80 : i32
      %rem3A_345 = arith.remsi %add3A_343, %rem3A_344 : i32
      %dma_start3A_346 = arith.constant 0 : i32
      %dma_start3A_347 = tpu.memref_slice %arg5[%rem3A_345, %dma_start3A_346] : memref<80x128xi32, #tpu.memory_space<vmem>> -> memref<1x128xi32, #tpu.memory_space<vmem>>
      %dma_start3A_348 = tpu.memref_squeeze %dma_start3A_347 : memref<1x128xi32, #tpu.memory_space<vmem>> -> memref<128xi32, #tpu.memory_space<vmem>>
      %dma_start3A_349 = arith.constant 0 : i32
      %dma_start3A_350 = arith.constant 0 : i32
      %dma_start3A_351 = tpu.memref_slice %arg3[%dma_start3A_349, %dma_start3A_350] : memref<10240x64xf32, #tpu.memory_space<hbm>> -> memref<10240x64xf32, #tpu.memory_space<hbm>>
      tpu.enqueue_indirect_dma source(%dma_start3A_351 : memref<10240x64xf32, #tpu.memory_space<hbm>>) target(%arg11 : memref<128x64xf32, #tpu.memory_space<vmem>>) offsets(%dma_start3A_348 : memref<128xi32, #tpu.memory_space<vmem>>) semaphore(%arg20 : memref<!tpu.dma_semaphore, #tpu.memory_space<semaphore_mem>>)
      %dma_wait3A_352 = arith.constant 0 : i32
      %dma_wait3A_353 = tpu.memref_slice %arg6[%mul3A_150, %dma_wait3A_352] : memref<80x128xi32, #tpu.memory_space<vmem>> -> memref<1x128xi32, #tpu.memory_space<vmem>>
      %dma_wait3A_354 = tpu.memref_squeeze %dma_wait3A_353 : memref<1x128xi32, #tpu.memory_space<vmem>> -> memref<128xi32, #tpu.memory_space<vmem>>
      %dma_wait3A_355 = arith.constant 0 : i32
      %dma_wait3A_356 = arith.constant 0 : i32
      %dma_wait3A_357 = tpu.memref_slice %arg15[%dma_wait3A_355, %dma_wait3A_356] : memref<10240x64xf32, #tpu.memory_space<vmem_shared>> -> memref<10240x64xf32, #tpu.memory_space<vmem_shared>>
      tpu.wait_indirect_dma semaphore(%arg29 : memref<!tpu.dma_semaphore, #tpu.memory_space<semaphore_mem>>) src(%arg12 : memref<128x64xf32, #tpu.memory_space<vmem>>) dst(%dma_wait3A_357 : memref<10240x64xf32, #tpu.memory_space<vmem_shared>>)
      %add3A_358 = arith.constant 8 : i32
      %add3A_359 = arith.addi %mul3A_150, %add3A_358 : i32
      %add3A_360 = arith.constant 5 : i32
      %add3A_361 = arith.addi %add3A_359, %add3A_360 : i32
      %rem3A_362 = arith.constant 80 : i32
      %rem3A_363 = arith.remsi %add3A_361, %rem3A_362 : i32
      %dma_start3A_364 = arith.constant 0 : i32
      %dma_start3A_365 = tpu.memref_slice %arg5[%rem3A_363, %dma_start3A_364] : memref<80x128xi32, #tpu.memory_space<vmem>> -> memref<1x128xi32, #tpu.memory_space<vmem>>
      %dma_start3A_366 = tpu.memref_squeeze %dma_start3A_365 : memref<1x128xi32, #tpu.memory_space<vmem>> -> memref<128xi32, #tpu.memory_space<vmem>>
      %dma_start3A_367 = arith.constant 0 : i32
      %dma_start3A_368 = arith.constant 0 : i32
      %dma_start3A_369 = tpu.memref_slice %arg3[%dma_start3A_367, %dma_start3A_368] : memref<10240x64xf32, #tpu.memory_space<hbm>> -> memref<10240x64xf32, #tpu.memory_space<hbm>>
      tpu.enqueue_indirect_dma source(%dma_start3A_369 : memref<10240x64xf32, #tpu.memory_space<hbm>>) target(%arg12 : memref<128x64xf32, #tpu.memory_space<vmem>>) offsets(%dma_start3A_366 : memref<128xi32, #tpu.memory_space<vmem>>) semaphore(%arg21 : memref<!tpu.dma_semaphore, #tpu.memory_space<semaphore_mem>>)
      %dma_wait3A_370 = arith.constant 0 : i32
      %dma_wait3A_371 = tpu.memref_slice %arg6[%mul3A_150, %dma_wait3A_370] : memref<80x128xi32, #tpu.memory_space<vmem>> -> memref<1x128xi32, #tpu.memory_space<vmem>>
      %dma_wait3A_372 = tpu.memref_squeeze %dma_wait3A_371 : memref<1x128xi32, #tpu.memory_space<vmem>> -> memref<128xi32, #tpu.memory_space<vmem>>
      %dma_wait3A_373 = arith.constant 0 : i32
      %dma_wait3A_374 = arith.constant 0 : i32
      %dma_wait3A_375 = tpu.memref_slice %arg15[%dma_wait3A_373, %dma_wait3A_374] : memref<10240x64xf32, #tpu.memory_space<vmem_shared>> -> memref<10240x64xf32, #tpu.memory_space<vmem_shared>>
      tpu.wait_indirect_dma semaphore(%arg30 : memref<!tpu.dma_semaphore, #tpu.memory_space<semaphore_mem>>) src(%arg13 : memref<128x64xf32, #tpu.memory_space<vmem>>) dst(%dma_wait3A_375 : memref<10240x64xf32, #tpu.memory_space<vmem_shared>>)
      %add3A_376 = arith.constant 8 : i32
      %add3A_377 = arith.addi %mul3A_150, %add3A_376 : i32
      %add3A_378 = arith.constant 6 : i32
      %add3A_379 = arith.addi %add3A_377, %add3A_378 : i32
      %rem3A_380 = arith.constant 80 : i32
      %rem3A_381 = arith.remsi %add3A_379, %rem3A_380 : i32
      %dma_start3A_382 = arith.constant 0 : i32
      %dma_start3A_383 = tpu.memref_slice %arg5[%rem3A_381, %dma_start3A_382] : memref<80x128xi32, #tpu.memory_space<vmem>> -> memref<1x128xi32, #tpu.memory_space<vmem>>
      %dma_start3A_384 = tpu.memref_squeeze %dma_start3A_383 : memref<1x128xi32, #tpu.memory_space<vmem>> -> memref<128xi32, #tpu.memory_space<vmem>>
      %dma_start3A_385 = arith.constant 0 : i32
      %dma_start3A_386 = arith.constant 0 : i32
      %dma_start3A_387 = tpu.memref_slice %arg3[%dma_start3A_385, %dma_start3A_386] : memref<10240x64xf32, #tpu.memory_space<hbm>> -> memref<10240x64xf32, #tpu.memory_space<hbm>>
      tpu.enqueue_indirect_dma source(%dma_start3A_387 : memref<10240x64xf32, #tpu.memory_space<hbm>>) target(%arg13 : memref<128x64xf32, #tpu.memory_space<vmem>>) offsets(%dma_start3A_384 : memref<128xi32, #tpu.memory_space<vmem>>) semaphore(%arg22 : memref<!tpu.dma_semaphore, #tpu.memory_space<semaphore_mem>>)
      %dma_wait3A_388 = arith.constant 0 : i32
      %dma_wait3A_389 = tpu.memref_slice %arg6[%mul3A_150, %dma_wait3A_388] : memref<80x128xi32, #tpu.memory_space<vmem>> -> memref<1x128xi32, #tpu.memory_space<vmem>>
      %dma_wait3A_390 = tpu.memref_squeeze %dma_wait3A_389 : memref<1x128xi32, #tpu.memory_space<vmem>> -> memref<128xi32, #tpu.memory_space<vmem>>
      %dma_wait3A_391 = arith.constant 0 : i32
      %dma_wait3A_392 = arith.constant 0 : i32
      %dma_wait3A_393 = tpu.memref_slice %arg15[%dma_wait3A_391, %dma_wait3A_392] : memref<10240x64xf32, #tpu.memory_space<vmem_shared>> -> memref<10240x64xf32, #tpu.memory_space<vmem_shared>>
      tpu.wait_indirect_dma semaphore(%arg31 : memref<!tpu.dma_semaphore, #tpu.memory_space<semaphore_mem>>) src(%arg14 : memref<128x64xf32, #tpu.memory_space<vmem>>) dst(%dma_wait3A_393 : memref<10240x64xf32, #tpu.memory_space<vmem_shared>>)
      %add3A_394 = arith.constant 8 : i32
      %add3A_395 = arith.addi %mul3A_150, %add3A_394 : i32
      %add3A_396 = arith.constant 7 : i32
      %add3A_397 = arith.addi %add3A_395, %add3A_396 : i32
      %rem3A_398 = arith.constant 80 : i32
      %rem3A_399 = arith.remsi %add3A_397, %rem3A_398 : i32
      %dma_start3A_400 = arith.constant 0 : i32
      %dma_start3A_401 = tpu.memref_slice %arg5[%rem3A_399, %dma_start3A_400] : memref<80x128xi32, #tpu.memory_space<vmem>> -> memref<1x128xi32, #tpu.memory_space<vmem>>
      %dma_start3A_402 = tpu.memref_squeeze %dma_start3A_401 : memref<1x128xi32, #tpu.memory_space<vmem>> -> memref<128xi32, #tpu.memory_space<vmem>>
      %dma_start3A_403 = arith.constant 0 : i32
      %dma_start3A_404 = arith.constant 0 : i32
      %dma_start3A_405 = tpu.memref_slice %arg3[%dma_start3A_403, %dma_start3A_404] : memref<10240x64xf32, #tpu.memory_space<hbm>> -> memref<10240x64xf32, #tpu.memory_space<hbm>>
      tpu.enqueue_indirect_dma source(%dma_start3A_405 : memref<10240x64xf32, #tpu.memory_space<hbm>>) target(%arg14 : memref<128x64xf32, #tpu.memory_space<vmem>>) offsets(%dma_start3A_402 : memref<128xi32, #tpu.memory_space<vmem>>) semaphore(%arg23 : memref<!tpu.dma_semaphore, #tpu.memory_space<semaphore_mem>>)
    }
    %scan3A_87 = arith.constant 10 : i32
    %dma_wait3A = arith.constant 0 : i32
    %dma_wait3A_88 = arith.constant 0 : i32
    %dma_wait3A_89 = tpu.memref_slice %arg5[%dma_wait3A, %dma_wait3A_88] : memref<80x128xi32, #tpu.memory_space<vmem>> -> memref<1x128xi32, #tpu.memory_space<vmem>>
    %dma_wait3A_90 = tpu.memref_squeeze %dma_wait3A_89 : memref<1x128xi32, #tpu.memory_space<vmem>> -> memref<128xi32, #tpu.memory_space<vmem>>
    %dma_wait3A_91 = arith.constant 0 : i32
    %dma_wait3A_92 = arith.constant 0 : i32
    %dma_wait3A_93 = tpu.memref_slice %arg3[%dma_wait3A_91, %dma_wait3A_92] : memref<10240x64xf32, #tpu.memory_space<hbm>> -> memref<10240x64xf32, #tpu.memory_space<hbm>>
    tpu.wait_indirect_dma semaphore(%arg16 : memref<!tpu.dma_semaphore, #tpu.memory_space<semaphore_mem>>) src(%dma_wait3A_93 : memref<10240x64xf32, #tpu.memory_space<hbm>>) dst(%arg7 : memref<128x64xf32, #tpu.memory_space<vmem>>)
    %dma_wait3A_94 = arith.constant 1 : i32
    %dma_wait3A_95 = arith.constant 0 : i32
    %dma_wait3A_96 = tpu.memref_slice %arg5[%dma_wait3A_94, %dma_wait3A_95] : memref<80x128xi32, #tpu.memory_space<vmem>> -> memref<1x128xi32, #tpu.memory_space<vmem>>
    %dma_wait3A_97 = tpu.memref_squeeze %dma_wait3A_96 : memref<1x128xi32, #tpu.memory_space<vmem>> -> memref<128xi32, #tpu.memory_space<vmem>>
    %dma_wait3A_98 = arith.constant 0 : i32
    %dma_wait3A_99 = arith.constant 0 : i32
    %dma_wait3A_100 = tpu.memref_slice %arg3[%dma_wait3A_98, %dma_wait3A_99] : memref<10240x64xf32, #tpu.memory_space<hbm>> -> memref<10240x64xf32, #tpu.memory_space<hbm>>
    tpu.wait_indirect_dma semaphore(%arg17 : memref<!tpu.dma_semaphore, #tpu.memory_space<semaphore_mem>>) src(%dma_wait3A_100 : memref<10240x64xf32, #tpu.memory_space<hbm>>) dst(%arg8 : memref<128x64xf32, #tpu.memory_space<vmem>>)
    %dma_wait3A_101 = arith.constant 2 : i32
    %dma_wait3A_102 = arith.constant 0 : i32
    %dma_wait3A_103 = tpu.memref_slice %arg5[%dma_wait3A_101, %dma_wait3A_102] : memref<80x128xi32, #tpu.memory_space<vmem>> -> memref<1x128xi32, #tpu.memory_space<vmem>>
    %dma_wait3A_104 = tpu.memref_squeeze %dma_wait3A_103 : memref<1x128xi32, #tpu.memory_space<vmem>> -> memref<128xi32, #tpu.memory_space<vmem>>
    %dma_wait3A_105 = arith.constant 0 : i32
    %dma_wait3A_106 = arith.constant 0 : i32
    %dma_wait3A_107 = tpu.memref_slice %arg3[%dma_wait3A_105, %dma_wait3A_106] : memref<10240x64xf32, #tpu.memory_space<hbm>> -> memref<10240x64xf32, #tpu.memory_space<hbm>>
    tpu.wait_indirect_dma semaphore(%arg18 : memref<!tpu.dma_semaphore, #tpu.memory_space<semaphore_mem>>) src(%dma_wait3A_107 : memref<10240x64xf32, #tpu.memory_space<hbm>>) dst(%arg9 : memref<128x64xf32, #tpu.memory_space<vmem>>)
    %dma_wait3A_108 = arith.constant 3 : i32
    %dma_wait3A_109 = arith.constant 0 : i32
    %dma_wait3A_110 = tpu.memref_slice %arg5[%dma_wait3A_108, %dma_wait3A_109] : memref<80x128xi32, #tpu.memory_space<vmem>> -> memref<1x128xi32, #tpu.memory_space<vmem>>
    %dma_wait3A_111 = tpu.memref_squeeze %dma_wait3A_110 : memref<1x128xi32, #tpu.memory_space<vmem>> -> memref<128xi32, #tpu.memory_space<vmem>>
    %dma_wait3A_112 = arith.constant 0 : i32
    %dma_wait3A_113 = arith.constant 0 : i32
    %dma_wait3A_114 = tpu.memref_slice %arg3[%dma_wait3A_112, %dma_wait3A_113] : memref<10240x64xf32, #tpu.memory_space<hbm>> -> memref<10240x64xf32, #tpu.memory_space<hbm>>
    tpu.wait_indirect_dma semaphore(%arg19 : memref<!tpu.dma_semaphore, #tpu.memory_space<semaphore_mem>>) src(%dma_wait3A_114 : memref<10240x64xf32, #tpu.memory_space<hbm>>) dst(%arg10 : memref<128x64xf32, #tpu.memory_space<vmem>>)
    %dma_wait3A_115 = arith.constant 4 : i32
    %dma_wait3A_116 = arith.constant 0 : i32
    %dma_wait3A_117 = tpu.memref_slice %arg5[%dma_wait3A_115, %dma_wait3A_116] : memref<80x128xi32, #tpu.memory_space<vmem>> -> memref<1x128xi32, #tpu.memory_space<vmem>>
    %dma_wait3A_118 = tpu.memref_squeeze %dma_wait3A_117 : memref<1x128xi32, #tpu.memory_space<vmem>> -> memref<128xi32, #tpu.memory_space<vmem>>
    %dma_wait3A_119 = arith.constant 0 : i32
    %dma_wait3A_120 = arith.constant 0 : i32
    %dma_wait3A_121 = tpu.memref_slice %arg3[%dma_wait3A_119, %dma_wait3A_120] : memref<10240x64xf32, #tpu.memory_space<hbm>> -> memref<10240x64xf32, #tpu.memory_space<hbm>>
    tpu.wait_indirect_dma semaphore(%arg20 : memref<!tpu.dma_semaphore, #tpu.memory_space<semaphore_mem>>) src(%dma_wait3A_121 : memref<10240x64xf32, #tpu.memory_space<hbm>>) dst(%arg11 : memref<128x64xf32, #tpu.memory_space<vmem>>)
    %dma_wait3A_122 = arith.constant 5 : i32
    %dma_wait3A_123 = arith.constant 0 : i32
    %dma_wait3A_124 = tpu.memref_slice %arg5[%dma_wait3A_122, %dma_wait3A_123] : memref<80x128xi32, #tpu.memory_space<vmem>> -> memref<1x128xi32, #tpu.memory_space<vmem>>
    %dma_wait3A_125 = tpu.memref_squeeze %dma_wait3A_124 : memref<1x128xi32, #tpu.memory_space<vmem>> -> memref<128xi32, #tpu.memory_space<vmem>>
    %dma_wait3A_126 = arith.constant 0 : i32
    %dma_wait3A_127 = arith.constant 0 : i32
    %dma_wait3A_128 = tpu.memref_slice %arg3[%dma_wait3A_126, %dma_wait3A_127] : memref<10240x64xf32, #tpu.memory_space<hbm>> -> memref<10240x64xf32, #tpu.memory_space<hbm>>
    tpu.wait_indirect_dma semaphore(%arg21 : memref<!tpu.dma_semaphore, #tpu.memory_space<semaphore_mem>>) src(%dma_wait3A_128 : memref<10240x64xf32, #tpu.memory_space<hbm>>) dst(%arg12 : memref<128x64xf32, #tpu.memory_space<vmem>>)
    %dma_wait3A_129 = arith.constant 6 : i32
    %dma_wait3A_130 = arith.constant 0 : i32
    %dma_wait3A_131 = tpu.memref_slice %arg5[%dma_wait3A_129, %dma_wait3A_130] : memref<80x128xi32, #tpu.memory_space<vmem>> -> memref<1x128xi32, #tpu.memory_space<vmem>>
    %dma_wait3A_132 = tpu.memref_squeeze %dma_wait3A_131 : memref<1x128xi32, #tpu.memory_space<vmem>> -> memref<128xi32, #tpu.memory_space<vmem>>
    %dma_wait3A_133 = arith.constant 0 : i32
    %dma_wait3A_134 = arith.constant 0 : i32
    %dma_wait3A_135 = tpu.memref_slice %arg3[%dma_wait3A_133, %dma_wait3A_134] : memref<10240x64xf32, #tpu.memory_space<hbm>> -> memref<10240x64xf32, #tpu.memory_space<hbm>>
    tpu.wait_indirect_dma semaphore(%arg22 : memref<!tpu.dma_semaphore, #tpu.memory_space<semaphore_mem>>) src(%dma_wait3A_135 : memref<10240x64xf32, #tpu.memory_space<hbm>>) dst(%arg13 : memref<128x64xf32, #tpu.memory_space<vmem>>)
    %dma_wait3A_136 = arith.constant 7 : i32
    %dma_wait3A_137 = arith.constant 0 : i32
    %dma_wait3A_138 = tpu.memref_slice %arg5[%dma_wait3A_136, %dma_wait3A_137] : memref<80x128xi32, #tpu.memory_space<vmem>> -> memref<1x128xi32, #tpu.memory_space<vmem>>
    %dma_wait3A_139 = tpu.memref_squeeze %dma_wait3A_138 : memref<1x128xi32, #tpu.memory_space<vmem>> -> memref<128xi32, #tpu.memory_space<vmem>>
    %dma_wait3A_140 = arith.constant 0 : i32
    %dma_wait3A_141 = arith.constant 0 : i32
    %dma_wait3A_142 = tpu.memref_slice %arg3[%dma_wait3A_140, %dma_wait3A_141] : memref<10240x64xf32, #tpu.memory_space<hbm>> -> memref<10240x64xf32, #tpu.memory_space<hbm>>
    tpu.wait_indirect_dma semaphore(%arg23 : memref<!tpu.dma_semaphore, #tpu.memory_space<semaphore_mem>>) src(%dma_wait3A_142 : memref<10240x64xf32, #tpu.memory_space<hbm>>) dst(%arg14 : memref<128x64xf32, #tpu.memory_space<vmem>>)
    %barrier3A_143 = arith.constant 0 : index
    tpu.barrier barrier_id(%barrier3A_143)
    %mul3A_144 = arith.constant 640 : i32
    %mul3A_145 = arith.muli %arg1, %mul3A_144 : i32
    %mul3A_146 = arith.constant 640 : i32
    %mul3A_147 = arith.muli %arg1, %mul3A_146 : i32
    "tpu.region"() ({
      %run_scoped3A_148 = tpu.sem_alloc : memref<!tpu.dma_semaphore, #tpu.memory_space<semaphore_mem>>
      %dma_start3A_149 = arith.constant 0 : i32
      %dma_start3A_150 = tpu.memref_slice %arg4[%arg0, %mul3A_147, %dma_start3A_149] : memref<2x10240x64xf32, #tpu.memory_space<hbm>> -> memref<1x640x64xf32, #tpu.memory_space<hbm>>
      %dma_start3A_151 = tpu.memref_squeeze %dma_start3A_150 : memref<1x640x64xf32, #tpu.memory_space<hbm>> -> memref<640x64xf32, #tpu.memory_space<hbm>>
      %dma_start3A_152 = arith.constant 0 : i32
      %dma_start3A_153 = tpu.memref_slice %arg15[%mul3A_145, %dma_start3A_152] : memref<10240x64xf32, #tpu.memory_space<vmem_shared>> -> memref<640x64xf32, #tpu.memory_space<vmem_shared>>
      tpu.enqueue_dma source(%dma_start3A_153 : memref<640x64xf32, #tpu.memory_space<vmem_shared>>) target(%dma_start3A_151 : memref<640x64xf32, #tpu.memory_space<hbm>>) target_semaphore(%run_scoped3A_148 : memref<!tpu.dma_semaphore, #tpu.memory_space<semaphore_mem>>)
      %dma_wait3A_154 = arith.constant 0 : i32
      %dma_wait3A_155 = tpu.memref_slice %arg4[%arg0, %mul3A_147, %dma_wait3A_154] : memref<2x10240x64xf32, #tpu.memory_space<hbm>> -> memref<1x640x64xf32, #tpu.memory_space<hbm>>
      %dma_wait3A_156 = tpu.memref_squeeze %dma_wait3A_155 : memref<1x640x64xf32, #tpu.memory_space<hbm>> -> memref<640x64xf32, #tpu.memory_space<hbm>>
      %dma_wait3A_157 = arith.constant 0 : i32
      %dma_wait3A_158 = tpu.memref_slice %arg15[%mul3A_145, %dma_wait3A_157] : memref<10240x64xf32, #tpu.memory_space<vmem_shared>> -> memref<640x64xf32, #tpu.memory_space<vmem_shared>>
      tpu.wait_dma2 semaphore(%run_scoped3A_148 : memref<!tpu.dma_semaphore, #tpu.memory_space<semaphore_mem>>) src(%dma_wait3A_158 : memref<640x64xf32, #tpu.memory_space<vmem_shared>>) dst(%dma_wait3A_156 : memref<640x64xf32, #tpu.memory_space<hbm>>)
      tpu.yield
    }) : () -> ()
    return
  }
}

module attributes {stable_mosaic.version = 14 : i64} {
  func.func @_tca_body(%arg0: i32, %arg1: memref<32x512xf32, #tpu.memory_space<vmem>>, %arg2: memref<512x128xf32, #tpu.memory_space<vmem>>, %arg3: memref<128x64xf32, #tpu.memory_space<vmem>>, %arg4: memref<512x64xf32, #tpu.memory_space<vmem>>, %arg5: memref<512x1xf32, #tpu.memory_space<vmem>>) attributes {dimension_semantics = [#tpu.dimension_semantics<arbitrary>], iteration_bounds = array<i64: 20>, scalar_prefetch = 0 : i64, scratch_operands = 0 : i64, tpu.core_type = #tpu.core_type<tc>, window_params = [{transform_indices = @transform_0, window_bounds = array<i64: 32, 512>}, {transform_indices = @transform_1, window_bounds = array<i64: 512, 128>}, {pipeline_mode = #tpu.pipeline_mode<synchronous>, transform_indices = @transform_2, window_bounds = array<i64: 128, 64>}, {transform_indices = @transform_3, window_bounds = array<i64: 512, 64>}, {transform_indices = @transform_4, window_bounds = array<i64: 512, 1>}]} {
    %get3A = arith.constant 0 : index
    %get3A_0 = arith.constant 0 : index
    %get3A_1 = vector.load %arg1[%get3A, %get3A_0] : memref<32x512xf32, #tpu.memory_space<vmem>>, vector<32x512xf32>
    %reduce_sum3A = arith.constant dense<0.000000e+00> : vector<512xf32>
    %reduce_sum3A_2 = vector.multi_reduction <add>, %get3A_1, %reduce_sum3A [0] : vector<32x512xf32> to vector<512xf32>
    %add3A = arith.constant 1.000000e+00 : f32
    %add3A_3 = vector.broadcast %add3A : f32 to vector<512xf32>
    %add3A_4 = arith.addf %reduce_sum3A_2, %add3A_3 : vector<512xf32>
    %rsqrt3A = math.rsqrt %add3A_4 : vector<512xf32>
    %get3A_5 = arith.constant 0 : index
    %get3A_6 = arith.constant 0 : index
    %get3A_7 = vector.load %arg2[%get3A_5, %get3A_6] : memref<512x128xf32, #tpu.memory_space<vmem>>, vector<512x128xf32>
    %get3A_8 = arith.constant 0 : index
    %get3A_9 = arith.constant 0 : index
    %get3A_10 = vector.load %arg3[%get3A_8, %get3A_9] : memref<128x64xf32, #tpu.memory_space<vmem>>, vector<128x64xf32>
    %dot_general3A = arith.constant dense<0.000000e+00> : vector<512x64xf32>
    %dot_general3A_11 = tpu.matmul %get3A_7, %get3A_10, %dot_general3A {dimension_numbers = #tpu.dot_dimension_numbers<[1], [0], [0], [1], [0, 0, 1, 1], [], []>, transpose_lhs_hint = false} : vector<512x128xf32>, vector<128x64xf32>, vector<512x64xf32> -> vector<512x64xf32>
    %broadcast_in_dim3A = vector.shape_cast %rsqrt3A : vector<512xf32> to vector<512x1xf32>
    %mul3A = vector.broadcast %broadcast_in_dim3A : vector<512x1xf32> to vector<512x64xf32>
    %mul3A_12 = arith.mulf %dot_general3A_11, %mul3A : vector<512x64xf32>
    %swap3A = arith.constant 0 : index
    %swap3A_13 = arith.constant 0 : index
    %swap3A_14 = vector.load %arg4[%swap3A, %swap3A_13] : memref<512x64xf32, #tpu.memory_space<vmem>>, vector<512x64xf32>
    tpu.vector_store %arg4[%swap3A, %swap3A_13], %mul3A_12 {strides = array<i32>} : memref<512x64xf32, #tpu.memory_space<vmem>>, vector<512x64xf32>,
    %broadcast_in_dim3A_15 = vector.shape_cast %rsqrt3A : vector<512xf32> to vector<512x1xf32>
    %swap3A_16 = arith.constant 0 : index
    %swap3A_17 = arith.constant 0 : index
    %swap3A_18 = vector.load %arg5[%swap3A_16, %swap3A_17] : memref<512x1xf32, #tpu.memory_space<vmem>>, vector<512x1xf32>
    tpu.vector_store %arg5[%swap3A_16, %swap3A_17], %broadcast_in_dim3A_15 {strides = array<i32>} : memref<512x1xf32, #tpu.memory_space<vmem>>, vector<512x1xf32>,
    return
  }
  func.func @transform_0(%arg0: i32) -> (i32, i32) {
    %c0_i32 = arith.constant 0 : i32
    %c0_i32_0 = arith.constant 0 : i32
    return %c0_i32, %arg0 : i32, i32
  }
  func.func @transform_1(%arg0: i32) -> (i32, i32) {
    %c0_i32 = arith.constant 0 : i32
    %c0_i32_0 = arith.constant 0 : i32
    return %arg0, %c0_i32 : i32, i32
  }
  func.func @transform_2(%arg0: i32) -> (i32, i32) {
    %c0_i32 = arith.constant 0 : i32
    %c0_i32_0 = arith.constant 0 : i32
    %c0_i32_1 = arith.constant 0 : i32
    return %c0_i32, %c0_i32_0 : i32, i32
  }
  func.func @transform_3(%arg0: i32) -> (i32, i32) {
    %c0_i32 = arith.constant 0 : i32
    %c0_i32_0 = arith.constant 0 : i32
    return %arg0, %c0_i32 : i32, i32
  }
  func.func @transform_4(%arg0: i32) -> (i32, i32) {
    %c0_i32 = arith.constant 0 : i32
    %c0_i32_0 = arith.constant 0 : i32
    return %arg0, %c0_i32 : i32, i32
  }
}

module attributes {stable_mosaic.version = 14 : i64} {
  func.func @_tcb_body(%arg0: i32, %arg1: memref<2x512x64xf32, #tpu.memory_space<vmem>>, %arg2: memref<512x64xf32, #tpu.memory_space<vmem>>, %arg3: memref<512x1xf32, #tpu.memory_space<vmem>>, %arg4: memref<1x64xf32, #tpu.memory_space<vmem>>, %arg5: memref<64x64xf32, #tpu.memory_space<vmem>>, %arg6: memref<512x64xf32, #tpu.memory_space<vmem>>) attributes {dimension_semantics = [#tpu.dimension_semantics<arbitrary>], iteration_bounds = array<i64: 20>, scalar_prefetch = 0 : i64, scratch_operands = 0 : i64, tpu.core_type = #tpu.core_type<tc>, window_params = [{transform_indices = @transform_0, window_bounds = array<i64: 2, 512, 64>}, {transform_indices = @transform_1, window_bounds = array<i64: 512, 64>}, {transform_indices = @transform_2, window_bounds = array<i64: 512, 1>}, {pipeline_mode = #tpu.pipeline_mode<synchronous>, transform_indices = @transform_3, window_bounds = array<i64: 1, 64>}, {pipeline_mode = #tpu.pipeline_mode<synchronous>, transform_indices = @transform_4, window_bounds = array<i64: 64, 64>}, {transform_indices = @transform_5, window_bounds = array<i64: 512, 64>}]} {
    %get3A = arith.constant 0 : index
    %get3A_0 = arith.constant 0 : index
    %get3A_1 = arith.constant 0 : index
    %get3A_2 = vector.load %arg1[%get3A, %get3A_0, %get3A_1] : memref<2x512x64xf32, #tpu.memory_space<vmem>>, vector<1x512x64xf32>
    %get3A_3 = vector.shape_cast %get3A_2 : vector<1x512x64xf32> to vector<512x64xf32>
    %get3A_4 = arith.constant 1 : index
    %get3A_5 = arith.constant 0 : index
    %get3A_6 = arith.constant 0 : index
    %get3A_7 = vector.load %arg1[%get3A_4, %get3A_5, %get3A_6] : memref<2x512x64xf32, #tpu.memory_space<vmem>>, vector<1x512x64xf32>
    %get3A_8 = vector.shape_cast %get3A_7 : vector<1x512x64xf32> to vector<512x64xf32>
    %add3A = arith.addf %get3A_3, %get3A_8 : vector<512x64xf32>
    %get3A_9 = arith.constant 0 : index
    %get3A_10 = arith.constant 0 : index
    %get3A_11 = vector.load %arg2[%get3A_9, %get3A_10] : memref<512x64xf32, #tpu.memory_space<vmem>>, vector<512x64xf32>
    %add3A_12 = arith.addf %add3A, %get3A_11 : vector<512x64xf32>
    %get3A_13 = arith.constant 0 : index
    %get3A_14 = arith.constant 0 : index
    %get3A_15 = vector.load %arg3[%get3A_13, %get3A_14] : memref<512x1xf32, #tpu.memory_space<vmem>>, vector<512x1xf32>
    %mul3A = vector.broadcast %get3A_15 : vector<512x1xf32> to vector<512x64xf32>
    %mul3A_16 = arith.mulf %add3A_12, %mul3A : vector<512x64xf32>
    %get3A_17 = arith.constant 0 : index
    %get3A_18 = arith.constant 0 : index
    %get3A_19 = vector.load %arg4[%get3A_17, %get3A_18] : memref<1x64xf32, #tpu.memory_space<vmem>>, vector<1x64xf32>
    %add3A_20 = vector.broadcast %get3A_19 : vector<1x64xf32> to vector<512x64xf32>
    %add3A_21 = arith.addf %mul3A_16, %add3A_20 : vector<512x64xf32>
    %max3A = arith.constant 0.000000e+00 : f32
    %max3A_22 = vector.broadcast %max3A : f32 to vector<512x64xf32>
    %max3A_23 = arith.maximumf %add3A_21, %max3A_22 : vector<512x64xf32>
    %get3A_24 = arith.constant 0 : index
    %get3A_25 = arith.constant 0 : index
    %get3A_26 = vector.load %arg5[%get3A_24, %get3A_25] : memref<64x64xf32, #tpu.memory_space<vmem>>, vector<64x64xf32>
    %dot_general3A = arith.constant dense<0.000000e+00> : vector<512x64xf32>
    %dot_general3A_27 = tpu.matmul %max3A_23, %get3A_26, %dot_general3A {dimension_numbers = #tpu.dot_dimension_numbers<[1], [0], [0], [1], [0, 0, 1, 1], [], []>, transpose_lhs_hint = false} : vector<512x64xf32>, vector<64x64xf32>, vector<512x64xf32> -> vector<512x64xf32>
    %get3A_28 = arith.constant 0 : index
    %get3A_29 = arith.constant 0 : index
    %get3A_30 = vector.load %arg3[%get3A_28, %get3A_29] : memref<512x1xf32, #tpu.memory_space<vmem>>, vector<512x1xf32>
    %mul3A_31 = vector.broadcast %get3A_30 : vector<512x1xf32> to vector<512x64xf32>
    %mul3A_32 = arith.mulf %dot_general3A_27, %mul3A_31 : vector<512x64xf32>
    %swap3A = arith.constant 0 : index
    %swap3A_33 = arith.constant 0 : index
    %swap3A_34 = vector.load %arg6[%swap3A, %swap3A_33] : memref<512x64xf32, #tpu.memory_space<vmem>>, vector<512x64xf32>
    tpu.vector_store %arg6[%swap3A, %swap3A_33], %mul3A_32 {strides = array<i32>} : memref<512x64xf32, #tpu.memory_space<vmem>>, vector<512x64xf32>,
    return
  }
  func.func @transform_0(%arg0: i32) -> (i32, i32, i32) {
    %c0_i32 = arith.constant 0 : i32
    %c0_i32_0 = arith.constant 0 : i32
    %c0_i32_1 = arith.constant 0 : i32
    return %c0_i32, %arg0, %c0_i32_0 : i32, i32, i32
  }
  func.func @transform_1(%arg0: i32) -> (i32, i32) {
    %c0_i32 = arith.constant 0 : i32
    %c0_i32_0 = arith.constant 0 : i32
    return %arg0, %c0_i32 : i32, i32
  }
  func.func @transform_2(%arg0: i32) -> (i32, i32) {
    %c0_i32 = arith.constant 0 : i32
    %c0_i32_0 = arith.constant 0 : i32
    return %arg0, %c0_i32 : i32, i32
  }
  func.func @transform_3(%arg0: i32) -> (i32, i32) {
    %c0_i32 = arith.constant 0 : i32
    %c0_i32_0 = arith.constant 0 : i32
    %c0_i32_1 = arith.constant 0 : i32
    return %c0_i32, %c0_i32_0 : i32, i32
  }
  func.func @transform_4(%arg0: i32) -> (i32, i32) {
    %c0_i32 = arith.constant 0 : i32
    %c0_i32_0 = arith.constant 0 : i32
    %c0_i32_1 = arith.constant 0 : i32
    return %c0_i32, %c0_i32_0 : i32, i32
  }
  func.func @transform_5(%arg0: i32) -> (i32, i32) {
    %c0_i32 = arith.constant 0 : i32
    %c0_i32_0 = arith.constant 0 : i32
    return %arg0, %c0_i32 : i32, i32
  }
}

module attributes {stable_mosaic.version = 14 : i64} {
  func.func @_tcc_body(%arg0: i32, %arg1: memref<2x512x64xf32, #tpu.memory_space<vmem>>, %arg2: memref<512x64xf32, #tpu.memory_space<vmem>>, %arg3: memref<512x1xf32, #tpu.memory_space<vmem>>, %arg4: memref<1x64xf32, #tpu.memory_space<vmem>>, %arg5: memref<1x1x512xi32, #tpu.memory_space<vmem>>, %arg6: memref<64x1xf32, #tpu.memory_space<vmem>>, %arg7: memref<1x1xf32, #tpu.memory_space<vmem>>, %arg8: memref<128x1xf32, #tpu.memory_space<vmem>>, %arg9: memref<128x64xf32, #tpu.memory_space<vmem>>, %arg10: memref<128x64xf32, #tpu.memory_space<vmem>>) attributes {dimension_semantics = [#tpu.dimension_semantics<arbitrary>], iteration_bounds = array<i64: 20>, scalar_prefetch = 0 : i64, scratch_operands = 2 : i64, tpu.core_type = #tpu.core_type<tc>, window_params = [{transform_indices = @transform_0, window_bounds = array<i64: 2, 512, 64>}, {transform_indices = @transform_1, window_bounds = array<i64: 512, 64>}, {transform_indices = @transform_2, window_bounds = array<i64: 512, 1>}, {pipeline_mode = #tpu.pipeline_mode<synchronous>, transform_indices = @transform_3, window_bounds = array<i64: 1, 64>}, {transform_indices = @transform_4, window_bounds = array<i64: 1, 1, 512>}, {pipeline_mode = #tpu.pipeline_mode<synchronous>, transform_indices = @transform_5, window_bounds = array<i64: 64, 1>}, {pipeline_mode = #tpu.pipeline_mode<synchronous>, transform_indices = @transform_6, window_bounds = array<i64: 1, 1>}, {pipeline_mode = #tpu.pipeline_mode<synchronous>, transform_indices = @transform_7, window_bounds = array<i64: 128, 1>}]} {
    %eq3A = arith.constant 0 : i32
    %eq3A_0 = arith.cmpi eq, %arg0, %eq3A : i32
    %convert_element_type3A = arith.extui %eq3A_0 : i1 to i32
    %cond3A = arith.constant 0 : i32
    %cond3A_1 = arith.cmpi ne, %convert_element_type3A, %cond3A : i32
    scf.if %cond3A_1 {
      %broadcast_in_dim3A_58 = arith.constant 0.000000e+00 : f32
      %broadcast_in_dim3A_59 = vector.broadcast %broadcast_in_dim3A_58 : f32 to vector<128x64xf32>
      %swap3A_60 = arith.constant 0 : index
      %swap3A_61 = arith.constant 0 : index
      %swap3A_62 = vector.load %arg9[%swap3A_60, %swap3A_61] : memref<128x64xf32, #tpu.memory_space<vmem>>, vector<128x64xf32>
      tpu.vector_store %arg9[%swap3A_60, %swap3A_61], %broadcast_in_dim3A_59 {strides = array<i32>} : memref<128x64xf32, #tpu.memory_space<vmem>>, vector<128x64xf32>,
      %broadcast_in_dim3A_63 = arith.constant 0.000000e+00 : f32
      %broadcast_in_dim3A_64 = vector.broadcast %broadcast_in_dim3A_63 : f32 to vector<128x64xf32>
      %swap3A_65 = arith.constant 0 : index
      %swap3A_66 = arith.constant 0 : index
      %swap3A_67 = vector.load %arg10[%swap3A_65, %swap3A_66] : memref<128x64xf32, #tpu.memory_space<vmem>>, vector<128x64xf32>
      tpu.vector_store %arg10[%swap3A_65, %swap3A_66], %broadcast_in_dim3A_64 {strides = array<i32>} : memref<128x64xf32, #tpu.memory_space<vmem>>, vector<128x64xf32>,
    } else {
    }
    %get3A = arith.constant 0 : index
    %get3A_2 = arith.constant 0 : index
    %get3A_3 = arith.constant 0 : index
    %get3A_4 = vector.load %arg1[%get3A, %get3A_2, %get3A_3] : memref<2x512x64xf32, #tpu.memory_space<vmem>>, vector<1x512x64xf32>
    %get3A_5 = vector.shape_cast %get3A_4 : vector<1x512x64xf32> to vector<512x64xf32>
    %get3A_6 = arith.constant 1 : index
    %get3A_7 = arith.constant 0 : index
    %get3A_8 = arith.constant 0 : index
    %get3A_9 = vector.load %arg1[%get3A_6, %get3A_7, %get3A_8] : memref<2x512x64xf32, #tpu.memory_space<vmem>>, vector<1x512x64xf32>
    %get3A_10 = vector.shape_cast %get3A_9 : vector<1x512x64xf32> to vector<512x64xf32>
    %add3A = arith.addf %get3A_5, %get3A_10 : vector<512x64xf32>
    %get3A_11 = arith.constant 0 : index
    %get3A_12 = arith.constant 0 : index
    %get3A_13 = vector.load %arg2[%get3A_11, %get3A_12] : memref<512x64xf32, #tpu.memory_space<vmem>>, vector<512x64xf32>
    %add3A_14 = arith.addf %add3A, %get3A_13 : vector<512x64xf32>
    %get3A_15 = arith.constant 0 : index
    %get3A_16 = arith.constant 0 : index
    %get3A_17 = vector.load %arg3[%get3A_15, %get3A_16] : memref<512x1xf32, #tpu.memory_space<vmem>>, vector<512x1xf32>
    %mul3A = vector.broadcast %get3A_17 : vector<512x1xf32> to vector<512x64xf32>
    %mul3A_18 = arith.mulf %add3A_14, %mul3A : vector<512x64xf32>
    %get3A_19 = arith.constant 0 : index
    %get3A_20 = arith.constant 0 : index
    %get3A_21 = vector.load %arg4[%get3A_19, %get3A_20] : memref<1x64xf32, #tpu.memory_space<vmem>>, vector<1x64xf32>
    %add3A_22 = vector.broadcast %get3A_21 : vector<1x64xf32> to vector<512x64xf32>
    %add3A_23 = arith.addf %mul3A_18, %add3A_22 : vector<512x64xf32>
    %max3A = arith.constant 0.000000e+00 : f32
    %max3A_24 = vector.broadcast %max3A : f32 to vector<512x64xf32>
    %max3A_25 = arith.maximumf %add3A_23, %max3A_24 : vector<512x64xf32>
    %get3A_26 = arith.constant 0 : index
    %get3A_27 = arith.constant 0 : index
    %get3A_28 = arith.constant 0 : index
    %get3A_29 = vector.load %arg5[%get3A_26, %get3A_27, %get3A_28] : memref<1x1x512xi32, #tpu.memory_space<vmem>>, vector<1x1x512xi32>
    %get3A_30 = vector.shape_cast %get3A_29 : vector<1x1x512xi32> to vector<512xi32>
    %iota3A = tpu.iota {dimensions = array<i32: 0>} : vector<128x512xi32>
    %broadcast_in_dim3A = vector.shape_cast %get3A_30 : vector<512xi32> to vector<1x512xi32>
    %eq3A_31 = vector.broadcast %broadcast_in_dim3A : vector<1x512xi32> to vector<128x512xi32>
    %eq3A_32 = arith.cmpi eq, %iota3A, %eq3A_31 : vector<128x512xi32>
    %convert_element_type3A_33 = arith.extui %eq3A_32 : vector<128x512xi1> to vector<128x512xi32>
    %convert_element_type3A_34 = arith.sitofp %convert_element_type3A_33 : vector<128x512xi32> to vector<128x512xf32>
    %get3A_35 = arith.constant 0 : index
    %get3A_36 = arith.constant 0 : index
    %get3A_37 = vector.load %arg9[%get3A_35, %get3A_36] : memref<128x64xf32, #tpu.memory_space<vmem>>, vector<128x64xf32>
    %dot_general3A = arith.constant dense<0.000000e+00> : vector<128x64xf32>
    %dot_general3A_38 = tpu.matmul %convert_element_type3A_34, %max3A_25, %dot_general3A {dimension_numbers = #tpu.dot_dimension_numbers<[1], [0], [0], [1], [0, 0, 1, 1], [], []>, precision = #tpu.contract_precision<fp32>, transpose_lhs_hint = false} : vector<128x512xf32>, vector<512x64xf32>, vector<128x64xf32> -> vector<128x64xf32>
    %add3A_39 = arith.addf %get3A_37, %dot_general3A_38 : vector<128x64xf32>
    %swap3A = arith.constant 0 : index
    %swap3A_40 = arith.constant 0 : index
    %swap3A_41 = vector.load %arg9[%swap3A, %swap3A_40] : memref<128x64xf32, #tpu.memory_space<vmem>>, vector<128x64xf32>
    tpu.vector_store %arg9[%swap3A, %swap3A_40], %add3A_39 {strides = array<i32>} : memref<128x64xf32, #tpu.memory_space<vmem>>, vector<128x64xf32>,
    %get3A_42 = arith.constant 0 : index
    %get3A_43 = arith.constant 0 : index
    %get3A_44 = vector.load %arg10[%get3A_42, %get3A_43] : memref<128x64xf32, #tpu.memory_space<vmem>>, vector<128x64xf32>
    %broadcast_in_dim3A_45 = arith.constant 1.000000e+00 : f32
    %broadcast_in_dim3A_46 = vector.broadcast %broadcast_in_dim3A_45 : f32 to vector<512x64xf32>
    %dot_general3A_47 = arith.constant dense<0.000000e+00> : vector<128x64xf32>
    %dot_general3A_48 = tpu.matmul %convert_element_type3A_34, %broadcast_in_dim3A_46, %dot_general3A_47 {dimension_numbers = #tpu.dot_dimension_numbers<[1], [0], [0], [1], [0, 0, 1, 1], [], []>, precision = #tpu.contract_precision<fp32>, transpose_lhs_hint = false} : vector<128x512xf32>, vector<512x64xf32>, vector<128x64xf32> -> vector<128x64xf32>
    %add3A_49 = arith.addf %get3A_44, %dot_general3A_48 : vector<128x64xf32>
    %swap3A_50 = arith.constant 0 : index
    %swap3A_51 = arith.constant 0 : index
    %swap3A_52 = vector.load %arg10[%swap3A_50, %swap3A_51] : memref<128x64xf32, #tpu.memory_space<vmem>>, vector<128x64xf32>
    tpu.vector_store %arg10[%swap3A_50, %swap3A_51], %add3A_49 {strides = array<i32>} : memref<128x64xf32, #tpu.memory_space<vmem>>, vector<128x64xf32>,
    %eq3A_53 = arith.constant 19 : i32
    %eq3A_54 = arith.cmpi eq, %arg0, %eq3A_53 : i32
    %convert_element_type3A_55 = arith.extui %eq3A_54 : i1 to i32
    %cond3A_56 = arith.constant 0 : i32
    %cond3A_57 = arith.cmpi ne, %convert_element_type3A_55, %cond3A_56 : i32
    scf.if %cond3A_57 {
      %get3A_58 = arith.constant 0 : index
      %get3A_59 = arith.constant 0 : index
      %get3A_60 = vector.load %arg9[%get3A_58, %get3A_59] : memref<128x64xf32, #tpu.memory_space<vmem>>, vector<128x64xf32>
      %get3A_61 = arith.constant 0 : index
      %get3A_62 = arith.constant 0 : index
      %get3A_63 = vector.load %arg10[%get3A_61, %get3A_62] : memref<128x64xf32, #tpu.memory_space<vmem>>, vector<128x64xf32>
      %max3A_64 = arith.constant 1.000000e+00 : f32
      %max3A_65 = vector.broadcast %max3A_64 : f32 to vector<128x64xf32>
      %max3A_66 = arith.maximumf %get3A_63, %max3A_65 : vector<128x64xf32>
      %div3A = arith.divf %get3A_60, %max3A_66 : vector<128x64xf32>
      %get3A_67 = arith.constant 0 : index
      %get3A_68 = arith.constant 0 : index
      %get3A_69 = vector.load %arg6[%get3A_67, %get3A_68] : memref<64x1xf32, #tpu.memory_space<vmem>>, vector<64x1xf32>
      %dot_general3A_70 = arith.constant dense<0.000000e+00> : vector<128x1xf32>
      %dot_general3A_71 = tpu.matmul %div3A, %get3A_69, %dot_general3A_70 {dimension_numbers = #tpu.dot_dimension_numbers<[1], [0], [0], [1], [0, 0, 1, 1], [], []>, transpose_lhs_hint = false} : vector<128x64xf32>, vector<64x1xf32>, vector<128x1xf32> -> vector<128x1xf32>
      %get3A_72 = arith.constant 0 : index
      %get3A_73 = arith.constant 0 : index
      %get3A_74 = vector.load %arg7[%get3A_72, %get3A_73] : memref<1x1xf32, #tpu.memory_space<vmem>>, vector<1x1xf32>
      %add3A_75 = vector.broadcast %get3A_74 : vector<1x1xf32> to vector<128x1xf32>
      %add3A_76 = arith.addf %dot_general3A_71, %add3A_75 : vector<128x1xf32>
      %swap3A_77 = arith.constant 0 : index
      %swap3A_78 = arith.constant 0 : index
      %swap3A_79 = vector.load %arg8[%swap3A_77, %swap3A_78] : memref<128x1xf32, #tpu.memory_space<vmem>>, vector<128x1xf32>
      tpu.vector_store %arg8[%swap3A_77, %swap3A_78], %add3A_76 {strides = array<i32>} : memref<128x1xf32, #tpu.memory_space<vmem>>, vector<128x1xf32>,
    } else {
    }
    return
  }
  func.func @transform_0(%arg0: i32) -> (i32, i32, i32) {
    %c0_i32 = arith.constant 0 : i32
    %c0_i32_0 = arith.constant 0 : i32
    %c0_i32_1 = arith.constant 0 : i32
    return %c0_i32, %arg0, %c0_i32_0 : i32, i32, i32
  }
  func.func @transform_1(%arg0: i32) -> (i32, i32) {
    %c0_i32 = arith.constant 0 : i32
    %c0_i32_0 = arith.constant 0 : i32
    return %arg0, %c0_i32 : i32, i32
  }
  func.func @transform_2(%arg0: i32) -> (i32, i32) {
    %c0_i32 = arith.constant 0 : i32
    %c0_i32_0 = arith.constant 0 : i32
    return %arg0, %c0_i32 : i32, i32
  }
  func.func @transform_3(%arg0: i32) -> (i32, i32) {
    %c0_i32 = arith.constant 0 : i32
    %c0_i32_0 = arith.constant 0 : i32
    %c0_i32_1 = arith.constant 0 : i32
    return %c0_i32, %c0_i32_0 : i32, i32
  }
  func.func @transform_4(%arg0: i32) -> (i32, i32, i32) {
    %c0_i32 = arith.constant 0 : i32
    %c0_i32_0 = arith.constant 0 : i32
    %c0_i32_1 = arith.constant 0 : i32
    return %arg0, %c0_i32, %c0_i32_0 : i32, i32, i32
  }
  func.func @transform_5(%arg0: i32) -> (i32, i32) {
    %c0_i32 = arith.constant 0 : i32
    %c0_i32_0 = arith.constant 0 : i32
    %c0_i32_1 = arith.constant 0 : i32
    return %c0_i32, %c0_i32_0 : i32, i32
  }
  func.func @transform_6(%arg0: i32) -> (i32, i32) {
    %c0_i32 = arith.constant 0 : i32
    %c0_i32_0 = arith.constant 0 : i32
    %c0_i32_1 = arith.constant 0 : i32
    return %c0_i32, %c0_i32_0 : i32, i32
  }
  func.func @transform_7(%arg0: i32) -> (i32, i32) {
    %c0_i32 = arith.constant 0 : i32
    %c0_i32_0 = arith.constant 0 : i32
    %c0_i32_1 = arith.constant 0 : i32
    return %c0_i32, %c0_i32_0 : i32, i32
  }
}

</mosaic_0001>

<sc_bundles>
// kernel: kernel.11.cloned.1.call-start
scs
__scs_entry_jumppad:
0x0: {  	(pc) =	sbr.rel $0x88, $3  }
0x1: {  	(tag) =	ssettag $0x0;
	lr =	simm.s32 $0x1  }
0x2: {  	[smem:$0x3F98] =	sst lr;
	_ =	strace $0xD0000000  }
0x3: {  	_ = 	snop  }
0x4: {  	_ = 	snop  }
0x5: {  	_ = 	snop  }
0x6: {  	_ = 	snop  }
0x7: {  	_ = 	snop  }
__scs_overlays_trampoline_lowered:
0x8: {  	[smem:$0x3FA7] =	sst s0  }
0x9: {  	[smem:$0x3FA8] =	sst s1  }
0xa: {  	[smem:$0x3FA9] =	sst s2  }
0xb: {  	[smem:$0x3FAA] =	sst s3  }
0xc: {  	[smem:$0x3FAB] =	sst s4  }
0xd: {  	[smem:$0x3FAC] =	sst s5  }
0xe: {  	[smem:$0x3FAD] =	sst s6  }
0xf: {  	[smem:$0x3FAE] =	sst s7  }
0x10: {  	[smem:$0x3FAF] =	sst s8  }
0x11: {  	[smem:$0x3FB0] =	sst s9;
	s0 =	simm.s32 @!p0 $0x0  }
0x12: {  	s1 =	sld [smem:$0x3F96];
	s0 =	simm.s32 @p0 $0x1  }
0x13: {  	[smem:$0x3FB1] =	sst s0;
	s0 =	simm.s32 @!p1 $0x0  }
0x14: {  	s2 =	sld [smem:$0x3F95];
	s0 =	simm.s32 @p1 $0x1  }
0x15: {  	[smem:$0x3FB2] =	sst s0;
	s0 =	simm.s32 @!p2 $0x0  }
0x16: {  	s3 =	sld [smem:$0x3FDB];
	s0 =	simm.s32 @p2 $0x1  }
0x17: {  	s4 =	simm.s32 $0x1BF5;
	[smem:$0x3FB4] =	sst s0  }
0x18: {  	s0 =	sld [smem:$0x3F97];
	_ =	swait.ge [sflag:s4], $0x0  }
0x19: {  	s7 =	sld [smem:$0x3F98]  }
0x1a: {  	s8 =	sadd.s32 $0xFFFFE003, lr  }
0x1b: {  	s9 =	sadd.s32 $0xFFFFFEF7, lr;
	s5 =	simm.s32 $0xFFFFFFFF;
	p2 =	slt.u32 s8, $0xFFFFF086  }
0x1c: {  	p1 =	slt.u32 s9, $0xF7A;
	s5 =	simm.s32 @!p2 $0x0  }
0x1d: {  	s5 =	simm.s32 @p1 $0x1;
	p0 =	seq.s32 s7, s2  }
0x1e: {  	s7 =	smul.u32 @!p0 $0xF7A, s2;
	p2 =	seq.s32 @!p0 s5, $0x0  }
0x1f: {  	s9 =	smul.u32 $0xF7A, s1;
	s8 =	simm.s32 @!p0 $0x1BF5;
	p2 =	por !p2, p0  }
0x20: {  	[sflag:s8] =	ssyncset.s32 @!p0 $0xFFFFF086;
	s6 =	sadd.s32 @!p0 s3, s7;
	s7 =	simm.s32 @!p0 $0x108  }
0x21: {  	s3 =	sadd.s32 s3, s9;
	s6 =	sadd.s32 @!p0 $0x88, s6;
	s7 =	simm.s32 @p2 $0x1082  }
0x22: {  	[simem:s7], [sflag:s8] =	dma.local @!p0 [hbm:s6], $0xF7A  }
0x23: {  	s9 =	sor.u32 $0xD0000000, s2;
	s6 =	simm.s32 $0x108;
	_ =	swait.ge @!p0 [sflag:s8], $0x0  }
0x24: {  	s3 =	sadd.s32 $0x88, s3;
	s6 =	simm.s32 @!p1 $0x1082;
	[sflag:s4] =	ssyncset.s32 $0xFFFFF086  }
0x25: {  	[simem:s6], [sflag:s4] =	dma.local [hbm:s3], $0xF7A  }
0x26: {  	[smem:$0x3F98] =	sst s1;
	(tag) =	ssettag s2;
	_ =	strace s9  }
0x27: {  	s1 =	sld [smem:$0x3FA8]  }
0x28: {  	s2 =	sld [smem:$0x3FA9]  }
0x29: {  	s4 =	sld [smem:$0x3FAB]  }
0x2a: {  	p0 =	seq.s32 s5, $0x0;
	s5 =	sld [smem:$0x3FAC]  }
0x2b: {  	s6 =	sld [smem:$0x3FAD]  }
0x2c: {  	s7 =	sld [smem:$0x3FAE]  }
0x2d: {  	s3 =	simm.s32 $0x108;
	s8 =	sld [smem:$0x3FAF]  }
0x2e: {  	s3 =	simm.s32 @!p0 $0x1082;
	s9 =	sld [smem:$0x3FB0]  }
0x2f: {  	lr =	sadd.s32 s0, s3;
	s0 =	sld [smem:$0x3FA7]  }
0x30: {  	s3 =	sld [smem:$0x3FAA]  }
0x31: {  	[smem:$0x3FB3] =	sst s10  }
0x32: {  	s10 =	sld [smem:$0x3FB1];
	_ =	sdelay $0x3  }
0x33: {  	p0 =	seq.s32 s10, $0x1;
	s10 =	sld [smem:$0x3FB3];
	_ =	sdelay $0x3  }
0x34: {  	[smem:$0x3FB3] =	sst s10  }
0x35: {  	s10 =	sld [smem:$0x3FB2];
	_ =	sdelay $0x3  }
0x36: {  	p1 =	seq.s32 s10, $0x1;
	s10 =	sld [smem:$0x3FB3];
	_ =	sdelay $0x3  }
0x37: {  	[smem:$0x3FB3] =	sst s10  }
0x38: {  	s10 =	sld [smem:$0x3FB4]  }
0x39: {  	_ = 	snop;
	(pc) =	sbr.ind lr, $3  }
0x3a: {  	_ = 	snop  }
0x3b: {  	_ = 	snop  }
0x3c: {  	p2 =	seq.s32 s10, $0x1;
	s10 =	sld [smem:$0x3FB3]  }
0x3d: {  	_ =	shalt  }
0x3e: {  	_ =	shalt  }
0x3f: {  	_ =	shalt  }
0x40: {  	_ =	shalt  }
0x41: {  	_ =	shalt  }
0x42: {  	_ =	shalt  }
0x43: {  	_ =	shalt  }
0x44: {  	_ =	shalt  }
0x45: {  	_ =	shalt  }
0x46: {  	_ =	shalt  }
0x47: {  	_ =	shalt  }
0x48: {  	_ =	shalt  }
0x49: {  	_ =	shalt  }
0x4a: {  	_ =	shalt  }
0x4b: {  	_ =	shalt  }
0x4c: {  	_ =	shalt  }
0x4d: {  	_ =	shalt  }
0x4e: {  	_ =	shalt  }
0x4f: {  	_ =	shalt  }
0x50: {  	_ =	shalt  }
0x51: {  	_ =	shalt  }
0x52: {  	_ =	shalt  }
0x53: {  	_ =	shalt  }
0x54: {  	_ =	shalt  }
0x55: {  	_ =	shalt  }
0x56: {  	_ =	shalt  }
0x57: {  	_ =	shalt  }
0x58: {  	_ =	shalt  }
0x59: {  	_ =	shalt  }
0x5a: {  	_ =	shalt  }
0x5b: {  	_ =	shalt  }
0x5c: {  	_ =	shalt  }
0x5d: {  	_ =	shalt  }
0x5e: {  	_ =	shalt  }
0x5f: {  	_ =	shalt  }
0x60: {  	_ =	shalt  }
0x61: {  	_ =	shalt  }
0x62: {  	_ =	shalt  }
0x63: {  	_ =	shalt  }
0x64: {  	_ =	shalt  }
0x65: {  	_ =	shalt  }
0x66: {  	_ =	shalt  }
0x67: {  	_ =	shalt  }
0x68: {  	_ =	shalt  }
0x69: {  	_ =	shalt  }
0x6a: {  	_ =	shalt  }
0x6b: {  	_ =	shalt  }
0x6c: {  	_ =	shalt  }
0x6d: {  	_ =	shalt  }
0x6e: {  	_ =	shalt  }
0x6f: {  	_ =	shalt  }
0x70: {  	_ =	shalt  }
0x71: {  	_ =	shalt  }
0x72: {  	_ =	shalt  }
0x73: {  	_ =	shalt  }
0x74: {  	_ =	shalt  }
0x75: {  	_ =	shalt  }
0x76: {  	_ =	shalt  }
0x77: {  	_ =	shalt  }
0x78: {  	_ =	shalt  }
0x79: {  	_ =	shalt  }
0x7a: {  	_ =	shalt  }
0x7b: {  	_ =	shalt  }
0x7c: {  	_ =	shalt  }
0x7d: {  	_ =	shalt  }
0x7e: {  	_ =	shalt  }
0x7f: {  	_ =	shalt  }
0x80: {  	_ =	shalt  }
0x81: {  	_ =	shalt  }
0x82: {  	_ =	shalt  }
0x83: {  	_ =	shalt  }
0x84: {  	_ =	shalt  }
0x85: {  	_ =	shalt  }
0x86: {  	_ =	shalt  }
0x87: {  	_ =	shalt  }
.Lfunc_end0:
.L_simem_size_0:
called_computation.1_lowered:
.L_overlay_start_0:
0x88: {  	s2 =	sld [smem:$0x3FD9]  }
0x89: {  	s3 =	sld [smem:$0x3FFE];
	_ =	sdelay $0x1  }
0x8a: {  	s1 =	srdreg.scid  }
0x8b: {  	s0 =	sand.u32 $0x1, s1  }
0x8c: {  	s16 =	sshll.u32 s0, $0xA;
	s2 =	sadd.s32 s3, s2  }
0x8d: {  	s2 =	sadd.s32 s2, s16  }
0x8e: {  	[smem:$0x3FBF] =	sst s2  }
0x8f: {  	_ = 	snop  }
0x90: {  	(tm) =	ssettm $0x1  }
0x91: {  	s17 =	sld [smem:$0x3FFB];
	_ =	sdelay $0x3  }
0x92: {  	_ =	strace s17  }
0x93: {  	s2 =	sld [smem:$0x3FFC];
	_ =	sdelay $0x3  }
0x94: {  	_ =	strace s2  }
0x95: {  	s2 =	sld [smem:$0x3FFD];
	_ =	sdelay $0x3  }
0x96: {  	_ =	strace s2  }
0x97: {  	_ =	strace $0x8FFFFFFF  }
0x98: {  	s18 =	sld [smem:$0x3FDB];
	_ =	sdelay $0x1  }
0x99: {  	s19 =	simm.s32 $_scs_section_size  }
0x9a: {  	s4 =	simm.s32 $_size__tile_overlayer_lowered;
	s5 =	simm.s32 $_tile_overlayer_lowered  }
0x9b: {  	s22 =	simm.s32 $0x1BFF;
	s21 =	sshll.u32 s5, $0x1;
	s2 =	sadd.s32 s19, s18  }
0x9c: {  	s6 =	simm.s32 $0x0;
	s20 =	sshll.u32 s4, $0x1;
	s4 =	sadd.s32 s21, s2  }
0x9d: {  	[timem:s6], [sflag:s22] =	dma.local [hbm:s4], s20  }
0x9e: {  	_ =	swait.ge [sflag:s22], s20  }
0x9f: {  	s3 =	ssub.s32 $0x0, s20;
	[sflag:s22] =	ssyncset.done $0x0  }
0xa0: {  	[sflag:s22] =	ssyncadd.s32 s3;
	_ =	sdelay $0x1  }
0xa1: {  	s23 =	simm.s32 $0x1B8B  }
0xa2: {  	_ =	swait.ge [sflag:s23], $0x1  }
0xa3: {  	[sflag:s23] =	ssyncset.done $0x0  }
0xa4: {  	s25 =	simm.s32 $0x1B8E;
	s24 =	sld [smem:$0x3FFE];
	[sflag:s23] =	ssyncadd.s32 $0xFFFFFFFF  }
0xa5: {  	s26 =	simm.s32 $execute0_lowered;
	[smem:$0x3FD2] =	sst s25  }
0xa6: {  	s4 =	sshll.u32 s26, $0x1;
	_ =	strace $0x80000049;
	[dreg:$0x1] =	wrdreg $0xFFFFFFFF  }
0xa7: {  	s28 =	simm.s32 $_size_execute0_lowered;
	s2 =	sadd.s32 s2, s4;
	[dreg:$0x0] =	wrdreg $0x0  }
0xa8: {  	s4 =	sshll.u32 s28, $0x1;
	[dreg:$0x2] =	wrdreg s2  }
0xa9: {  	[dreg:$0x3] =	wrdreg s4  }
0xaa: {  	[dreg:$0x4] =	wrdreg $0xC0  }
0xab: {  	_ =	task [dreg:s6], $0x5FFFF  }
0xac: {  	[dreg:$0x1] =	wrdreg $0xFFFFFFFF  }
0xad: {  	[dreg:$0x0] =	wrdreg $0x60  }
0xae: {  	[dreg:$0x2] =	wrdreg s24  }
0xaf: {  	[dreg:$0x3] =	wrdreg $0x150000  }
0xb0: {  	[dreg:$0x4] =	wrdreg $0x9  }
0xb1: {  	_ =	task.clear_ibuf [dreg:s6], $0x5FFFF;
	_ =	strace $0x90000049  }
0xb2: {  	s29 =	simm.s32 $0x9;
	_ =	strace $0x8000004B  }
0xb3: {  	_ =	swait.ge [sflag:s29], $0x1  }
0xb4: {  	[sflag:s29] =	ssyncadd.s32 $0xFFFFFFFF  }
0xb5: {  	_ =	strace $0x9000004B  }
0xb6: {  	_ =	sfence  }
0xb7: {  	s30 =	sld [smem:$0x0];
	_ =	sdelay $0x2  }
0xb8: {  	s31 =	sshll.u32 s1, $0xD;
	s1 =	sshrl.u32 s1, $0x2  }
0xb9: {  	s3 =	sand.u32 $0x4000, s31;
	s1 =	sadd.s32 s1, s30  }
0xba: {  	s0 =	sor.u32 s3, s0;
	s1 =	sshll.u32 s1, $0x11  }
0xbb: {  	s0 =	sor.u32 s1, s0  }
0xbc: {  	s0 =	sadd.s32 $0x8F2B, s0  }
0xbd: {  	[sflag:s0] =	ssyncadd.remote.s32 $0x1  }
0xbe: {  	_ =	sfence.sel $0xFFFF  }
0xbf: {  	[dreg:$0x0] =	wrdreg $0xFFFFFFFF;
	(pc) =	sbr.abs _section_cstart, $3  }
0xc0: {  	[dreg:$0x1] =	wrdreg $0xFFFFFFFF  }
0xc1: {  	_ =	task.clear_ibuf [dreg:s6], $0x2FFFF;
	_ =	strace $0x9FFFFFFF  }
0xc2: {  	(tm) =	ssettm $0x7FFFFFFF  }
0xc3: {  	_ =	shalt  }
tec
execute0_lowered:
.L_overlay_start_1:
0x0: {  	(tag) =	ssettag $0x1  }
0x1: {  	s0 =	srdreg.scid;
	s3 =	rddreg [dreg:$0x0]  }
0x2: {  	s7 =	stileid.u32;
	s2 =	rddreg [dreg:$0x1]  }
0x3: {  	s4 =	simm.s32 $0x0;
	s13 =	simm.s32 $0x11;
	s16 =	simm.s32 $0x5000  }
0x4: {  	s29 =	simm.s32 $0x11000;
	s31 =	simm.s32 $0x13000;
	s15 =	simm.s32 $0x2  }
0x5: {  	s28 =	simm.s32 $0x8;
	s30 =	simm.s32 $0x9;
	s8 =	simm.s32 $0xC  }
0x6: {  	s9 =	simm.s32 $0xD;
	s10 =	simm.s32 $0xE;
	s11 =	simm.s32 $0xF  }
0x7: {  	s12 =	simm.s32 $0x10;
	s0 =	sand.u32 $0x1, s0;
	s5 =	smul.u32 $0xA000, s7  }
0x8: {  	[smem:$0x7FF] =	sst s4;
	s4 =	sadd.s32 $0x2600, s3;
	s1 =	sshll.u32 s0, $0x4  }
0x9: {  	s17 =	smul.u32 $0xA0000, s0;
	_ =	strace $0x8000004A;
	s0 =	ssub.s32 $0x2, s0  }
0xa: {  	s1 =	sor.u32 s7, s1;
	s7 =	smul.u32 $0x28000, s7;
	s18 =	sshrl.u32 s0, $0x1  }
0xb: {  	s21 =	sadd.s32 s5, s2;
	s1 =	smul.u32 $0x2800, s1;
	s6 =	sadd.s32 s5, s17  }
0xc: {  	s0 =	ssub.s32 s0, s18;
	[dreg:$0x5] =	wrdreg s21;
	s17 =	simm.s32 $0x80  }
0xd: {  	s18 =	simm.s32 $0x7000;
	s21 =	simm.s32 $0x4;
	s5 =	simm.s32 $0xA  }
0xe: {  	s6 =	sshrl.u32 s6, $0x3;
	s7 =	sshrl.u32 s7, $0x2;
	s0 =	smax.u32 s0, $0x1  }
0xf: {  	s1 =	sshrl.u32 s1, $0x3;
	s20 =	sadd.s32 s7, s2;
	[dreg:$0xb] =	wrdreg s0  }
0x10: {  	s0 =	simm.s32 $0x7;
	s7 =	simm.s32 $0x0;
	s22 =	sadd.s32 $0x2000, s20  }
0x11: {  	s1 =	sadd.s32 s1, s3;
	s23 =	sadd.s32 $0x4000, s20;
	[dreg:$0x6] =	wrdreg s22  }
0x12: {  	s3 =	sadd.s32 s6, s3;
	s24 =	sadd.s32 $0x6000, s20;
	[dreg:$0x7] =	wrdreg s23  }
0x13: {  	s25 =	sadd.s32 $0x8000, s20;
	s20 =	simm.s32 $0x9000;
	[dreg:$0x8] =	wrdreg s24  }
0x14: {  	s6 =	simm.s32 $0xB;
	s19 =	sadd.s32 $0x20600, s1;
	[dreg:$0x9] =	wrdreg s25  }
0x15: {  	s1 =	sadd.s32 $0x2A600, s1;
	s26 =	sadd.s32 $0x34600, s3;
	[dreg:$0x3] =	wrdreg s19  }
0x16: {  	s22 =	simm.s32 $0xB000;
	s24 =	simm.s32 $0xD000;
	[dreg:$0x4] =	wrdreg s1  }
0x17: {  	s23 =	simm.s32 $0x5;
	s25 =	simm.s32 $0x6;
	[dreg:$0xa] =	wrdreg s26  }
0x18: {  	v0 =	vimm.f32 $0.0e+00;
	s26 =	simm.s32 $0xF000;
	s1 =	simm.s32 $0x1;
	s19 =	simm.s32 $0x3  }
.LBB2_1:
0x19: {  	[dreg:$0xc] =	wrdreg s7  }
0x1a: {  	s7 =	simm.s32 $0x0;
	s3 =	rddreg [dreg:$0x3]  }
0x1b: {  	[tilespmem:s7], [sflag:$0x11] =	stream.linear.gather [hbm4b:s3+s7], $0x2800, $0x38;
	[tilespmem:$0x1F000] =	vst v63  }
0x1c: {  	_ =	swait.ge [sflag:s13], $0x2800  }
0x1d: {  	[sflag:s13] =	ssyncset.done $0x0  }
0x1e: {  	s14 =	simm.s32 $0x2800;
	s3 =	rddreg [dreg:$0x4];
	[sflag:s13] =	ssyncadd.s32 $0xFFFFD800  }
0x1f: {  	[tilespmem:s14], [sflag:$0x11] =	stream.linear.gather [hbm4b:s3+s7], $0x2800, $0x38;
	[tilespmem:$0x1F000] =	vst v63  }
0x20: {  	s14 =	sand.u32 $0x7F00, s7;
	s7 =	sand.u32 $0x30, s7;
	_ =	swait.ge [sflag:s13], $0x2800  }
0x21: {  	s3 =	simm.s32 $0x40;
	s14 =	sshrl.u32 s14, $0x2;
	[sflag:s13] =	ssyncset.done $0x0  }
0x22: {  	[sflag:s13] =	ssyncadd.s32 $0xFFFFD800;
	s13 =	sor.u32 s7, s14;
	s7 =	simm.s32 $0x0  }
.LBB2_2:
0x23: {  	p0 =	sne.s32 s3, $0x7FC0  }
0x24: {  	[tilespmem:s13+$0x5000] =	vst v0;
	s7 =	sadd.s32 $0x10, s7;
	s13 =	smov.u32 s3;
	s3 =	sadd.s32 $0x40, s3  }
.Ltmp0:
0x25: {  	(pc) =	sbr.rel @p0 .LBB2_2-.Ltmp0, $4  }
0x26: {  	_ = 	snop  }
0x27: {  	s13 =	sand.u32 $0x7F00, s13  }
0x28: {  	s14 =	sand.u32 $0x30, s7;
	s13 =	sshrl.u32 s13, $0x2  }
0x29: {  	s13 =	sor.u32 s14, s13  }
0x2a: {  	[tilespmem:s13+$0x5000] =	vst v0;
	s3 =	rddreg [dreg:$0x5];
	s7 =	simm.s32 $0x11  }
0x2b: {  	[spmem:s3] =	stream.linear.scatter [tilespmem:s16], [sflag:$0x11], $0x2000, $0x38;
	[tilespmem:$0x1F000] =	vst v63  }
0x2c: {  	_ =	swait.ge [sflag:s7], $0x2000  }
0x2d: {  	[sflag:s7] =	ssyncset.done $0x0  }
0x2e: {  	s13 =	rddreg [dreg:$0x6];
	[sflag:s7] =	ssyncadd.s32 $0xFFFFE000  }
0x2f: {  	[spmem:s13] =	stream.linear.scatter [tilespmem:s16], [sflag:$0x11], $0x2000, $0x38;
	[tilespmem:$0x1F000] =	vst v63  }
0x30: {  	_ =	swait.ge [sflag:s7], $0x2000  }
0x31: {  	[sflag:s7] =	ssyncset.done $0x0  }
0x32: {  	s14 =	rddreg [dreg:$0x7];
	[sflag:s7] =	ssyncadd.s32 $0xFFFFE000  }
0x33: {  	[spmem:s14] =	stream.linear.scatter [tilespmem:s16], [sflag:$0x11], $0x2000, $0x38;
	[tilespmem:$0x1F000] =	vst v63  }
0x34: {  	_ =	swait.ge [sflag:s7], $0x2000  }
0x35: {  	[sflag:s7] =	ssyncset.done $0x0  }
0x36: {  	s13 =	rddreg [dreg:$0x8];
	[sflag:s7] =	ssyncadd.s32 $0xFFFFE000  }
0x37: {  	[spmem:s13] =	stream.linear.scatter [tilespmem:s16], [sflag:$0x11], $0x2000, $0x38;
	[tilespmem:$0x1F000] =	vst v63  }
0x38: {  	_ =	swait.ge [sflag:s7], $0x2000  }
0x39: {  	[sflag:s7] =	ssyncset.done $0x0  }
0x3a: {  	s14 =	rddreg [dreg:$0x9];
	[sflag:s7] =	ssyncadd.s32 $0xFFFFE000  }
0x3b: {  	[spmem:s14] =	stream.linear.scatter [tilespmem:s16], [sflag:$0x11], $0x2000, $0x38;
	[tilespmem:$0x1F000] =	vst v63  }
0x3c: {  	_ =	swait.ge [sflag:s7], $0x2000  }
0x3d: {  	[sflag:s7] =	ssyncset.done $0x0  }
0x3e: {  	[sflag:s7] =	ssyncadd.s32 $0xFFFFE000  }
0x3f: {  	s7 =	simm.s32 $0x0;
	[bflag:$0x0] =	sbarrier.arrive $0xFFFF  }
0x40: {  	[tilespmem:s16], [sflag:$0x1] =	stream.indirect.gather [hbm4b:s4+s17], $0x40, s7, s17, $0xb8;
	[tilespmem:$0x1F000] =	vst v63  }
0x41: {  	_ = 	snop  }
0x42: {  	[tilespmem:s18], [sflag:$0x2] =	stream.indirect.gather [hbm4b:s4+s17], $0x40, s17, s17, $0xb8;
	[tilespmem:$0x1F000] =	vst v63  }
0x43: {  	s13 =	simm.s32 $0x100  }
0x44: {  	[tilespmem:s20], [sflag:$0x3] =	stream.indirect.gather [hbm4b:s4+s17], $0x40, s13, s17, $0xb8;
	[tilespmem:$0x1F000] =	vst v63  }
0x45: {  	s14 =	simm.s32 $0x180  }
0x46: {  	[tilespmem:s22], [sflag:$0x4] =	stream.indirect.gather [hbm4b:s4+s17], $0x40, s14, s17, $0xb8;
	[tilespmem:$0x1F000] =	vst v63  }
0x47: {  	s7 =	simm.s32 $0x200  }
0x48: {  	[tilespmem:s24], [sflag:$0x5] =	stream.indirect.gather [hbm4b:s4+s17], $0x40, s7, s17, $0xb8;
	[tilespmem:$0x1F000] =	vst v63  }
0x49: {  	s13 =	simm.s32 $0x280  }
0x4a: {  	[tilespmem:s26], [sflag:$0x6] =	stream.indirect.gather [hbm4b:s4+s17], $0x40, s13, s17, $0xb8;
	[tilespmem:$0x1F000] =	vst v63  }
0x4b: {  	s14 =	simm.s32 $0x300  }
0x4c: {  	[tilespmem:s29], [sflag:$0x7] =	stream.indirect.gather [hbm4b:s4+s17], $0x40, s14, s17, $0xb8;
	[tilespmem:$0x1F000] =	vst v63  }
0x4d: {  	s7 =	simm.s32 $0x380  }
0x4e: {  	[tilespmem:s31], [sflag:$0x8] =	stream.indirect.gather [hbm4b:s4+s17], $0x40, s7, s17, $0xb8;
	[tilespmem:$0x1F000] =	vst v63  }
0x4f: {  	_ =	swait.ge [sflag:s1], $0x2000  }
0x50: {  	[sflag:s1] =	ssyncset.done $0x0  }
0x51: {  	s13 =	simm.s32 $0x2800;
	[sflag:s1] =	ssyncadd.s32 $0xFFFFE000  }
0x52: {  	[spmem:s2] =	stream.indirect.scatter.add.f32 [tilespmem:s16], [sflag:$0x9], $0x40, s13, s17, $0xb8;
	[tilespmem:$0x1F000] =	vst v63  }
0x53: {  	_ =	swait.ge [sflag:s15], $0x2000  }
0x54: {  	[sflag:s15] =	ssyncset.done $0x0  }
0x55: {  	s14 =	simm.s32 $0x2880;
	[sflag:s15] =	ssyncadd.s32 $0xFFFFE000  }
0x56: {  	[spmem:s2] =	stream.indirect.scatter.add.f32 [tilespmem:s18], [sflag:$0xA], $0x40, s14, s17, $0xb8;
	[tilespmem:$0x1F000] =	vst v63  }
0x57: {  	_ =	swait.ge [sflag:s19], $0x2000  }
0x58: {  	[sflag:s19] =	ssyncset.done $0x0  }
0x59: {  	s7 =	simm.s32 $0x2900;
	[sflag:s19] =	ssyncadd.s32 $0xFFFFE000  }
0x5a: {  	[spmem:s2] =	stream.indirect.scatter.add.f32 [tilespmem:s20], [sflag:$0xB], $0x40, s7, s17, $0xb8;
	[tilespmem:$0x1F000] =	vst v63  }
0x5b: {  	_ =	swait.ge [sflag:s21], $0x2000  }
0x5c: {  	[sflag:s21] =	ssyncset.done $0x0  }
0x5d: {  	s13 =	simm.s32 $0x2980;
	[sflag:s21] =	ssyncadd.s32 $0xFFFFE000  }
0x5e: {  	[spmem:s2] =	stream.indirect.scatter.add.f32 [tilespmem:s22], [sflag:$0xC], $0x40, s13, s17, $0xb8;
	[tilespmem:$0x1F000] =	vst v63  }
0x5f: {  	_ =	swait.ge [sflag:s23], $0x2000  }
0x60: {  	[sflag:s23] =	ssyncset.done $0x0  }
0x61: {  	s14 =	simm.s32 $0x2A00;
	[sflag:s23] =	ssyncadd.s32 $0xFFFFE000  }
0x62: {  	[spmem:s2] =	stream.indirect.scatter.add.f32 [tilespmem:s24], [sflag:$0xD], $0x40, s14, s17, $0xb8;
	[tilespmem:$0x1F000] =	vst v63  }
0x63: {  	_ =	swait.ge [sflag:s25], $0x2000  }
0x64: {  	[sflag:s25] =	ssyncset.done $0x0  }
0x65: {  	s7 =	simm.s32 $0x2A80;
	[sflag:s25] =	ssyncadd.s32 $0xFFFFE000  }
0x66: {  	[spmem:s2] =	stream.indirect.scatter.add.f32 [tilespmem:s26], [sflag:$0xE], $0x40, s7, s17, $0xb8;
	[tilespmem:$0x1F000] =	vst v63  }
0x67: {  	_ =	swait.ge [sflag:s0], $0x2000  }
0x68: {  	[sflag:s0] =	ssyncset.done $0x0  }
0x69: {  	s13 =	simm.s32 $0x2B00;
	[sflag:s0] =	ssyncadd.s32 $0xFFFFE000  }
0x6a: {  	[spmem:s2] =	stream.indirect.scatter.add.f32 [tilespmem:s29], [sflag:$0xF], $0x40, s13, s17, $0xb8;
	[tilespmem:$0x1F000] =	vst v63  }
0x6b: {  	_ =	swait.ge [sflag:s28], $0x2000  }
0x6c: {  	[sflag:s28] =	ssyncset.done $0x0  }
0x6d: {  	s14 =	simm.s32 $0x2B80;
	[sflag:s28] =	ssyncadd.s32 $0xFFFFE000  }
0x6e: {  	[spmem:s2] =	stream.indirect.scatter.add.f32 [tilespmem:s31], [sflag:$0x10], $0x40, s14, s17, $0xb8;
	[tilespmem:$0x1F000] =	vst v63  }
0x6f: {  	p0 =	por $0x0, $0x0;
	s3 =	simm.s32 $0x1000;
	_ =	swait.ge [sflag:s30], $0x2000  }
0x70: {  	s3 =	simm.s32 @p0 $0x0;
	[sflag:s30] =	ssyncset.done $0x0  }
0x71: {  	s3 =	sshra.s32 s3, $0x2;
	[sflag:s30] =	ssyncadd.s32 $0xFFFFE000  }
0x72: {  	[tilespmem:s16], [sflag:$0x1] =	stream.indirect.gather [hbm4b:s4+s17], $0x40, s3, s17, $0xb8;
	[tilespmem:$0x1F000] =	vst v63  }
0x73: {  	s3 =	simm.s32 $0x1200;
	_ =	swait.ge [sflag:s5], $0x2000  }
0x74: {  	s3 =	simm.s32 @p0 $0x200;
	[sflag:s5] =	ssyncset.done $0x0  }
0x75: {  	s3 =	sshra.s32 s3, $0x2;
	[sflag:s5] =	ssyncadd.s32 $0xFFFFE000  }
0x76: {  	[tilespmem:s18], [sflag:$0x2] =	stream.indirect.gather [hbm4b:s4+s17], $0x40, s3, s17, $0xb8;
	[tilespmem:$0x1F000] =	vst v63  }
0x77: {  	s3 =	simm.s32 $0x1400;
	_ =	swait.ge [sflag:s6], $0x2000  }
0x78: {  	s3 =	simm.s32 @p0 $0x400;
	[sflag:s6] =	ssyncset.done $0x0  }
0x79: {  	s3 =	sshra.s32 s3, $0x2;
	[sflag:s6] =	ssyncadd.s32 $0xFFFFE000  }
0x7a: {  	[tilespmem:s20], [sflag:$0x3] =	stream.indirect.gather [hbm4b:s4+s17], $0x40, s3, s17, $0xb8;
	[tilespmem:$0x1F000] =	vst v63  }
0x7b: {  	s3 =	simm.s32 $0x1600;
	_ =	swait.ge [sflag:s8], $0x2000  }
0x7c: {  	s3 =	simm.s32 @p0 $0x600;
	[sflag:s8] =	ssyncset.done $0x0  }
0x7d: {  	s3 =	sshra.s32 s3, $0x2;
	[sflag:s8] =	ssyncadd.s32 $0xFFFFE000  }
0x7e: {  	[tilespmem:s22], [sflag:$0x4] =	stream.indirect.gather [hbm4b:s4+s17], $0x40, s3, s17, $0xb8;
	[tilespmem:$0x1F000] =	vst v63  }
0x7f: {  	s3 =	simm.s32 $0x1800;
	_ =	swait.ge [sflag:s9], $0x2000  }
0x80: {  	s3 =	simm.s32 @p0 $0x800;
	[sflag:s9] =	ssyncset.done $0x0  }
0x81: {  	s3 =	sshra.s32 s3, $0x2;
	[sflag:s9] =	ssyncadd.s32 $0xFFFFE000  }
0x82: {  	[tilespmem:s24], [sflag:$0x5] =	stream.indirect.gather [hbm4b:s4+s17], $0x40, s3, s17, $0xb8;
	[tilespmem:$0x1F000] =	vst v63  }
0x83: {  	s3 =	simm.s32 $0x1A00;
	_ =	swait.ge [sflag:s10], $0x2000  }
0x84: {  	s3 =	simm.s32 @p0 $0xA00;
	[sflag:s10] =	ssyncset.done $0x0  }
0x85: {  	s3 =	sshra.s32 s3, $0x2;
	[sflag:s10] =	ssyncadd.s32 $0xFFFFE000  }
0x86: {  	[tilespmem:s26], [sflag:$0x6] =	stream.indirect.gather [hbm4b:s4+s17], $0x40, s3, s17, $0xb8;
	[tilespmem:$0x1F000] =	vst v63  }
0x87: {  	s3 =	simm.s32 $0x1C00;
	_ =	swait.ge [sflag:s11], $0x2000  }
0x88: {  	s3 =	simm.s32 @p0 $0xC00;
	[sflag:s11] =	ssyncset.done $0x0  }
0x89: {  	s3 =	sshra.s32 s3, $0x2;
	[sflag:s11] =	ssyncadd.s32 $0xFFFFE000  }
0x8a: {  	[tilespmem:s29], [sflag:$0x7] =	stream.indirect.gather [hbm4b:s4+s17], $0x40, s3, s17, $0xb8;
	[tilespmem:$0x1F000] =	vst v63  }
0x8b: {  	s3 =	simm.s32 $0x1E00;
	_ =	swait.ge [sflag:s12], $0x2000  }
0x8c: {  	s3 =	simm.s32 @p0 $0xE00;
	[sflag:s12] =	ssyncset.done $0x0  }
0x8d: {  	s7 =	simm.s32 $0x2E00;
	s3 =	sshra.s32 s3, $0x2;
	[sflag:s12] =	ssyncadd.s32 $0xFFFFE000  }
.LBB2_4:
0x8e: {  	[tilespmem:s31], [sflag:$0x8] =	stream.indirect.gather [hbm4b:s4+s17], $0x40, s3, s17, $0xb8;
	[tilespmem:$0x1F000] =	vst v63  }
0x8f: {  	s3 =	smov.u32 s7  }
0x90: {  	p0 =	sne.s32 s7, $0xAE00;
	s7 =	sadd.s32 $0x1000, s7;
	_ =	swait.ge [sflag:s1], $0x2000  }
0x91: {  	s13 =	sshra.s32 s3, $0x2;
	[sflag:s1] =	ssyncset.done $0x0  }
0x92: {  	s14 =	sadd.s32 $0x2080, s13;
	[sflag:s1] =	ssyncadd.s32 $0xFFFFE000  }
0x93: {  	[spmem:s2] =	stream.indirect.scatter.add.f32 [tilespmem:s16], [sflag:$0x9], $0x40, s14, s17, $0xb8;
	[tilespmem:$0x1F000] =	vst v63  }
0x94: {  	_ =	swait.ge [sflag:s15], $0x2000  }
0x95: {  	[sflag:s15] =	ssyncset.done $0x0  }
0x96: {  	s14 =	sadd.s32 $0x2100, s13;
	[sflag:s15] =	ssyncadd.s32 $0xFFFFE000  }
0x97: {  	[spmem:s2] =	stream.indirect.scatter.add.f32 [tilespmem:s18], [sflag:$0xA], $0x40, s14, s17, $0xb8;
	[tilespmem:$0x1F000] =	vst v63  }
0x98: {  	_ =	swait.ge [sflag:s19], $0x2000  }
0x99: {  	[sflag:s19] =	ssyncset.done $0x0  }
0x9a: {  	s14 =	sadd.s32 $0x2180, s13;
	[sflag:s19] =	ssyncadd.s32 $0xFFFFE000  }
0x9b: {  	[spmem:s2] =	stream.indirect.scatter.add.f32 [tilespmem:s20], [sflag:$0xB], $0x40, s14, s17, $0xb8;
	[tilespmem:$0x1F000] =	vst v63  }
0x9c: {  	_ =	swait.ge [sflag:s21], $0x2000  }
0x9d: {  	[sflag:s21] =	ssyncset.done $0x0  }
0x9e: {  	s14 =	sadd.s32 $0x2200, s13;
	[sflag:s21] =	ssyncadd.s32 $0xFFFFE000  }
0x9f: {  	[spmem:s2] =	stream.indirect.scatter.add.f32 [tilespmem:s22], [sflag:$0xC], $0x40, s14, s17, $0xb8;
	[tilespmem:$0x1F000] =	vst v63  }
0xa0: {  	_ =	swait.ge [sflag:s23], $0x2000  }
0xa1: {  	[sflag:s23] =	ssyncset.done $0x0  }
0xa2: {  	s14 =	sadd.s32 $0x2280, s13;
	[sflag:s23] =	ssyncadd.s32 $0xFFFFE000  }
0xa3: {  	[spmem:s2] =	stream.indirect.scatter.add.f32 [tilespmem:s24], [sflag:$0xD], $0x40, s14, s17, $0xb8;
	[tilespmem:$0x1F000] =	vst v63  }
0xa4: {  	_ =	swait.ge [sflag:s25], $0x2000  }
0xa5: {  	[sflag:s25] =	ssyncset.done $0x0  }
0xa6: {  	s14 =	sadd.s32 $0x2300, s13;
	[sflag:s25] =	ssyncadd.s32 $0xFFFFE000  }
0xa7: {  	[spmem:s2] =	stream.indirect.scatter.add.f32 [tilespmem:s26], [sflag:$0xE], $0x40, s14, s17, $0xb8;
	[tilespmem:$0x1F000] =	vst v63  }
0xa8: {  	_ =	swait.ge [sflag:s0], $0x2000  }
0xa9: {  	[sflag:s0] =	ssyncset.done $0x0  }
0xaa: {  	s14 =	sadd.s32 $0x2380, s13;
	[sflag:s0] =	ssyncadd.s32 $0xFFFFE000  }
0xab: {  	[spmem:s2] =	stream.indirect.scatter.add.f32 [tilespmem:s29], [sflag:$0xF], $0x40, s14, s17, $0xb8;
	[tilespmem:$0x1F000] =	vst v63  }
0xac: {  	_ =	swait.ge [sflag:s28], $0x2000  }
0xad: {  	[sflag:s28] =	ssyncset.done $0x0  }
0xae: {  	s13 =	sadd.s32 $0x2400, s13;
	s14 =	sadd.s32 $0xFFFFF800, s3;
	[sflag:s28] =	ssyncadd.s32 $0xFFFFE000  }
0xaf: {  	[spmem:s2] =	stream.indirect.scatter.add.f32 [tilespmem:s31], [sflag:$0x10], $0x40, s13, s17, $0xb8;
	[tilespmem:$0x1F000] =	vst v63  }
0xb0: {  	p1 =	seq.s32 s3, $0xAE00;
	s13 =	sadd.s32 $0xFFFFF200, s3;
	_ =	swait.ge [sflag:s30], $0x2000  }
0xb1: {  	s14 =	simm.s32 @p1 $0x600;
	s13 =	simm.s32 @p1 $0x0;
	[sflag:s30] =	ssyncset.done $0x0  }
0xb2: {  	s13 =	sshra.s32 s13, $0x2;
	[sflag:s30] =	ssyncadd.s32 $0xFFFFE000  }
0xb3: {  	[tilespmem:s16], [sflag:$0x1] =	stream.indirect.gather [hbm4b:s4+s17], $0x40, s13, s17, $0xb8;
	[tilespmem:$0x1F000] =	vst v63  }
0xb4: {  	s13 =	sadd.s32 $0xFFFFF400, s3;
	_ =	swait.ge [sflag:s5], $0x2000  }
0xb5: {  	s13 =	simm.s32 @p1 $0x200;
	[sflag:s5] =	ssyncset.done $0x0  }
0xb6: {  	s13 =	sshra.s32 s13, $0x2;
	[sflag:s5] =	ssyncadd.s32 $0xFFFFE000  }
0xb7: {  	[tilespmem:s18], [sflag:$0x2] =	stream.indirect.gather [hbm4b:s4+s17], $0x40, s13, s17, $0xb8;
	[tilespmem:$0x1F000] =	vst v63  }
0xb8: {  	s13 =	sadd.s32 $0xFFFFF600, s3;
	_ =	swait.ge [sflag:s6], $0x2000  }
0xb9: {  	s13 =	simm.s32 @p1 $0x400;
	[sflag:s6] =	ssyncset.done $0x0  }
0xba: {  	s13 =	sshra.s32 s13, $0x2;
	[sflag:s6] =	ssyncadd.s32 $0xFFFFE000  }
0xbb: {  	[tilespmem:s20], [sflag:$0x3] =	stream.indirect.gather [hbm4b:s4+s17], $0x40, s13, s17, $0xb8;
	[tilespmem:$0x1F000] =	vst v63  }
0xbc: {  	_ =	swait.ge [sflag:s8], $0x2000  }
0xbd: {  	[sflag:s8] =	ssyncset.done $0x0  }
0xbe: {  	s13 =	sshra.s32 s14, $0x2;
	[sflag:s8] =	ssyncadd.s32 $0xFFFFE000  }
0xbf: {  	[tilespmem:s22], [sflag:$0x4] =	stream.indirect.gather [hbm4b:s4+s17], $0x40, s13, s17, $0xb8;
	[tilespmem:$0x1F000] =	vst v63  }
0xc0: {  	s13 =	sadd.s32 $0xFFFFFA00, s3;
	_ =	swait.ge [sflag:s9], $0x2000  }
0xc1: {  	s13 =	simm.s32 @p1 $0x800;
	[sflag:s9] =	ssyncset.done $0x0  }
0xc2: {  	s13 =	sshra.s32 s13, $0x2;
	[sflag:s9] =	ssyncadd.s32 $0xFFFFE000  }
0xc3: {  	[tilespmem:s24], [sflag:$0x5] =	stream.indirect.gather [hbm4b:s4+s17], $0x40, s13, s17, $0xb8;
	[tilespmem:$0x1F000] =	vst v63  }
0xc4: {  	s13 =	sadd.s32 $0xFFFFFC00, s3;
	_ =	swait.ge [sflag:s10], $0x2000  }
0xc5: {  	s13 =	simm.s32 @p1 $0xA00;
	[sflag:s10] =	ssyncset.done $0x0  }
0xc6: {  	s13 =	sshra.s32 s13, $0x2;
	[sflag:s10] =	ssyncadd.s32 $0xFFFFE000  }
0xc7: {  	[tilespmem:s26], [sflag:$0x6] =	stream.indirect.gather [hbm4b:s4+s17], $0x40, s13, s17, $0xb8;
	[tilespmem:$0x1F000] =	vst v63  }
0xc8: {  	s13 =	sadd.s32 $0xFFFFFE00, s3;
	_ =	swait.ge [sflag:s11], $0x2000  }
0xc9: {  	s13 =	simm.s32 @p1 $0xC00;
	[sflag:s11] =	ssyncset.done $0x0  }
.Ltmp1:
0xca: {  	s13 =	sshra.s32 s13, $0x2;
	[sflag:s11] =	ssyncadd.s32 $0xFFFFE000;
	(pc) =	sbr.rel @p0 .LBB2_4-.Ltmp1, $4  }
0xcb: {  	[tilespmem:s29], [sflag:$0x7] =	stream.indirect.gather [hbm4b:s4+s17], $0x40, s13, s17, $0xb8;
	[tilespmem:$0x1F000] =	vst v63  }
0xcc: {  	_ =	swait.ge [sflag:s12], $0x2000  }
0xcd: {  	s3 =	simm.s32 @p1 $0xE00;
	[sflag:s12] =	ssyncset.done $0x0  }
0xce: {  	s3 =	sshra.s32 s3, $0x2;
	[sflag:s12] =	ssyncadd.s32 $0xFFFFE000  }
0xcf: {  	[tilespmem:s31], [sflag:$0x8] =	stream.indirect.gather [hbm4b:s4+s17], $0x40, s3, s17, $0xb8;
	[tilespmem:$0x1F000] =	vst v63  }
0xd0: {  	_ =	swait.ge [sflag:s1], $0x2000  }
0xd1: {  	[sflag:s1] =	ssyncset.done $0x0  }
0xd2: {  	[sflag:s1] =	ssyncadd.s32 $0xFFFFE000  }
0xd3: {  	_ =	swait.ge [sflag:s15], $0x2000  }
0xd4: {  	[sflag:s15] =	ssyncset.done $0x0  }
0xd5: {  	[sflag:s15] =	ssyncadd.s32 $0xFFFFE000  }
0xd6: {  	_ =	swait.ge [sflag:s19], $0x2000  }
0xd7: {  	[sflag:s19] =	ssyncset.done $0x0  }
0xd8: {  	[sflag:s19] =	ssyncadd.s32 $0xFFFFE000  }
0xd9: {  	_ =	swait.ge [sflag:s21], $0x2000  }
0xda: {  	[sflag:s21] =	ssyncset.done $0x0  }
0xdb: {  	[sflag:s21] =	ssyncadd.s32 $0xFFFFE000  }
0xdc: {  	_ =	swait.ge [sflag:s23], $0x2000  }
0xdd: {  	[sflag:s23] =	ssyncset.done $0x0  }
0xde: {  	[sflag:s23] =	ssyncadd.s32 $0xFFFFE000  }
0xdf: {  	_ =	swait.ge [sflag:s25], $0x2000  }
0xe0: {  	[sflag:s25] =	ssyncset.done $0x0  }
0xe1: {  	[sflag:s25] =	ssyncadd.s32 $0xFFFFE000  }
0xe2: {  	_ =	swait.ge [sflag:s0], $0x2000  }
0xe3: {  	[sflag:s0] =	ssyncset.done $0x0  }
0xe4: {  	[sflag:s0] =	ssyncadd.s32 $0xFFFFE000  }
0xe5: {  	_ =	swait.ge [sflag:s28], $0x2000  }
0xe6: {  	[sflag:s28] =	ssyncset.done $0x0  }
0xe7: {  	[sflag:s28] =	ssyncadd.s32 $0xFFFFE000  }
0xe8: {  	s14 =	stileid.u32;
	[bflag:$0x0] =	sbarrier.arrive $0xFFFF  }
0xe9: {  	s3 =	sshll.u32 s14, $0x6;
	s7 =	rddreg [dreg:$0x5]  }
0xea: {  	s3 =	sor.u32 $0x1C11, s3;
	s13 =	rddreg [dreg:$0xa];
	s7 =	sshrl.u32 s7, $0x3  }
0xeb: {  	[hbm:s13], [sflag:s3] =	dma.local [spmem:s7], $0x1400  }
0xec: {  	s13 =	simm.s32 $0x11  }
0xed: {  	_ =	swait.ge [sflag:s13], $0x1400  }
0xee: {  	s3 =	rddreg [dreg:$0xc]  }
0xef: {  	s14 =	rddreg [dreg:$0xb];
	s7 =	sadd.s32 $0x1, s3  }
0xf0: {  	p0 =	sne.s32 s7, s14  }
.Ltmp2:
0xf1: {  	_ = 	snop;
	(pc) =	sbr.rel @p0 .LBB2_1-.Ltmp2, $3  }
0xf2: {  	_ =	sdelay $0x1  }
0xf3: {  	[sflag:s13] =	ssyncset.done $0x0  }
0xf4: {  	[sflag:s13] =	ssyncadd.s32 $0xFFFFEC00  }
0xf5: {  	_ =	sfence.sel $0x180000  }
0xf6: {  	[bflag:$0x0] =	sbarrier.arrive $0xFFFF  }
0xf7: {  	_ =	strace $0x9000004A  }
0xf8: {  	s0 =	stileid.u32;
	[bflag:$0x2] =	sbarrier.arrive $0xFFFF  }
0xf9: {  	p0 =	sne.s32 s0, $0x0;
	s0 =	rddreg [dreg:$0x2]  }
0xfa: {  	s0 =	sadd.s32 @!p0 $0x100000, s0  }
0xfb: {  	[sflag:s0] =	ssyncadd.tile.s32 @!p0 $0x1;
	_ =	shalt  }
.Lfunc_end2:
_tile_overlayer_lowered:
.L_overlay_start_2:
0xfc: {  	(tag) =	ssettag $0x2  }
0xfd: {  	s0 =	rddreg [dreg:$0x0];
	s2 =	stileid.u32  }
0xfe: {  	s1 =	rddreg [dreg:$0x1];
	p0 =	sne.s32 s2, $0x0  }
0xff: {  	s3 =	rddreg [dreg:$0x2];
	[bflag:$0x3] =	sbarrier.arrive $0xFFFF;
	s2 =	simm.s32 @!p0 $0x1C11  }
0x100: {  	[timem:s3], [sflag:s2] =	dma.local @!p0 [hbm:s0], s1  }
0x101: {  	s0 =	simm.s32 @!p0 $0x11  }
0x102: {  	_ =	swait.ge @!p0 [sflag:s0], s1  }
0x103: {  	s1 =	ssub.s32 @!p0 $0x0, s1;
	[sflag:s0] =	ssyncset.done @!p0 $0x0  }
0x104: {  	[sflag:s0] =	ssyncadd.s32 @!p0 s1  }
0x105: {  	[bflag:$0x3] =	sbarrier.arrive $0xFFFF  }
0x106: {  	_ =	shalt  }

// kernel: kernel.14.cloned.1.call-start
scs
__scs_entry_jumppad:
0x0: {  	(pc) =	sbr.rel $0x88, $3  }
0x1: {  	(tag) =	ssettag $0x0;
	lr =	simm.s32 $0x1  }
0x2: {  	[smem:$0x3F98] =	sst lr;
	_ =	strace $0xD0000000  }
0x3: {  	_ = 	snop  }
0x4: {  	_ = 	snop  }
0x5: {  	_ = 	snop  }
0x6: {  	_ = 	snop  }
0x7: {  	_ = 	snop  }
__scs_overlays_trampoline_lowered:
0x8: {  	[smem:$0x3FA7] =	sst s0  }
0x9: {  	[smem:$0x3FA8] =	sst s1  }
0xa: {  	[smem:$0x3FA9] =	sst s2  }
0xb: {  	[smem:$0x3FAA] =	sst s3  }
0xc: {  	[smem:$0x3FAB] =	sst s4  }
0xd: {  	[smem:$0x3FAC] =	sst s5  }
0xe: {  	[smem:$0x3FAD] =	sst s6  }
0xf: {  	[smem:$0x3FAE] =	sst s7  }
0x10: {  	[smem:$0x3FAF] =	sst s8  }
0x11: {  	[smem:$0x3FB0] =	sst s9;
	s0 =	simm.s32 @!p0 $0x0  }
0x12: {  	s1 =	sld [smem:$0x3F96];
	s0 =	simm.s32 @p0 $0x1  }
0x13: {  	[smem:$0x3FB1] =	sst s0;
	s0 =	simm.s32 @!p1 $0x0  }
0x14: {  	s2 =	sld [smem:$0x3F95];
	s0 =	simm.s32 @p1 $0x1  }
0x15: {  	[smem:$0x3FB2] =	sst s0;
	s0 =	simm.s32 @!p2 $0x0  }
0x16: {  	s3 =	sld [smem:$0x3FDB];
	s0 =	simm.s32 @p2 $0x1  }
0x17: {  	s4 =	simm.s32 $0x1BF5;
	[smem:$0x3FB4] =	sst s0  }
0x18: {  	s0 =	sld [smem:$0x3F97];
	_ =	swait.ge [sflag:s4], $0x0  }
0x19: {  	s7 =	sld [smem:$0x3F98]  }
0x1a: {  	s8 =	sadd.s32 $0xFFFFE003, lr  }
0x1b: {  	s9 =	sadd.s32 $0xFFFFFEF7, lr;
	s5 =	simm.s32 $0xFFFFFFFF;
	p2 =	slt.u32 s8, $0xFFFFF086  }
0x1c: {  	p1 =	slt.u32 s9, $0xF7A;
	s5 =	simm.s32 @!p2 $0x0  }
0x1d: {  	s5 =	simm.s32 @p1 $0x1;
	p0 =	seq.s32 s7, s2  }
0x1e: {  	s7 =	smul.u32 @!p0 $0xF7A, s2;
	p2 =	seq.s32 @!p0 s5, $0x0  }
0x1f: {  	s9 =	smul.u32 $0xF7A, s1;
	s8 =	simm.s32 @!p0 $0x1BF5;
	p2 =	por !p2, p0  }
0x20: {  	[sflag:s8] =	ssyncset.s32 @!p0 $0xFFFFF086;
	s6 =	sadd.s32 @!p0 s3, s7;
	s7 =	simm.s32 @!p0 $0x108  }
0x21: {  	s3 =	sadd.s32 s3, s9;
	s6 =	sadd.s32 @!p0 $0x88, s6;
	s7 =	simm.s32 @p2 $0x1082  }
0x22: {  	[simem:s7], [sflag:s8] =	dma.local @!p0 [hbm:s6], $0xF7A  }
0x23: {  	s9 =	sor.u32 $0xD0000000, s2;
	s6 =	simm.s32 $0x108;
	_ =	swait.ge @!p0 [sflag:s8], $0x0  }
0x24: {  	s3 =	sadd.s32 $0x88, s3;
	s6 =	simm.s32 @!p1 $0x1082;
	[sflag:s4] =	ssyncset.s32 $0xFFFFF086  }
0x25: {  	[simem:s6], [sflag:s4] =	dma.local [hbm:s3], $0xF7A  }
0x26: {  	[smem:$0x3F98] =	sst s1;
	(tag) =	ssettag s2;
	_ =	strace s9  }
0x27: {  	s1 =	sld [smem:$0x3FA8]  }
0x28: {  	s2 =	sld [smem:$0x3FA9]  }
0x29: {  	s4 =	sld [smem:$0x3FAB]  }
0x2a: {  	p0 =	seq.s32 s5, $0x0;
	s5 =	sld [smem:$0x3FAC]  }
0x2b: {  	s6 =	sld [smem:$0x3FAD]  }
0x2c: {  	s7 =	sld [smem:$0x3FAE]  }
0x2d: {  	s3 =	simm.s32 $0x108;
	s8 =	sld [smem:$0x3FAF]  }
0x2e: {  	s3 =	simm.s32 @!p0 $0x1082;
	s9 =	sld [smem:$0x3FB0]  }
0x2f: {  	lr =	sadd.s32 s0, s3;
	s0 =	sld [smem:$0x3FA7]  }
0x30: {  	s3 =	sld [smem:$0x3FAA]  }
0x31: {  	[smem:$0x3FB3] =	sst s10  }
0x32: {  	s10 =	sld [smem:$0x3FB1];
	_ =	sdelay $0x3  }
0x33: {  	p0 =	seq.s32 s10, $0x1;
	s10 =	sld [smem:$0x3FB3];
	_ =	sdelay $0x3  }
0x34: {  	[smem:$0x3FB3] =	sst s10  }
0x35: {  	s10 =	sld [smem:$0x3FB2];
	_ =	sdelay $0x3  }
0x36: {  	p1 =	seq.s32 s10, $0x1;
	s10 =	sld [smem:$0x3FB3];
	_ =	sdelay $0x3  }
0x37: {  	[smem:$0x3FB3] =	sst s10  }
0x38: {  	s10 =	sld [smem:$0x3FB4]  }
0x39: {  	_ = 	snop;
	(pc) =	sbr.ind lr, $3  }
0x3a: {  	_ = 	snop  }
0x3b: {  	_ = 	snop  }
0x3c: {  	p2 =	seq.s32 s10, $0x1;
	s10 =	sld [smem:$0x3FB3]  }
0x3d: {  	_ =	shalt  }
0x3e: {  	_ =	shalt  }
0x3f: {  	_ =	shalt  }
0x40: {  	_ =	shalt  }
0x41: {  	_ =	shalt  }
0x42: {  	_ =	shalt  }
0x43: {  	_ =	shalt  }
0x44: {  	_ =	shalt  }
0x45: {  	_ =	shalt  }
0x46: {  	_ =	shalt  }
0x47: {  	_ =	shalt  }
0x48: {  	_ =	shalt  }
0x49: {  	_ =	shalt  }
0x4a: {  	_ =	shalt  }
0x4b: {  	_ =	shalt  }
0x4c: {  	_ =	shalt  }
0x4d: {  	_ =	shalt  }
0x4e: {  	_ =	shalt  }
0x4f: {  	_ =	shalt  }
0x50: {  	_ =	shalt  }
0x51: {  	_ =	shalt  }
0x52: {  	_ =	shalt  }
0x53: {  	_ =	shalt  }
0x54: {  	_ =	shalt  }
0x55: {  	_ =	shalt  }
0x56: {  	_ =	shalt  }
0x57: {  	_ =	shalt  }
0x58: {  	_ =	shalt  }
0x59: {  	_ =	shalt  }
0x5a: {  	_ =	shalt  }
0x5b: {  	_ =	shalt  }
0x5c: {  	_ =	shalt  }
0x5d: {  	_ =	shalt  }
0x5e: {  	_ =	shalt  }
0x5f: {  	_ =	shalt  }
0x60: {  	_ =	shalt  }
0x61: {  	_ =	shalt  }
0x62: {  	_ =	shalt  }
0x63: {  	_ =	shalt  }
0x64: {  	_ =	shalt  }
0x65: {  	_ =	shalt  }
0x66: {  	_ =	shalt  }
0x67: {  	_ =	shalt  }
0x68: {  	_ =	shalt  }
0x69: {  	_ =	shalt  }
0x6a: {  	_ =	shalt  }
0x6b: {  	_ =	shalt  }
0x6c: {  	_ =	shalt  }
0x6d: {  	_ =	shalt  }
0x6e: {  	_ =	shalt  }
0x6f: {  	_ =	shalt  }
0x70: {  	_ =	shalt  }
0x71: {  	_ =	shalt  }
0x72: {  	_ =	shalt  }
0x73: {  	_ =	shalt  }
0x74: {  	_ =	shalt  }
0x75: {  	_ =	shalt  }
0x76: {  	_ =	shalt  }
0x77: {  	_ =	shalt  }
0x78: {  	_ =	shalt  }
0x79: {  	_ =	shalt  }
0x7a: {  	_ =	shalt  }
0x7b: {  	_ =	shalt  }
0x7c: {  	_ =	shalt  }
0x7d: {  	_ =	shalt  }
0x7e: {  	_ =	shalt  }
0x7f: {  	_ =	shalt  }
0x80: {  	_ =	shalt  }
0x81: {  	_ =	shalt  }
0x82: {  	_ =	shalt  }
0x83: {  	_ =	shalt  }
0x84: {  	_ =	shalt  }
0x85: {  	_ =	shalt  }
0x86: {  	_ =	shalt  }
0x87: {  	_ =	shalt  }
.Lfunc_end0:
.L_simem_size_0:
called_computation.2_lowered:
.L_overlay_start_0:
0x88: {  	s2 =	sld [smem:$0x3FD9]  }
0x89: {  	s3 =	sld [smem:$0x3FFE];
	_ =	sdelay $0x1  }
0x8a: {  	s1 =	srdreg.scid  }
0x8b: {  	s0 =	sand.u32 $0x1, s1  }
0x8c: {  	s16 =	sshll.u32 s0, $0xA;
	s2 =	sadd.s32 s3, s2  }
0x8d: {  	s2 =	sadd.s32 s2, s16  }
0x8e: {  	[smem:$0x3FBF] =	sst s2  }
0x8f: {  	_ = 	snop  }
0x90: {  	(tm) =	ssettm $0x1  }
0x91: {  	s17 =	sld [smem:$0x3FFB];
	_ =	sdelay $0x3  }
0x92: {  	_ =	strace s17  }
0x93: {  	s2 =	sld [smem:$0x3FFC];
	_ =	sdelay $0x3  }
0x94: {  	_ =	strace s2  }
0x95: {  	s2 =	sld [smem:$0x3FFD];
	_ =	sdelay $0x3  }
0x96: {  	_ =	strace s2  }
0x97: {  	_ =	strace $0x8FFFFFFF  }
0x98: {  	s18 =	sld [smem:$0x3FDB];
	_ =	sdelay $0x1  }
0x99: {  	s19 =	simm.s32 $_scs_section_size  }
0x9a: {  	s4 =	simm.s32 $_size__tile_overlayer_lowered;
	s5 =	simm.s32 $_tile_overlayer_lowered  }
0x9b: {  	s22 =	simm.s32 $0x1BFF;
	s21 =	sshll.u32 s5, $0x1;
	s2 =	sadd.s32 s19, s18  }
0x9c: {  	s6 =	simm.s32 $0x0;
	s20 =	sshll.u32 s4, $0x1;
	s4 =	sadd.s32 s21, s2  }
0x9d: {  	[timem:s6], [sflag:s22] =	dma.local [hbm:s4], s20  }
0x9e: {  	_ =	swait.ge [sflag:s22], s20  }
0x9f: {  	s3 =	ssub.s32 $0x0, s20;
	[sflag:s22] =	ssyncset.done $0x0  }
0xa0: {  	[sflag:s22] =	ssyncadd.s32 s3;
	_ =	sdelay $0x1  }
0xa1: {  	s23 =	simm.s32 $0x1B8B  }
0xa2: {  	_ =	swait.ge [sflag:s23], $0x1  }
0xa3: {  	[sflag:s23] =	ssyncset.done $0x0  }
0xa4: {  	s25 =	simm.s32 $0x1B8E;
	s24 =	sld [smem:$0x3FFE];
	[sflag:s23] =	ssyncadd.s32 $0xFFFFFFFF  }
0xa5: {  	s26 =	simm.s32 $execute0_lowered;
	[smem:$0x3FD2] =	sst s25  }
0xa6: {  	s4 =	sshll.u32 s26, $0x1;
	_ =	strace $0x8000004C;
	[dreg:$0x1] =	wrdreg $0xFFFFFFFF  }
0xa7: {  	s28 =	simm.s32 $_size_execute0_lowered;
	s2 =	sadd.s32 s2, s4;
	[dreg:$0x0] =	wrdreg $0x0  }
0xa8: {  	s4 =	sshll.u32 s28, $0x1;
	[dreg:$0x2] =	wrdreg s2  }
0xa9: {  	[dreg:$0x3] =	wrdreg s4  }
0xaa: {  	[dreg:$0x4] =	wrdreg $0xC0  }
0xab: {  	_ =	task [dreg:s6], $0x5FFFF  }
0xac: {  	[dreg:$0x1] =	wrdreg $0xFFFFFFFF  }
0xad: {  	[dreg:$0x0] =	wrdreg $0x60  }
0xae: {  	[dreg:$0x2] =	wrdreg s24  }
0xaf: {  	[dreg:$0x3] =	wrdreg $0x150000  }
0xb0: {  	[dreg:$0x4] =	wrdreg $0x9  }
0xb1: {  	_ =	task.clear_ibuf [dreg:s6], $0x5FFFF;
	_ =	strace $0x9000004C  }
0xb2: {  	s29 =	simm.s32 $0x9;
	_ =	strace $0x8000004E  }
0xb3: {  	_ =	swait.ge [sflag:s29], $0x1  }
0xb4: {  	[sflag:s29] =	ssyncadd.s32 $0xFFFFFFFF  }
0xb5: {  	_ =	strace $0x9000004E  }
0xb6: {  	_ =	sfence  }
0xb7: {  	s30 =	sld [smem:$0x0];
	_ =	sdelay $0x2  }
0xb8: {  	s31 =	sshll.u32 s1, $0xD;
	s1 =	sshrl.u32 s1, $0x2  }
0xb9: {  	s3 =	sand.u32 $0x4000, s31;
	s1 =	sadd.s32 s1, s30  }
0xba: {  	s0 =	sor.u32 s3, s0;
	s1 =	sshll.u32 s1, $0x11  }
0xbb: {  	s0 =	sor.u32 s1, s0  }
0xbc: {  	s0 =	sadd.s32 $0x8F2B, s0  }
0xbd: {  	[sflag:s0] =	ssyncadd.remote.s32 $0x1  }
0xbe: {  	_ =	sfence.sel $0xFFFF  }
0xbf: {  	[dreg:$0x0] =	wrdreg $0xFFFFFFFF;
	(pc) =	sbr.abs _section_cstart, $3  }
0xc0: {  	[dreg:$0x1] =	wrdreg $0xFFFFFFFF  }
0xc1: {  	_ =	task.clear_ibuf [dreg:s6], $0x2FFFF;
	_ =	strace $0x9FFFFFFF  }
0xc2: {  	(tm) =	ssettm $0x7FFFFFFF  }
0xc3: {  	_ =	shalt  }
tec
execute0_lowered:
.L_overlay_start_1:
0x0: {  	(tag) =	ssettag $0x1  }
0x1: {  	s0 =	srdreg.scid;
	s3 =	rddreg [dreg:$0x0]  }
0x2: {  	s7 =	stileid.u32;
	s2 =	rddreg [dreg:$0x1]  }
0x3: {  	s4 =	simm.s32 $0x0;
	s13 =	simm.s32 $0x11;
	s16 =	simm.s32 $0x5000  }
0x4: {  	s29 =	simm.s32 $0x11000;
	s31 =	simm.s32 $0x13000;
	s15 =	simm.s32 $0x2  }
0x5: {  	s28 =	simm.s32 $0x8;
	s30 =	simm.s32 $0x9;
	s8 =	simm.s32 $0xC  }
0x6: {  	s9 =	simm.s32 $0xD;
	s10 =	simm.s32 $0xE;
	s11 =	simm.s32 $0xF  }
0x7: {  	s12 =	simm.s32 $0x10;
	s0 =	sand.u32 $0x1, s0;
	s5 =	smul.u32 $0xA000, s7  }
0x8: {  	[smem:$0x7FF] =	sst s4;
	s4 =	sadd.s32 $0x2600, s3;
	s1 =	sshll.u32 s0, $0x4  }
0x9: {  	s17 =	smul.u32 $0xA0000, s0;
	_ =	strace $0x8000004D;
	s0 =	ssub.s32 $0x2, s0  }
0xa: {  	s1 =	sor.u32 s7, s1;
	s7 =	smul.u32 $0x28000, s7;
	s18 =	sshrl.u32 s0, $0x1  }
0xb: {  	s21 =	sadd.s32 s5, s2;
	s1 =	smul.u32 $0x2800, s1;
	s6 =	sadd.s32 s5, s17  }
0xc: {  	s0 =	ssub.s32 s0, s18;
	[dreg:$0x5] =	wrdreg s21;
	s17 =	simm.s32 $0x80  }
0xd: {  	s18 =	simm.s32 $0x7000;
	s21 =	simm.s32 $0x4;
	s5 =	simm.s32 $0xA  }
0xe: {  	s6 =	sshrl.u32 s6, $0x3;
	s7 =	sshrl.u32 s7, $0x2;
	s0 =	smax.u32 s0, $0x1  }
0xf: {  	s1 =	sshrl.u32 s1, $0x3;
	s20 =	sadd.s32 s7, s2;
	[dreg:$0xb] =	wrdreg s0  }
0x10: {  	s0 =	simm.s32 $0x7;
	s7 =	simm.s32 $0x0;
	s22 =	sadd.s32 $0x2000, s20  }
0x11: {  	s1 =	sadd.s32 s1, s3;
	s23 =	sadd.s32 $0x4000, s20;
	[dreg:$0x6] =	wrdreg s22  }
0x12: {  	s3 =	sadd.s32 s6, s3;
	s24 =	sadd.s32 $0x6000, s20;
	[dreg:$0x7] =	wrdreg s23  }
0x13: {  	s25 =	sadd.s32 $0x8000, s20;
	s20 =	simm.s32 $0x9000;
	[dreg:$0x8] =	wrdreg s24  }
0x14: {  	s6 =	simm.s32 $0xB;
	s19 =	sadd.s32 $0x20600, s1;
	[dreg:$0x9] =	wrdreg s25  }
0x15: {  	s1 =	sadd.s32 $0x2A600, s1;
	s26 =	sadd.s32 $0x34600, s3;
	[dreg:$0x3] =	wrdreg s19  }
0x16: {  	s22 =	simm.s32 $0xB000;
	s24 =	simm.s32 $0xD000;
	[dreg:$0x4] =	wrdreg s1  }
0x17: {  	s23 =	simm.s32 $0x5;
	s25 =	simm.s32 $0x6;
	[dreg:$0xa] =	wrdreg s26  }
0x18: {  	v0 =	vimm.f32 $0.0e+00;
	s26 =	simm.s32 $0xF000;
	s1 =	simm.s32 $0x1;
	s19 =	simm.s32 $0x3  }
.LBB2_1:
0x19: {  	[dreg:$0xc] =	wrdreg s7  }
0x1a: {  	s7 =	simm.s32 $0x0;
	s3 =	rddreg [dreg:$0x3]  }
0x1b: {  	[tilespmem:s7], [sflag:$0x11] =	stream.linear.gather [hbm4b:s3+s7], $0x2800, $0x38;
	[tilespmem:$0x1F000] =	vst v63  }
0x1c: {  	_ =	swait.ge [sflag:s13], $0x2800  }
0x1d: {  	[sflag:s13] =	ssyncset.done $0x0  }
0x1e: {  	s14 =	simm.s32 $0x2800;
	s3 =	rddreg [dreg:$0x4];
	[sflag:s13] =	ssyncadd.s32 $0xFFFFD800  }
0x1f: {  	[tilespmem:s14], [sflag:$0x11] =	stream.linear.gather [hbm4b:s3+s7], $0x2800, $0x38;
	[tilespmem:$0x1F000] =	vst v63  }
0x20: {  	s14 =	sand.u32 $0x7F00, s7;
	s7 =	sand.u32 $0x30, s7;
	_ =	swait.ge [sflag:s13], $0x2800  }
0x21: {  	s3 =	simm.s32 $0x40;
	s14 =	sshrl.u32 s14, $0x2;
	[sflag:s13] =	ssyncset.done $0x0  }
0x22: {  	[sflag:s13] =	ssyncadd.s32 $0xFFFFD800;
	s13 =	sor.u32 s7, s14;
	s7 =	simm.s32 $0x0  }
.LBB2_2:
0x23: {  	p0 =	sne.s32 s3, $0x7FC0  }
0x24: {  	[tilespmem:s13+$0x5000] =	vst v0;
	s7 =	sadd.s32 $0x10, s7;
	s13 =	smov.u32 s3;
	s3 =	sadd.s32 $0x40, s3  }
.Ltmp0:
0x25: {  	(pc) =	sbr.rel @p0 .LBB2_2-.Ltmp0, $4  }
0x26: {  	_ = 	snop  }
0x27: {  	s13 =	sand.u32 $0x7F00, s13  }
0x28: {  	s14 =	sand.u32 $0x30, s7;
	s13 =	sshrl.u32 s13, $0x2  }
0x29: {  	s13 =	sor.u32 s14, s13  }
0x2a: {  	[tilespmem:s13+$0x5000] =	vst v0;
	s3 =	rddreg [dreg:$0x5];
	s7 =	simm.s32 $0x11  }
0x2b: {  	[spmem:s3] =	stream.linear.scatter [tilespmem:s16], [sflag:$0x11], $0x2000, $0x38;
	[tilespmem:$0x1F000] =	vst v63  }
0x2c: {  	_ =	swait.ge [sflag:s7], $0x2000  }
0x2d: {  	[sflag:s7] =	ssyncset.done $0x0  }
0x2e: {  	s13 =	rddreg [dreg:$0x6];
	[sflag:s7] =	ssyncadd.s32 $0xFFFFE000  }
0x2f: {  	[spmem:s13] =	stream.linear.scatter [tilespmem:s16], [sflag:$0x11], $0x2000, $0x38;
	[tilespmem:$0x1F000] =	vst v63  }
0x30: {  	_ =	swait.ge [sflag:s7], $0x2000  }
0x31: {  	[sflag:s7] =	ssyncset.done $0x0  }
0x32: {  	s14 =	rddreg [dreg:$0x7];
	[sflag:s7] =	ssyncadd.s32 $0xFFFFE000  }
0x33: {  	[spmem:s14] =	stream.linear.scatter [tilespmem:s16], [sflag:$0x11], $0x2000, $0x38;
	[tilespmem:$0x1F000] =	vst v63  }
0x34: {  	_ =	swait.ge [sflag:s7], $0x2000  }
0x35: {  	[sflag:s7] =	ssyncset.done $0x0  }
0x36: {  	s13 =	rddreg [dreg:$0x8];
	[sflag:s7] =	ssyncadd.s32 $0xFFFFE000  }
0x37: {  	[spmem:s13] =	stream.linear.scatter [tilespmem:s16], [sflag:$0x11], $0x2000, $0x38;
	[tilespmem:$0x1F000] =	vst v63  }
0x38: {  	_ =	swait.ge [sflag:s7], $0x2000  }
0x39: {  	[sflag:s7] =	ssyncset.done $0x0  }
0x3a: {  	s14 =	rddreg [dreg:$0x9];
	[sflag:s7] =	ssyncadd.s32 $0xFFFFE000  }
0x3b: {  	[spmem:s14] =	stream.linear.scatter [tilespmem:s16], [sflag:$0x11], $0x2000, $0x38;
	[tilespmem:$0x1F000] =	vst v63  }
0x3c: {  	_ =	swait.ge [sflag:s7], $0x2000  }
0x3d: {  	[sflag:s7] =	ssyncset.done $0x0  }
0x3e: {  	[sflag:s7] =	ssyncadd.s32 $0xFFFFE000  }
0x3f: {  	s7 =	simm.s32 $0x0;
	[bflag:$0x0] =	sbarrier.arrive $0xFFFF  }
0x40: {  	[tilespmem:s16], [sflag:$0x1] =	stream.indirect.gather [hbm4b:s4+s17], $0x40, s7, s17, $0xb8;
	[tilespmem:$0x1F000] =	vst v63  }
0x41: {  	_ = 	snop  }
0x42: {  	[tilespmem:s18], [sflag:$0x2] =	stream.indirect.gather [hbm4b:s4+s17], $0x40, s17, s17, $0xb8;
	[tilespmem:$0x1F000] =	vst v63  }
0x43: {  	s13 =	simm.s32 $0x100  }
0x44: {  	[tilespmem:s20], [sflag:$0x3] =	stream.indirect.gather [hbm4b:s4+s17], $0x40, s13, s17, $0xb8;
	[tilespmem:$0x1F000] =	vst v63  }
0x45: {  	s14 =	simm.s32 $0x180  }
0x46: {  	[tilespmem:s22], [sflag:$0x4] =	stream.indirect.gather [hbm4b:s4+s17], $0x40, s14, s17, $0xb8;
	[tilespmem:$0x1F000] =	vst v63  }
0x47: {  	s7 =	simm.s32 $0x200  }
0x48: {  	[tilespmem:s24], [sflag:$0x5] =	stream.indirect.gather [hbm4b:s4+s17], $0x40, s7, s17, $0xb8;
	[tilespmem:$0x1F000] =	vst v63  }
0x49: {  	s13 =	simm.s32 $0x280  }
0x4a: {  	[tilespmem:s26], [sflag:$0x6] =	stream.indirect.gather [hbm4b:s4+s17], $0x40, s13, s17, $0xb8;
	[tilespmem:$0x1F000] =	vst v63  }
0x4b: {  	s14 =	simm.s32 $0x300  }
0x4c: {  	[tilespmem:s29], [sflag:$0x7] =	stream.indirect.gather [hbm4b:s4+s17], $0x40, s14, s17, $0xb8;
	[tilespmem:$0x1F000] =	vst v63  }
0x4d: {  	s7 =	simm.s32 $0x380  }
0x4e: {  	[tilespmem:s31], [sflag:$0x8] =	stream.indirect.gather [hbm4b:s4+s17], $0x40, s7, s17, $0xb8;
	[tilespmem:$0x1F000] =	vst v63  }
0x4f: {  	_ =	swait.ge [sflag:s1], $0x2000  }
0x50: {  	[sflag:s1] =	ssyncset.done $0x0  }
0x51: {  	s13 =	simm.s32 $0x2800;
	[sflag:s1] =	ssyncadd.s32 $0xFFFFE000  }
0x52: {  	[spmem:s2] =	stream.indirect.scatter.add.f32 [tilespmem:s16], [sflag:$0x9], $0x40, s13, s17, $0xb8;
	[tilespmem:$0x1F000] =	vst v63  }
0x53: {  	_ =	swait.ge [sflag:s15], $0x2000  }
0x54: {  	[sflag:s15] =	ssyncset.done $0x0  }
0x55: {  	s14 =	simm.s32 $0x2880;
	[sflag:s15] =	ssyncadd.s32 $0xFFFFE000  }
0x56: {  	[spmem:s2] =	stream.indirect.scatter.add.f32 [tilespmem:s18], [sflag:$0xA], $0x40, s14, s17, $0xb8;
	[tilespmem:$0x1F000] =	vst v63  }
0x57: {  	_ =	swait.ge [sflag:s19], $0x2000  }
0x58: {  	[sflag:s19] =	ssyncset.done $0x0  }
0x59: {  	s7 =	simm.s32 $0x2900;
	[sflag:s19] =	ssyncadd.s32 $0xFFFFE000  }
0x5a: {  	[spmem:s2] =	stream.indirect.scatter.add.f32 [tilespmem:s20], [sflag:$0xB], $0x40, s7, s17, $0xb8;
	[tilespmem:$0x1F000] =	vst v63  }
0x5b: {  	_ =	swait.ge [sflag:s21], $0x2000  }
0x5c: {  	[sflag:s21] =	ssyncset.done $0x0  }
0x5d: {  	s13 =	simm.s32 $0x2980;
	[sflag:s21] =	ssyncadd.s32 $0xFFFFE000  }
0x5e: {  	[spmem:s2] =	stream.indirect.scatter.add.f32 [tilespmem:s22], [sflag:$0xC], $0x40, s13, s17, $0xb8;
	[tilespmem:$0x1F000] =	vst v63  }
0x5f: {  	_ =	swait.ge [sflag:s23], $0x2000  }
0x60: {  	[sflag:s23] =	ssyncset.done $0x0  }
0x61: {  	s14 =	simm.s32 $0x2A00;
	[sflag:s23] =	ssyncadd.s32 $0xFFFFE000  }
0x62: {  	[spmem:s2] =	stream.indirect.scatter.add.f32 [tilespmem:s24], [sflag:$0xD], $0x40, s14, s17, $0xb8;
	[tilespmem:$0x1F000] =	vst v63  }
0x63: {  	_ =	swait.ge [sflag:s25], $0x2000  }
0x64: {  	[sflag:s25] =	ssyncset.done $0x0  }
0x65: {  	s7 =	simm.s32 $0x2A80;
	[sflag:s25] =	ssyncadd.s32 $0xFFFFE000  }
0x66: {  	[spmem:s2] =	stream.indirect.scatter.add.f32 [tilespmem:s26], [sflag:$0xE], $0x40, s7, s17, $0xb8;
	[tilespmem:$0x1F000] =	vst v63  }
0x67: {  	_ =	swait.ge [sflag:s0], $0x2000  }
0x68: {  	[sflag:s0] =	ssyncset.done $0x0  }
0x69: {  	s13 =	simm.s32 $0x2B00;
	[sflag:s0] =	ssyncadd.s32 $0xFFFFE000  }
0x6a: {  	[spmem:s2] =	stream.indirect.scatter.add.f32 [tilespmem:s29], [sflag:$0xF], $0x40, s13, s17, $0xb8;
	[tilespmem:$0x1F000] =	vst v63  }
0x6b: {  	_ =	swait.ge [sflag:s28], $0x2000  }
0x6c: {  	[sflag:s28] =	ssyncset.done $0x0  }
0x6d: {  	s14 =	simm.s32 $0x2B80;
	[sflag:s28] =	ssyncadd.s32 $0xFFFFE000  }
0x6e: {  	[spmem:s2] =	stream.indirect.scatter.add.f32 [tilespmem:s31], [sflag:$0x10], $0x40, s14, s17, $0xb8;
	[tilespmem:$0x1F000] =	vst v63  }
0x6f: {  	p0 =	por $0x0, $0x0;
	s3 =	simm.s32 $0x1000;
	_ =	swait.ge [sflag:s30], $0x2000  }
0x70: {  	s3 =	simm.s32 @p0 $0x0;
	[sflag:s30] =	ssyncset.done $0x0  }
0x71: {  	s3 =	sshra.s32 s3, $0x2;
	[sflag:s30] =	ssyncadd.s32 $0xFFFFE000  }
0x72: {  	[tilespmem:s16], [sflag:$0x1] =	stream.indirect.gather [hbm4b:s4+s17], $0x40, s3, s17, $0xb8;
	[tilespmem:$0x1F000] =	vst v63  }
0x73: {  	s3 =	simm.s32 $0x1200;
	_ =	swait.ge [sflag:s5], $0x2000  }
0x74: {  	s3 =	simm.s32 @p0 $0x200;
	[sflag:s5] =	ssyncset.done $0x0  }
0x75: {  	s3 =	sshra.s32 s3, $0x2;
	[sflag:s5] =	ssyncadd.s32 $0xFFFFE000  }
0x76: {  	[tilespmem:s18], [sflag:$0x2] =	stream.indirect.gather [hbm4b:s4+s17], $0x40, s3, s17, $0xb8;
	[tilespmem:$0x1F000] =	vst v63  }
0x77: {  	s3 =	simm.s32 $0x1400;
	_ =	swait.ge [sflag:s6], $0x2000  }
0x78: {  	s3 =	simm.s32 @p0 $0x400;
	[sflag:s6] =	ssyncset.done $0x0  }
0x79: {  	s3 =	sshra.s32 s3, $0x2;
	[sflag:s6] =	ssyncadd.s32 $0xFFFFE000  }
0x7a: {  	[tilespmem:s20], [sflag:$0x3] =	stream.indirect.gather [hbm4b:s4+s17], $0x40, s3, s17, $0xb8;
	[tilespmem:$0x1F000] =	vst v63  }
0x7b: {  	s3 =	simm.s32 $0x1600;
	_ =	swait.ge [sflag:s8], $0x2000  }
0x7c: {  	s3 =	simm.s32 @p0 $0x600;
	[sflag:s8] =	ssyncset.done $0x0  }
0x7d: {  	s3 =	sshra.s32 s3, $0x2;
	[sflag:s8] =	ssyncadd.s32 $0xFFFFE000  }
0x7e: {  	[tilespmem:s22], [sflag:$0x4] =	stream.indirect.gather [hbm4b:s4+s17], $0x40, s3, s17, $0xb8;
	[tilespmem:$0x1F000] =	vst v63  }
0x7f: {  	s3 =	simm.s32 $0x1800;
	_ =	swait.ge [sflag:s9], $0x2000  }
0x80: {  	s3 =	simm.s32 @p0 $0x800;
	[sflag:s9] =	ssyncset.done $0x0  }
0x81: {  	s3 =	sshra.s32 s3, $0x2;
	[sflag:s9] =	ssyncadd.s32 $0xFFFFE000  }
0x82: {  	[tilespmem:s24], [sflag:$0x5] =	stream.indirect.gather [hbm4b:s4+s17], $0x40, s3, s17, $0xb8;
	[tilespmem:$0x1F000] =	vst v63  }
0x83: {  	s3 =	simm.s32 $0x1A00;
	_ =	swait.ge [sflag:s10], $0x2000  }
0x84: {  	s3 =	simm.s32 @p0 $0xA00;
	[sflag:s10] =	ssyncset.done $0x0  }
0x85: {  	s3 =	sshra.s32 s3, $0x2;
	[sflag:s10] =	ssyncadd.s32 $0xFFFFE000  }
0x86: {  	[tilespmem:s26], [sflag:$0x6] =	stream.indirect.gather [hbm4b:s4+s17], $0x40, s3, s17, $0xb8;
	[tilespmem:$0x1F000] =	vst v63  }
0x87: {  	s3 =	simm.s32 $0x1C00;
	_ =	swait.ge [sflag:s11], $0x2000  }
0x88: {  	s3 =	simm.s32 @p0 $0xC00;
	[sflag:s11] =	ssyncset.done $0x0  }
0x89: {  	s3 =	sshra.s32 s3, $0x2;
	[sflag:s11] =	ssyncadd.s32 $0xFFFFE000  }
0x8a: {  	[tilespmem:s29], [sflag:$0x7] =	stream.indirect.gather [hbm4b:s4+s17], $0x40, s3, s17, $0xb8;
	[tilespmem:$0x1F000] =	vst v63  }
0x8b: {  	s3 =	simm.s32 $0x1E00;
	_ =	swait.ge [sflag:s12], $0x2000  }
0x8c: {  	s3 =	simm.s32 @p0 $0xE00;
	[sflag:s12] =	ssyncset.done $0x0  }
0x8d: {  	s7 =	simm.s32 $0x2E00;
	s3 =	sshra.s32 s3, $0x2;
	[sflag:s12] =	ssyncadd.s32 $0xFFFFE000  }
.LBB2_4:
0x8e: {  	[tilespmem:s31], [sflag:$0x8] =	stream.indirect.gather [hbm4b:s4+s17], $0x40, s3, s17, $0xb8;
	[tilespmem:$0x1F000] =	vst v63  }
0x8f: {  	s3 =	smov.u32 s7  }
0x90: {  	p0 =	sne.s32 s7, $0xAE00;
	s7 =	sadd.s32 $0x1000, s7;
	_ =	swait.ge [sflag:s1], $0x2000  }
0x91: {  	s13 =	sshra.s32 s3, $0x2;
	[sflag:s1] =	ssyncset.done $0x0  }
0x92: {  	s14 =	sadd.s32 $0x2080, s13;
	[sflag:s1] =	ssyncadd.s32 $0xFFFFE000  }
0x93: {  	[spmem:s2] =	stream.indirect.scatter.add.f32 [tilespmem:s16], [sflag:$0x9], $0x40, s14, s17, $0xb8;
	[tilespmem:$0x1F000] =	vst v63  }
0x94: {  	_ =	swait.ge [sflag:s15], $0x2000  }
0x95: {  	[sflag:s15] =	ssyncset.done $0x0  }
0x96: {  	s14 =	sadd.s32 $0x2100, s13;
	[sflag:s15] =	ssyncadd.s32 $0xFFFFE000  }
0x97: {  	[spmem:s2] =	stream.indirect.scatter.add.f32 [tilespmem:s18], [sflag:$0xA], $0x40, s14, s17, $0xb8;
	[tilespmem:$0x1F000] =	vst v63  }
0x98: {  	_ =	swait.ge [sflag:s19], $0x2000  }
0x99: {  	[sflag:s19] =	ssyncset.done $0x0  }
0x9a: {  	s14 =	sadd.s32 $0x2180, s13;
	[sflag:s19] =	ssyncadd.s32 $0xFFFFE000  }
0x9b: {  	[spmem:s2] =	stream.indirect.scatter.add.f32 [tilespmem:s20], [sflag:$0xB], $0x40, s14, s17, $0xb8;
	[tilespmem:$0x1F000] =	vst v63  }
0x9c: {  	_ =	swait.ge [sflag:s21], $0x2000  }
0x9d: {  	[sflag:s21] =	ssyncset.done $0x0  }
0x9e: {  	s14 =	sadd.s32 $0x2200, s13;
	[sflag:s21] =	ssyncadd.s32 $0xFFFFE000  }
0x9f: {  	[spmem:s2] =	stream.indirect.scatter.add.f32 [tilespmem:s22], [sflag:$0xC], $0x40, s14, s17, $0xb8;
	[tilespmem:$0x1F000] =	vst v63  }
0xa0: {  	_ =	swait.ge [sflag:s23], $0x2000  }
0xa1: {  	[sflag:s23] =	ssyncset.done $0x0  }
0xa2: {  	s14 =	sadd.s32 $0x2280, s13;
	[sflag:s23] =	ssyncadd.s32 $0xFFFFE000  }
0xa3: {  	[spmem:s2] =	stream.indirect.scatter.add.f32 [tilespmem:s24], [sflag:$0xD], $0x40, s14, s17, $0xb8;
	[tilespmem:$0x1F000] =	vst v63  }
0xa4: {  	_ =	swait.ge [sflag:s25], $0x2000  }
0xa5: {  	[sflag:s25] =	ssyncset.done $0x0  }
0xa6: {  	s14 =	sadd.s32 $0x2300, s13;
	[sflag:s25] =	ssyncadd.s32 $0xFFFFE000  }
0xa7: {  	[spmem:s2] =	stream.indirect.scatter.add.f32 [tilespmem:s26], [sflag:$0xE], $0x40, s14, s17, $0xb8;
	[tilespmem:$0x1F000] =	vst v63  }
0xa8: {  	_ =	swait.ge [sflag:s0], $0x2000  }
0xa9: {  	[sflag:s0] =	ssyncset.done $0x0  }
0xaa: {  	s14 =	sadd.s32 $0x2380, s13;
	[sflag:s0] =	ssyncadd.s32 $0xFFFFE000  }
0xab: {  	[spmem:s2] =	stream.indirect.scatter.add.f32 [tilespmem:s29], [sflag:$0xF], $0x40, s14, s17, $0xb8;
	[tilespmem:$0x1F000] =	vst v63  }
0xac: {  	_ =	swait.ge [sflag:s28], $0x2000  }
0xad: {  	[sflag:s28] =	ssyncset.done $0x0  }
0xae: {  	s13 =	sadd.s32 $0x2400, s13;
	s14 =	sadd.s32 $0xFFFFF800, s3;
	[sflag:s28] =	ssyncadd.s32 $0xFFFFE000  }
0xaf: {  	[spmem:s2] =	stream.indirect.scatter.add.f32 [tilespmem:s31], [sflag:$0x10], $0x40, s13, s17, $0xb8;
	[tilespmem:$0x1F000] =	vst v63  }
0xb0: {  	p1 =	seq.s32 s3, $0xAE00;
	s13 =	sadd.s32 $0xFFFFF200, s3;
	_ =	swait.ge [sflag:s30], $0x2000  }
0xb1: {  	s14 =	simm.s32 @p1 $0x600;
	s13 =	simm.s32 @p1 $0x0;
	[sflag:s30] =	ssyncset.done $0x0  }
0xb2: {  	s13 =	sshra.s32 s13, $0x2;
	[sflag:s30] =	ssyncadd.s32 $0xFFFFE000  }
0xb3: {  	[tilespmem:s16], [sflag:$0x1] =	stream.indirect.gather [hbm4b:s4+s17], $0x40, s13, s17, $0xb8;
	[tilespmem:$0x1F000] =	vst v63  }
0xb4: {  	s13 =	sadd.s32 $0xFFFFF400, s3;
	_ =	swait.ge [sflag:s5], $0x2000  }
0xb5: {  	s13 =	simm.s32 @p1 $0x200;
	[sflag:s5] =	ssyncset.done $0x0  }
0xb6: {  	s13 =	sshra.s32 s13, $0x2;
	[sflag:s5] =	ssyncadd.s32 $0xFFFFE000  }
0xb7: {  	[tilespmem:s18], [sflag:$0x2] =	stream.indirect.gather [hbm4b:s4+s17], $0x40, s13, s17, $0xb8;
	[tilespmem:$0x1F000] =	vst v63  }
0xb8: {  	s13 =	sadd.s32 $0xFFFFF600, s3;
	_ =	swait.ge [sflag:s6], $0x2000  }
0xb9: {  	s13 =	simm.s32 @p1 $0x400;
	[sflag:s6] =	ssyncset.done $0x0  }
0xba: {  	s13 =	sshra.s32 s13, $0x2;
	[sflag:s6] =	ssyncadd.s32 $0xFFFFE000  }
0xbb: {  	[tilespmem:s20], [sflag:$0x3] =	stream.indirect.gather [hbm4b:s4+s17], $0x40, s13, s17, $0xb8;
	[tilespmem:$0x1F000] =	vst v63  }
0xbc: {  	_ =	swait.ge [sflag:s8], $0x2000  }
0xbd: {  	[sflag:s8] =	ssyncset.done $0x0  }
0xbe: {  	s13 =	sshra.s32 s14, $0x2;
	[sflag:s8] =	ssyncadd.s32 $0xFFFFE000  }
0xbf: {  	[tilespmem:s22], [sflag:$0x4] =	stream.indirect.gather [hbm4b:s4+s17], $0x40, s13, s17, $0xb8;
	[tilespmem:$0x1F000] =	vst v63  }
0xc0: {  	s13 =	sadd.s32 $0xFFFFFA00, s3;
	_ =	swait.ge [sflag:s9], $0x2000  }
0xc1: {  	s13 =	simm.s32 @p1 $0x800;
	[sflag:s9] =	ssyncset.done $0x0  }
0xc2: {  	s13 =	sshra.s32 s13, $0x2;
	[sflag:s9] =	ssyncadd.s32 $0xFFFFE000  }
0xc3: {  	[tilespmem:s24], [sflag:$0x5] =	stream.indirect.gather [hbm4b:s4+s17], $0x40, s13, s17, $0xb8;
	[tilespmem:$0x1F000] =	vst v63  }
0xc4: {  	s13 =	sadd.s32 $0xFFFFFC00, s3;
	_ =	swait.ge [sflag:s10], $0x2000  }
0xc5: {  	s13 =	simm.s32 @p1 $0xA00;
	[sflag:s10] =	ssyncset.done $0x0  }
0xc6: {  	s13 =	sshra.s32 s13, $0x2;
	[sflag:s10] =	ssyncadd.s32 $0xFFFFE000  }
0xc7: {  	[tilespmem:s26], [sflag:$0x6] =	stream.indirect.gather [hbm4b:s4+s17], $0x40, s13, s17, $0xb8;
	[tilespmem:$0x1F000] =	vst v63  }
0xc8: {  	s13 =	sadd.s32 $0xFFFFFE00, s3;
	_ =	swait.ge [sflag:s11], $0x2000  }
0xc9: {  	s13 =	simm.s32 @p1 $0xC00;
	[sflag:s11] =	ssyncset.done $0x0  }
.Ltmp1:
0xca: {  	s13 =	sshra.s32 s13, $0x2;
	[sflag:s11] =	ssyncadd.s32 $0xFFFFE000;
	(pc) =	sbr.rel @p0 .LBB2_4-.Ltmp1, $4  }
0xcb: {  	[tilespmem:s29], [sflag:$0x7] =	stream.indirect.gather [hbm4b:s4+s17], $0x40, s13, s17, $0xb8;
	[tilespmem:$0x1F000] =	vst v63  }
0xcc: {  	_ =	swait.ge [sflag:s12], $0x2000  }
0xcd: {  	s3 =	simm.s32 @p1 $0xE00;
	[sflag:s12] =	ssyncset.done $0x0  }
0xce: {  	s3 =	sshra.s32 s3, $0x2;
	[sflag:s12] =	ssyncadd.s32 $0xFFFFE000  }
0xcf: {  	[tilespmem:s31], [sflag:$0x8] =	stream.indirect.gather [hbm4b:s4+s17], $0x40, s3, s17, $0xb8;
	[tilespmem:$0x1F000] =	vst v63  }
0xd0: {  	_ =	swait.ge [sflag:s1], $0x2000  }
0xd1: {  	[sflag:s1] =	ssyncset.done $0x0  }
0xd2: {  	[sflag:s1] =	ssyncadd.s32 $0xFFFFE000  }
0xd3: {  	_ =	swait.ge [sflag:s15], $0x2000  }
0xd4: {  	[sflag:s15] =	ssyncset.done $0x0  }
0xd5: {  	[sflag:s15] =	ssyncadd.s32 $0xFFFFE000  }
0xd6: {  	_ =	swait.ge [sflag:s19], $0x2000  }
0xd7: {  	[sflag:s19] =	ssyncset.done $0x0  }
0xd8: {  	[sflag:s19] =	ssyncadd.s32 $0xFFFFE000  }
0xd9: {  	_ =	swait.ge [sflag:s21], $0x2000  }
0xda: {  	[sflag:s21] =	ssyncset.done $0x0  }
0xdb: {  	[sflag:s21] =	ssyncadd.s32 $0xFFFFE000  }
0xdc: {  	_ =	swait.ge [sflag:s23], $0x2000  }
0xdd: {  	[sflag:s23] =	ssyncset.done $0x0  }
0xde: {  	[sflag:s23] =	ssyncadd.s32 $0xFFFFE000  }
0xdf: {  	_ =	swait.ge [sflag:s25], $0x2000  }
0xe0: {  	[sflag:s25] =	ssyncset.done $0x0  }
0xe1: {  	[sflag:s25] =	ssyncadd.s32 $0xFFFFE000  }
0xe2: {  	_ =	swait.ge [sflag:s0], $0x2000  }
0xe3: {  	[sflag:s0] =	ssyncset.done $0x0  }
0xe4: {  	[sflag:s0] =	ssyncadd.s32 $0xFFFFE000  }
0xe5: {  	_ =	swait.ge [sflag:s28], $0x2000  }
0xe6: {  	[sflag:s28] =	ssyncset.done $0x0  }
0xe7: {  	[sflag:s28] =	ssyncadd.s32 $0xFFFFE000  }
0xe8: {  	s14 =	stileid.u32;
	[bflag:$0x0] =	sbarrier.arrive $0xFFFF  }
0xe9: {  	s3 =	sshll.u32 s14, $0x6;
	s7 =	rddreg [dreg:$0x5]  }
0xea: {  	s3 =	sor.u32 $0x1C11, s3;
	s13 =	rddreg [dreg:$0xa];
	s7 =	sshrl.u32 s7, $0x3  }
0xeb: {  	[hbm:s13], [sflag:s3] =	dma.local [spmem:s7], $0x1400  }
0xec: {  	s13 =	simm.s32 $0x11  }
0xed: {  	_ =	swait.ge [sflag:s13], $0x1400  }
0xee: {  	s3 =	rddreg [dreg:$0xc]  }
0xef: {  	s14 =	rddreg [dreg:$0xb];
	s7 =	sadd.s32 $0x1, s3  }
0xf0: {  	p0 =	sne.s32 s7, s14  }
.Ltmp2:
0xf1: {  	_ = 	snop;
	(pc) =	sbr.rel @p0 .LBB2_1-.Ltmp2, $3  }
0xf2: {  	_ =	sdelay $0x1  }
0xf3: {  	[sflag:s13] =	ssyncset.done $0x0  }
0xf4: {  	[sflag:s13] =	ssyncadd.s32 $0xFFFFEC00  }
0xf5: {  	_ =	sfence.sel $0x180000  }
0xf6: {  	[bflag:$0x0] =	sbarrier.arrive $0xFFFF  }
0xf7: {  	_ =	strace $0x9000004D  }
0xf8: {  	s0 =	stileid.u32;
	[bflag:$0x2] =	sbarrier.arrive $0xFFFF  }
0xf9: {  	p0 =	sne.s32 s0, $0x0;
	s0 =	rddreg [dreg:$0x2]  }
0xfa: {  	s0 =	sadd.s32 @!p0 $0x100000, s0  }
0xfb: {  	[sflag:s0] =	ssyncadd.tile.s32 @!p0 $0x1;
	_ =	shalt  }
.Lfunc_end2:
_tile_overlayer_lowered:
.L_overlay_start_2:
0xfc: {  	(tag) =	ssettag $0x2  }
0xfd: {  	s0 =	rddreg [dreg:$0x0];
	s2 =	stileid.u32  }
0xfe: {  	s1 =	rddreg [dreg:$0x1];
	p0 =	sne.s32 s2, $0x0  }
0xff: {  	s3 =	rddreg [dreg:$0x2];
	[bflag:$0x3] =	sbarrier.arrive $0xFFFF;
	s2 =	simm.s32 @!p0 $0x1C11  }
0x100: {  	[timem:s3], [sflag:s2] =	dma.local @!p0 [hbm:s0], s1  }
0x101: {  	s0 =	simm.s32 @!p0 $0x11  }
0x102: {  	_ =	swait.ge @!p0 [sflag:s0], s1  }
0x103: {  	s1 =	ssub.s32 @!p0 $0x0, s1;
	[sflag:s0] =	ssyncset.done @!p0 $0x0  }
0x104: {  	[sflag:s0] =	ssyncadd.s32 @!p0 s1  }
0x105: {  	[bflag:$0x3] =	sbarrier.arrive $0xFFFF  }
0x106: {  	_ =	shalt  }

// kernel: kernel.8.cloned.1.call-start
scs
__scs_entry_jumppad:
0x0: {  	(pc) =	sbr.rel $0x88, $3  }
0x1: {  	(tag) =	ssettag $0x0;
	lr =	simm.s32 $0x1  }
0x2: {  	[smem:$0x3F98] =	sst lr;
	_ =	strace $0xD0000000  }
0x3: {  	_ = 	snop  }
0x4: {  	_ = 	snop  }
0x5: {  	_ = 	snop  }
0x6: {  	_ = 	snop  }
0x7: {  	_ = 	snop  }
__scs_overlays_trampoline_lowered:
0x8: {  	[smem:$0x3FA7] =	sst s0  }
0x9: {  	[smem:$0x3FA8] =	sst s1  }
0xa: {  	[smem:$0x3FA9] =	sst s2  }
0xb: {  	[smem:$0x3FAA] =	sst s3  }
0xc: {  	[smem:$0x3FAB] =	sst s4  }
0xd: {  	[smem:$0x3FAC] =	sst s5  }
0xe: {  	[smem:$0x3FAD] =	sst s6  }
0xf: {  	[smem:$0x3FAE] =	sst s7  }
0x10: {  	[smem:$0x3FAF] =	sst s8  }
0x11: {  	[smem:$0x3FB0] =	sst s9;
	s0 =	simm.s32 @!p0 $0x0  }
0x12: {  	s1 =	sld [smem:$0x3F96];
	s0 =	simm.s32 @p0 $0x1  }
0x13: {  	[smem:$0x3FB1] =	sst s0;
	s0 =	simm.s32 @!p1 $0x0  }
0x14: {  	s2 =	sld [smem:$0x3F95];
	s0 =	simm.s32 @p1 $0x1  }
0x15: {  	[smem:$0x3FB2] =	sst s0;
	s0 =	simm.s32 @!p2 $0x0  }
0x16: {  	s3 =	sld [smem:$0x3FDB];
	s0 =	simm.s32 @p2 $0x1  }
0x17: {  	s4 =	simm.s32 $0x1BF5;
	[smem:$0x3FB4] =	sst s0  }
0x18: {  	s0 =	sld [smem:$0x3F97];
	_ =	swait.ge [sflag:s4], $0x0  }
0x19: {  	s7 =	sld [smem:$0x3F98]  }
0x1a: {  	s8 =	sadd.s32 $0xFFFFE003, lr  }
0x1b: {  	s9 =	sadd.s32 $0xFFFFFEF7, lr;
	s5 =	simm.s32 $0xFFFFFFFF;
	p2 =	slt.u32 s8, $0xFFFFF086  }
0x1c: {  	p1 =	slt.u32 s9, $0xF7A;
	s5 =	simm.s32 @!p2 $0x0  }
0x1d: {  	s5 =	simm.s32 @p1 $0x1;
	p0 =	seq.s32 s7, s2  }
0x1e: {  	s7 =	smul.u32 @!p0 $0xF7A, s2;
	p2 =	seq.s32 @!p0 s5, $0x0  }
0x1f: {  	s9 =	smul.u32 $0xF7A, s1;
	s8 =	simm.s32 @!p0 $0x1BF5;
	p2 =	por !p2, p0  }
0x20: {  	[sflag:s8] =	ssyncset.s32 @!p0 $0xFFFFF086;
	s6 =	sadd.s32 @!p0 s3, s7;
	s7 =	simm.s32 @!p0 $0x108  }
0x21: {  	s3 =	sadd.s32 s3, s9;
	s6 =	sadd.s32 @!p0 $0x88, s6;
	s7 =	simm.s32 @p2 $0x1082  }
0x22: {  	[simem:s7], [sflag:s8] =	dma.local @!p0 [hbm:s6], $0xF7A  }
0x23: {  	s9 =	sor.u32 $0xD0000000, s2;
	s6 =	simm.s32 $0x108;
	_ =	swait.ge @!p0 [sflag:s8], $0x0  }
0x24: {  	s3 =	sadd.s32 $0x88, s3;
	s6 =	simm.s32 @!p1 $0x1082;
	[sflag:s4] =	ssyncset.s32 $0xFFFFF086  }
0x25: {  	[simem:s6], [sflag:s4] =	dma.local [hbm:s3], $0xF7A  }
0x26: {  	[smem:$0x3F98] =	sst s1;
	(tag) =	ssettag s2;
	_ =	strace s9  }
0x27: {  	s1 =	sld [smem:$0x3FA8]  }
0x28: {  	s2 =	sld [smem:$0x3FA9]  }
0x29: {  	s4 =	sld [smem:$0x3FAB]  }
0x2a: {  	p0 =	seq.s32 s5, $0x0;
	s5 =	sld [smem:$0x3FAC]  }
0x2b: {  	s6 =	sld [smem:$0x3FAD]  }
0x2c: {  	s7 =	sld [smem:$0x3FAE]  }
0x2d: {  	s3 =	simm.s32 $0x108;
	s8 =	sld [smem:$0x3FAF]  }
0x2e: {  	s3 =	simm.s32 @!p0 $0x1082;
	s9 =	sld [smem:$0x3FB0]  }
0x2f: {  	lr =	sadd.s32 s0, s3;
	s0 =	sld [smem:$0x3FA7]  }
0x30: {  	s3 =	sld [smem:$0x3FAA]  }
0x31: {  	[smem:$0x3FB3] =	sst s10  }
0x32: {  	s10 =	sld [smem:$0x3FB1];
	_ =	sdelay $0x3  }
0x33: {  	p0 =	seq.s32 s10, $0x1;
	s10 =	sld [smem:$0x3FB3];
	_ =	sdelay $0x3  }
0x34: {  	[smem:$0x3FB3] =	sst s10  }
0x35: {  	s10 =	sld [smem:$0x3FB2];
	_ =	sdelay $0x3  }
0x36: {  	p1 =	seq.s32 s10, $0x1;
	s10 =	sld [smem:$0x3FB3];
	_ =	sdelay $0x3  }
0x37: {  	[smem:$0x3FB3] =	sst s10  }
0x38: {  	s10 =	sld [smem:$0x3FB4]  }
0x39: {  	_ = 	snop;
	(pc) =	sbr.ind lr, $3  }
0x3a: {  	_ = 	snop  }
0x3b: {  	_ = 	snop  }
0x3c: {  	p2 =	seq.s32 s10, $0x1;
	s10 =	sld [smem:$0x3FB3]  }
0x3d: {  	_ =	shalt  }
0x3e: {  	_ =	shalt  }
0x3f: {  	_ =	shalt  }
0x40: {  	_ =	shalt  }
0x41: {  	_ =	shalt  }
0x42: {  	_ =	shalt  }
0x43: {  	_ =	shalt  }
0x44: {  	_ =	shalt  }
0x45: {  	_ =	shalt  }
0x46: {  	_ =	shalt  }
0x47: {  	_ =	shalt  }
0x48: {  	_ =	shalt  }
0x49: {  	_ =	shalt  }
0x4a: {  	_ =	shalt  }
0x4b: {  	_ =	shalt  }
0x4c: {  	_ =	shalt  }
0x4d: {  	_ =	shalt  }
0x4e: {  	_ =	shalt  }
0x4f: {  	_ =	shalt  }
0x50: {  	_ =	shalt  }
0x51: {  	_ =	shalt  }
0x52: {  	_ =	shalt  }
0x53: {  	_ =	shalt  }
0x54: {  	_ =	shalt  }
0x55: {  	_ =	shalt  }
0x56: {  	_ =	shalt  }
0x57: {  	_ =	shalt  }
0x58: {  	_ =	shalt  }
0x59: {  	_ =	shalt  }
0x5a: {  	_ =	shalt  }
0x5b: {  	_ =	shalt  }
0x5c: {  	_ =	shalt  }
0x5d: {  	_ =	shalt  }
0x5e: {  	_ =	shalt  }
0x5f: {  	_ =	shalt  }
0x60: {  	_ =	shalt  }
0x61: {  	_ =	shalt  }
0x62: {  	_ =	shalt  }
0x63: {  	_ =	shalt  }
0x64: {  	_ =	shalt  }
0x65: {  	_ =	shalt  }
0x66: {  	_ =	shalt  }
0x67: {  	_ =	shalt  }
0x68: {  	_ =	shalt  }
0x69: {  	_ =	shalt  }
0x6a: {  	_ =	shalt  }
0x6b: {  	_ =	shalt  }
0x6c: {  	_ =	shalt  }
0x6d: {  	_ =	shalt  }
0x6e: {  	_ =	shalt  }
0x6f: {  	_ =	shalt  }
0x70: {  	_ =	shalt  }
0x71: {  	_ =	shalt  }
0x72: {  	_ =	shalt  }
0x73: {  	_ =	shalt  }
0x74: {  	_ =	shalt  }
0x75: {  	_ =	shalt  }
0x76: {  	_ =	shalt  }
0x77: {  	_ =	shalt  }
0x78: {  	_ =	shalt  }
0x79: {  	_ =	shalt  }
0x7a: {  	_ =	shalt  }
0x7b: {  	_ =	shalt  }
0x7c: {  	_ =	shalt  }
0x7d: {  	_ =	shalt  }
0x7e: {  	_ =	shalt  }
0x7f: {  	_ =	shalt  }
0x80: {  	_ =	shalt  }
0x81: {  	_ =	shalt  }
0x82: {  	_ =	shalt  }
0x83: {  	_ =	shalt  }
0x84: {  	_ =	shalt  }
0x85: {  	_ =	shalt  }
0x86: {  	_ =	shalt  }
0x87: {  	_ =	shalt  }
.Lfunc_end0:
.L_simem_size_0:
called_computation_lowered:
.L_overlay_start_0:
0x88: {  	s2 =	sld [smem:$0x3FD9]  }
0x89: {  	s3 =	sld [smem:$0x3FFE];
	_ =	sdelay $0x1  }
0x8a: {  	s1 =	srdreg.scid  }
0x8b: {  	s0 =	sand.u32 $0x1, s1  }
0x8c: {  	s16 =	sshll.u32 s0, $0xA;
	s2 =	sadd.s32 s3, s2  }
0x8d: {  	s2 =	sadd.s32 s2, s16  }
0x8e: {  	[smem:$0x3FBF] =	sst s2  }
0x8f: {  	_ = 	snop  }
0x90: {  	(tm) =	ssettm $0x1  }
0x91: {  	s17 =	sld [smem:$0x3FFB];
	_ =	sdelay $0x3  }
0x92: {  	_ =	strace s17  }
0x93: {  	s2 =	sld [smem:$0x3FFC];
	_ =	sdelay $0x3  }
0x94: {  	_ =	strace s2  }
0x95: {  	s2 =	sld [smem:$0x3FFD];
	_ =	sdelay $0x3  }
0x96: {  	_ =	strace s2  }
0x97: {  	_ =	strace $0x8FFFFFFF  }
0x98: {  	s18 =	sld [smem:$0x3FDB];
	_ =	sdelay $0x1  }
0x99: {  	s19 =	simm.s32 $_scs_section_size  }
0x9a: {  	s4 =	simm.s32 $_size__tile_overlayer_lowered;
	s5 =	simm.s32 $_tile_overlayer_lowered  }
0x9b: {  	s22 =	simm.s32 $0x1BFF;
	s21 =	sshll.u32 s5, $0x1;
	s2 =	sadd.s32 s19, s18  }
0x9c: {  	s6 =	simm.s32 $0x0;
	s20 =	sshll.u32 s4, $0x1;
	s4 =	sadd.s32 s21, s2  }
0x9d: {  	[timem:s6], [sflag:s22] =	dma.local [hbm:s4], s20  }
0x9e: {  	_ =	swait.ge [sflag:s22], s20  }
0x9f: {  	s3 =	ssub.s32 $0x0, s20;
	[sflag:s22] =	ssyncset.done $0x0  }
0xa0: {  	[sflag:s22] =	ssyncadd.s32 s3;
	_ =	sdelay $0x1  }
0xa1: {  	s23 =	simm.s32 $0x1B8B  }
0xa2: {  	_ =	swait.ge [sflag:s23], $0x1  }
0xa3: {  	[sflag:s23] =	ssyncset.done $0x0  }
0xa4: {  	s25 =	simm.s32 $0x1B8E;
	s24 =	sld [smem:$0x3FFE];
	[sflag:s23] =	ssyncadd.s32 $0xFFFFFFFF  }
0xa5: {  	s26 =	simm.s32 $execute0_lowered;
	[smem:$0x3FD2] =	sst s25  }
0xa6: {  	s4 =	sshll.u32 s26, $0x1;
	_ =	strace $0x80000046;
	[dreg:$0x1] =	wrdreg $0xFFFFFFFF  }
0xa7: {  	s28 =	simm.s32 $_size_execute0_lowered;
	s2 =	sadd.s32 s2, s4;
	[dreg:$0x0] =	wrdreg $0x0  }
0xa8: {  	s4 =	sshll.u32 s28, $0x1;
	[dreg:$0x2] =	wrdreg s2  }
0xa9: {  	[dreg:$0x3] =	wrdreg s4  }
0xaa: {  	[dreg:$0x4] =	wrdreg $0xC0  }
0xab: {  	_ =	task [dreg:s6], $0x5FFFF  }
0xac: {  	[dreg:$0x1] =	wrdreg $0xFFFFFFFF  }
0xad: {  	[dreg:$0x0] =	wrdreg $0x60  }
0xae: {  	[dreg:$0x2] =	wrdreg s24  }
0xaf: {  	[dreg:$0x3] =	wrdreg $0x9  }
0xb0: {  	_ =	task.clear_ibuf [dreg:s6], $0x4FFFF;
	_ =	strace $0x90000046  }
0xb1: {  	s29 =	simm.s32 $0x9;
	_ =	strace $0x80000048  }
0xb2: {  	_ =	swait.ge [sflag:s29], $0x1  }
0xb3: {  	[sflag:s29] =	ssyncadd.s32 $0xFFFFFFFF  }
0xb4: {  	_ =	strace $0x90000048  }
0xb5: {  	_ =	sfence  }
0xb6: {  	s30 =	sld [smem:$0x0];
	_ =	sdelay $0x2  }
0xb7: {  	s31 =	sshll.u32 s1, $0xD;
	s1 =	sshrl.u32 s1, $0x2  }
0xb8: {  	s3 =	sand.u32 $0x4000, s31;
	s1 =	sadd.s32 s1, s30  }
0xb9: {  	s0 =	sor.u32 s3, s0;
	s1 =	sshll.u32 s1, $0x11  }
0xba: {  	s0 =	sor.u32 s1, s0  }
0xbb: {  	s0 =	sadd.s32 $0x8F2B, s0  }
0xbc: {  	[sflag:s0] =	ssyncadd.remote.s32 $0x1  }
0xbd: {  	_ =	sfence.sel $0xFFFF  }
0xbe: {  	[dreg:$0x0] =	wrdreg $0xFFFFFFFF;
	(pc) =	sbr.abs _section_cstart, $3  }
0xbf: {  	[dreg:$0x1] =	wrdreg $0xFFFFFFFF  }
0xc0: {  	_ =	task.clear_ibuf [dreg:s6], $0x2FFFF;
	_ =	strace $0x9FFFFFFF  }
0xc1: {  	(tm) =	ssettm $0x7FFFFFFF  }
tec
execute0_lowered:
.L_overlay_start_1:
0x0: {  	(tag) =	ssettag $0x1  }
0x1: {  	s0 =	srdreg.scid  }
0x2: {  	s5 =	rddreg [dreg:$0x0];
	s3 =	sand.u32 $0x1, s0  }
0x3: {  	s2 =	simm.s32 $0x0;
	s0 =	stileid.u32;
	s1 =	sshll.u32 s3, $0x4  }
0x4: {  	s8 =	simm.s32 $0x80;
	s9 =	simm.s32 $0x400;
	s4 =	sor.u32 s0, s1  }
0x5: {  	[smem:$0x7FF] =	sst s2;
	s6 =	sshrl.u32 s4, $0x3;
	s4 =	smul.u32 $0x2800, s4  }
0x6: {  	s7 =	sshll.u32 s0, $0x7;
	s3 =	ssub.s32 $0x2, s3;
	s6 =	smul.u32 $0x14000, s6  }
0x7: {  	s1 =	rddreg [dreg:$0x1];
	_ =	strace $0x80000047;
	s7 =	sand.u32 $0x380, s7  }
0x8: {  	s30 =	sshrl.u32 s3, $0x1;
	s4 =	sshrl.u32 s4, $0x3;
	s6 =	sor.u32 s7, s6  }
0x9: {  	s31 =	ssub.s32 s3, s30;
	s4 =	sadd.s32 s5, s4;
	s6 =	sshrl.u32 s6, $0x3  }
0xa: {  	s7 =	simm.s32 $0x2800;
	s3 =	sadd.s32 $0xC600, s4;
	s5 =	sadd.s32 s6, s5  }
0xb: {  	v0 =	vimm.f32 $0.0e+00;
	v1 =	vimm.f32 $1.000000000e+00;
	s6 =	simm.s32 $0x1;
	s4 =	sadd.s32 $0x16600, s5;
	s5 =	smax.u32 s31, $0x1  }
.LBB2_1:
0xc: {  	s10 =	simm.s32 $0x40;
	s11 =	simm.s32 $0x0  }
.LBB2_2:
0xd: {  	p0 =	sne.s32 s10, $0x9FC0;
	[tilespmem:s11+$0x2800] =	vst v0;
	s11 =	smov.u32 s10;
	s10 =	sadd.s32 $0x40, s10  }
.Ltmp0:
0xe: {  	(pc) =	sbr.rel @p0 .LBB2_2-.Ltmp0, $2  }
0xf: {  	_ =	sdelay $0x2  }
0x10: {  	s11 =	sshra.s32 s11, $0x2  }
0x11: {  	[tilespmem:s11+$0x2800] =	vst v0;
	s10 =	simm.s32 $0x0  }
0x12: {  	[tilespmem:s10], [sflag:$0x1] =	stream.linear.gather [hbm4b:s3+s10], $0x2800, $0x38;
	[tilespmem:$0x5000] =	vst v63  }
0x13: {  	s31 =	sand.u32 $0xFE00, s10;
	_ =	swait.ge [sflag:s6], $0x2800  }
0x14: {  	s10 =	sand.u32 $0x70, s10;
	s11 =	sshrl.u32 s31, $0x2;
	[sflag:s6] =	ssyncset.done $0x0  }
0x15: {  	s10 =	sor.u32 s10, s11;
	[sflag:s6] =	ssyncadd.s32 $0xFFFFD800  }
0x16: {  	v2 =	vld [tilespmem:s10+$0x0];
	_ =	sdelay $0x4  }
0x17: {  	s12 =	simm.s32 $0x40  }
0x18: {  	s12 =	sand.u32 $0xFE00, s12;
	s11 =	simm.s32 $0x80;
	s10 =	simm.s32 $0x10  }
.LBB2_4:
0x19: {  	p0 =	sne.s32 s11, $0x9FC0;
	s13 =	sand.u32 $0x70, s10;
	s12 =	sshrl.u32 s12, $0x2  }
0x1a: {  	s12 =	sor.u32 s13, s12;
	[tilespmem:v2+s7+$0x0] =	vst.idx.add.f32.msk $0xffff, v1  }
0x1b: {  	v2 =	vld [tilespmem:s12+$0x0];
	_ =	sdelay $0x1  }
.Ltmp1:
0x1c: {  	(pc) =	sbr.rel @p0 .LBB2_4-.Ltmp1, $2  }
0x1d: {  	_ =	sdelay $0x2  }
0x1e: {  	s10 =	sadd.s32 $0x10, s10;
	s12 =	sand.u32 $0xFE00, s11;
	s11 =	sadd.s32 $0x40, s11  }
0x1f: {  	_ =	sdelay $0x2  }
0x20: {  	s10 =	sand.u32 $0x70, s10;
	s11 =	sshrl.u32 s12, $0x2  }
0x21: {  	[tilespmem:v2+s7+$0x0] =	vst.idx.add.f32.msk $0xffff, v1;
	s10 =	sor.u32 s10, s11  }
0x22: {  	v2 =	vld [tilespmem:s10+$0x0];
	_ =	sdelay $0x5  }
0x23: {  	s2 =	sadd.s32 $0x1, s2  }
0x24: {  	p0 =	sne.s32 s2, s5  }
.Ltmp2:
0x25: {  	[tilespmem:v2+s7+$0x0] =	vst.idx.add.f32.msk $0xffff, v1;
	(pc) =	sbr.rel @p0 .LBB2_1-.Ltmp2, $4  }
0x26: {  	[hbm4b:s4+s8] =	stream.strided.scatter [tilespmem:s7], [sflag:$0x1], $0x2800, s9, s8, $0x38;
	[tilespmem:$0x5000] =	vst v63  }
0x27: {  	_ =	swait.ge [sflag:s6], $0x2800  }
0x28: {  	[sflag:s6] =	ssyncset.done $0x0  }
0x29: {  	[sflag:s6] =	ssyncadd.s32 $0xFFFFD800  }
0x2a: {  	_ =	sfence.sel $0x180000  }
0x2b: {  	[bflag:$0x0] =	sbarrier.arrive $0xFFFF  }
0x2c: {  	p0 =	sne.s32 s0, $0x0;
	_ =	strace $0x90000047  }
0x2d: {  	s0 =	sadd.s32 @!p0 $0x100000, s1;
	[bflag:$0x2] =	sbarrier.arrive $0xFFFF  }
0x2e: {  	[sflag:s0] =	ssyncadd.tile.s32 @!p0 $0x1;
	_ =	shalt  }
.Lfunc_end2:
_tile_overlayer_lowered:
.L_overlay_start_2:
0x2f: {  	(tag) =	ssettag $0x2  }
0x30: {  	s0 =	rddreg [dreg:$0x0];
	s2 =	stileid.u32  }
0x31: {  	s1 =	rddreg [dreg:$0x1];
	p0 =	sne.s32 s2, $0x0  }
0x32: {  	s3 =	rddreg [dreg:$0x2];
	[bflag:$0x3] =	sbarrier.arrive $0xFFFF;
	s2 =	simm.s32 @!p0 $0x1C01  }
0x33: {  	[timem:s3], [sflag:s2] =	dma.local @!p0 [hbm:s0], s1  }
0x34: {  	s0 =	simm.s32 @!p0 $0x1  }
0x35: {  	_ =	swait.ge @!p0 [sflag:s0], s1  }
0x36: {  	s1 =	ssub.s32 @!p0 $0x0, s1;
	[sflag:s0] =	ssyncset.done @!p0 $0x0  }
0x37: {  	[sflag:s0] =	ssyncadd.s32 @!p0 s1  }
0x38: {  	[bflag:$0x3] =	sbarrier.arrive $0xFFFF  }
0x39: {  	_ =	shalt  }

</sc_bundles>
